<compile_context>
chip_gen: v7x
topology: tpu7x:2x2x1
jax: 0.10.2.dev20260603
libtpu: 0.0.44.dev20260713+nightly
codegen_flags: <defaults>
</compile_context>

<pallas_src>
import jax
import jax.numpy as jnp
from jax import lax
from jax.experimental import pallas as pl
from jax.experimental.pallas import tpu as pltpu
from jax.experimental.pallas import tpu_sc as plsc

_N = 10000
_D = 128
_H = 64
_E = 320000
_ITERS = 4

_NC = 2
_NS = 16
_NW = _NC * _NS
_CH = 128
_CA = 104
_CB = 54
_CMAX = max(_CA, _CB)
_E_PAD = _NS * (_CA + _CB) * _CH
_NPAD = 10112
_RPT = _NPAD // _NS


def _sc_agg_body(m_hbm, src_hbm, dst_hbm, out0_hbm, out1_hbm,
                 idx_s, idx_d, rows0, rows1, zblk, acc, g0, g1):
    c = lax.axis_index("c")
    s = lax.axis_index("s")
    wid = s * _NC + c
    row0 = s * _RPT
    nch = jnp.where(c == 0, _CA, _CB)

    pltpu.sync_copy(src_hbm.at[wid], idx_s)
    pltpu.sync_copy(dst_hbm.at[wid], idx_d)

    pltpu.async_copy(m_hbm.at[idx_s.at[0]], rows0, g0)

    zv = jnp.zeros((16,), jnp.float32)

    def _zero_row(i, carry):
        for j in range(_H // 16):
            zblk[i, pl.ds(j * 16, 16)] = zv
        return carry

    lax.fori_loop(0, _RPT, _zero_row, 0)
    pltpu.sync_copy(zblk, acc.at[pl.ds(row0, _RPT)])
    plsc.subcore_barrier()


    def _pair(p, carry):
        j0 = 2 * p
        j1 = j0 + 1
        pltpu.async_copy(m_hbm.at[idx_s.at[j1]], rows1, g1)
        pltpu.make_async_copy(m_hbm.at[idx_s.at[j0]], rows0, g0).wait()
        pltpu.sync_copy(rows0, acc.at[idx_d.at[j0]], add=True)

        @pl.when(j1 + 1 < nch)
        def _():
            pltpu.async_copy(m_hbm.at[idx_s.at[j1 + 1]], rows0, g0)

        pltpu.make_async_copy(m_hbm.at[idx_s.at[j1]], rows1, g1).wait()
        pltpu.sync_copy(rows1, acc.at[idx_d.at[j1]], add=True)
        return carry

    lax.fori_loop(0, nch // 2, _pair, 0)
    plsc.subcore_barrier()

    pltpu.sync_copy(acc.at[pl.ds(row0, _RPT)], zblk)

    @pl.when(c == 0)
    def _():
        pltpu.sync_copy(zblk, out0_hbm.at[pl.ds(row0, _RPT)])

    @pl.when(c == 1)
    def _():
        pltpu.sync_copy(zblk, out1_hbm.at[pl.ds(row0, _RPT)])


_sc_agg_cache = []


def _sc_agg(m, srcp, dstp):
    if not _sc_agg_cache:
        _sc_agg_cache.append(pl.kernel(
            _sc_agg_body,
            out_type=(jax.ShapeDtypeStruct((_NPAD, _H), jnp.float32),
                      jax.ShapeDtypeStruct((_NPAD, _H), jnp.float32)),
            mesh=plsc.VectorSubcoreMesh(core_axis_name="c",
                                        subcore_axis_name="s"),
            scratch_types=[
                pltpu.VMEM((_CMAX, _CH), jnp.int32),
                pltpu.VMEM((_CMAX, _CH), jnp.int32),
                pltpu.VMEM((_CH, _H), jnp.float32),
                pltpu.VMEM((_CH, _H), jnp.float32),
                pltpu.VMEM((_RPT, _H), jnp.float32),
                pltpu.VMEM_SHARED((_NPAD, _H), jnp.float32),
                pltpu.SemaphoreType.DMA,
                pltpu.SemaphoreType.DMA,
            ],
            compiler_params=pltpu.CompilerParams(use_tc_tiling_on_sc=False),
        ))
    return _sc_agg_cache[0](m, srcp, dstp)


def _enc_body(x_ref, wi_ref, bi_ref, wm_ref, bm_ref, h_ref, m_ref):
    h = jnp.maximum(
        jnp.dot(x_ref[...], wi_ref[...], preferred_element_type=jnp.float32)
        + bi_ref[...], 0.0)
    h_ref[...] = h
    m_ref[...] = jnp.maximum(
        jnp.dot(h, wm_ref[...], preferred_element_type=jnp.float32)
        + bm_ref[...], 0.0)


def _upd_body(h_ref, a0_ref, a1_ref, wt_ref, wb_ref, bu_ref, wm_ref, bm_ref,
              h_out, m_out):
    agg = a0_ref[...] + a1_ref[...]
    hn = jnp.maximum(
        jnp.dot(h_ref[...], wt_ref[...], preferred_element_type=jnp.float32)
        + jnp.dot(agg, wb_ref[...], preferred_element_type=jnp.float32)
        + bu_ref[...], 0.0)
    h_out[...] = hn
    m_out[...] = jnp.maximum(
        jnp.dot(hn, wm_ref[...], preferred_element_type=jnp.float32)
        + bm_ref[...], 0.0)


def _fin_body(h_ref, a0_ref, a1_ref, wt_ref, wb_ref, bu_ref, wo_ref, bo_ref,
              out_ref):
    agg = a0_ref[...] + a1_ref[...]
    hn = jnp.maximum(
        jnp.dot(h_ref[...], wt_ref[...], preferred_element_type=jnp.float32)
        + jnp.dot(agg, wb_ref[...], preferred_element_type=jnp.float32)
        + bu_ref[...], 0.0)
    out_ref[...] = (
        jnp.dot(hn, wo_ref[...], preferred_element_type=jnp.float32)
        + bo_ref[...])


def _hm_shapes():
    return (jax.ShapeDtypeStruct((_NPAD, _H), jnp.float32),
            jax.ShapeDtypeStruct((_NPAD, _H), jnp.float32))


def kernel(x, edge_index, W_in, b_in, W_msg, b_msg, W_upd, b_upd, W_out, b_out):
    f32 = jnp.float32
    xp = jnp.zeros((_NPAD, _D), f32).at[:_N, :].set(x)
    src = edge_index[0]
    dst = edge_index[1]
    dummy_dst = _N + jnp.arange(_E_PAD - _E, dtype=jnp.int32) % (_NPAD - _N)
    src_flat = jnp.concatenate([src, jnp.zeros((_E_PAD - _E,), jnp.int32)])
    dst_flat = jnp.concatenate([dst, dummy_dst])

    def _partition(flat):
        parts = []
        off = 0
        for w in range(_NW):
            cnt = _CA if (w % _NC) == 0 else _CB
            blk = flat[off:off + cnt * _CH].reshape(cnt, _CH)
            parts.append(jnp.pad(blk, ((0, _CMAX - cnt), (0, 0))))
            off += cnt * _CH
        return jnp.stack(parts)

    srcp = _partition(src_flat)
    dstp = _partition(dst_flat)
    bi = b_in.reshape(1, _H)
    bm = b_msg.reshape(1, _H)
    bu = b_upd.reshape(1, _H)
    bo = b_out.reshape(1, _H)
    wt = W_upd[:_H]
    wb = W_upd[_H:]

    h, m = pl.pallas_call(_enc_body, out_shape=_hm_shapes())(
        xp, W_in, bi, W_msg, bm)
    out = None
    for it in range(_ITERS):
        a0, a1 = _sc_agg(m, srcp, dstp)
        if it < _ITERS - 1:
            h, m = pl.pallas_call(_upd_body, out_shape=_hm_shapes())(
                h, a0, a1, wt, wb, bu, W_msg, bm)
        else:
            out = pl.pallas_call(
                _fin_body,
                out_shape=jax.ShapeDtypeStruct((_NPAD, _H), f32))(
                    h, a0, a1, wt, wb, bu, W_out, bo)
    return out[:_N]

# --- scband reference (transcript-rebuilt; emitter-appended) ---
"""Pipeline reference for scband-telecomm-gnn-80865644249413 (READ-ONLY COPY).

The authoritative reference and input builder live on the scoring server;
editing this copy changes nothing except your own understanding.
"""

import jax, jax.numpy as jnp
import numpy as np

ITER_NUM = 4
NEURON = 64
N = 10000
E = 320000
D = 128


def setup_inputs(seed: int = 0) -> dict:
    key = jax.random.key(seed)
    ks = jax.random.split(key, 10)
    x = jax.random.normal(ks[0], (N, D), dtype=jnp.float32)
    edge_index = jax.random.randint(ks[1], (2, E), 0, N, dtype=jnp.int32)
    W_in = jax.random.normal(ks[2], (D, NEURON), dtype=jnp.float32) * 0.05
    b_in = jnp.zeros((NEURON,), dtype=jnp.float32)
    W_msg = jax.random.normal(ks[3], (NEURON, NEURON), dtype=jnp.float32) * 0.05
    b_msg = jnp.zeros((NEURON,), dtype=jnp.float32)
    W_upd = jax.random.normal(ks[4], (2 * NEURON, NEURON), dtype=jnp.float32) * 0.05
    b_upd = jnp.zeros((NEURON,), dtype=jnp.float32)
    W_out = jax.random.normal(ks[5], (NEURON, NEURON), dtype=jnp.float32) * 0.05
    b_out = jnp.zeros((NEURON,), dtype=jnp.float32)
    return {
        "x": x,
        "edge_index": edge_index,
        "W_in": W_in,
        "b_in": b_in,
        "W_msg": W_msg,
        "b_msg": b_msg,
        "W_upd": W_upd,
        "b_upd": b_upd,
        "W_out": W_out,
        "b_out": b_out,
    }


def reference(x, edge_index, W_in, b_in, W_msg, b_msg, W_upd, b_upd, W_out, b_out):
    src = edge_index[0]
    dst = edge_index[1]
    # node encoder
    h = jax.nn.relu(x @ W_in + b_in)  # [N, H]
    # iterative message passing (iter_num rounds)
    for _ in range(ITER_NUM):
        msg = jax.nn.relu(jnp.take(h, src, axis=0) @ W_msg + b_msg)  # gather + transform [E, H]
        agg = jax.ops.segment_sum(msg, dst, num_segments=N)  # scatter-add [N, H]
        h = jax.nn.relu(jnp.concatenate([h, agg], axis=1) @ W_upd + b_upd)  # update [N, H]
    # readout
    return h @ W_out + b_out  # [N, H]

if __name__ == "__main__":
    import jax
    _d = setup_inputs()
    print(jax.jit(kernel)(*tuple(_d.values())))

</pallas_src>

<mosaic_0001>
#map = affine_map<(d0, d1) -> (0, 0)>
#map1 = affine_map<(d0, d1) -> (0, 0, 0)>
module attributes {stable_mosaic.version = 14 : i64} {
  func.func @_sc_agg_body(%arg0: i32, %arg1: i32, %arg2: memref<10112x64xf32, #tpu.memory_space<hbm>>, %arg3: memref<32x104x128xi32, #tpu.memory_space<hbm>>, %arg4: memref<32x104x128xi32, #tpu.memory_space<hbm>>, %arg5: memref<10112x64xf32, #tpu.memory_space<hbm>>, %arg6: memref<10112x64xf32, #tpu.memory_space<hbm>>, %arg7: memref<104x128xi32, #tpu.memory_space<vmem>>, %arg8: memref<104x128xi32, #tpu.memory_space<vmem>>, %arg9: memref<128x64xf32, #tpu.memory_space<vmem>>, %arg10: memref<128x64xf32, #tpu.memory_space<vmem>>, %arg11: memref<632x64xf32, #tpu.memory_space<vmem>>, %arg12: memref<10112x64xf32, #tpu.memory_space<vmem_shared>>, %arg13: memref<!tpu.dma_semaphore, #tpu.memory_space<semaphore_mem>>, %arg14: memref<!tpu.dma_semaphore, #tpu.memory_space<semaphore_mem>>) attributes {dimension_semantics = [#tpu.dimension_semantics<core_parallel>, #tpu.dimension_semantics<subcore_parallel>], iteration_bounds = array<i64: 2, 16>, scalar_prefetch = 0 : i64, scratch_operands = 8 : i64, tpu.core_type = #tpu.core_type<sc_vector_subcore>, window_params = [{transform_indices = #map}, {transform_indices = #map1}, {transform_indices = #map1}, {transform_indices = #map}, {transform_indices = #map}]} {
    %mul3A = arith.constant 2 : i32
    %mul3A_0 = arith.muli %arg1, %mul3A : i32
    %add3A = arith.addi %mul3A_0, %arg0 : i32
    %mul3A_1 = arith.constant 632 : i32
    %mul3A_2 = arith.muli %arg1, %mul3A_1 : i32
    %eq3A = arith.constant 0 : i32
    %eq3A_3 = arith.cmpi eq, %arg0, %eq3A : i32
    %jit3A = arith.constant 104 : i32
    %jit3A_4 = arith.constant 54 : i32
    %select_n3A = arith.select %eq3A_3, %jit3A, %jit3A_4 : i32
    "tpu.region"() ({
      %run_scoped3A = tpu.sem_alloc : memref<!tpu.dma_semaphore, #tpu.memory_space<semaphore_mem>>
      %dma_start3A_53 = arith.constant 0 : i32
      %dma_start3A_54 = arith.constant 0 : i32
      %dma_start3A_55 = tpu.memref_slice %arg3[%add3A, %dma_start3A_53, %dma_start3A_54] : memref<32x104x128xi32, #tpu.memory_space<hbm>> -> memref<1x104x128xi32, #tpu.memory_space<hbm>>
      %dma_start3A_56 = tpu.memref_squeeze %dma_start3A_55 : memref<1x104x128xi32, #tpu.memory_space<hbm>> -> memref<104x128xi32, #tpu.memory_space<hbm>>
      %dma_start3A_57 = arith.constant 0 : i32
      %dma_start3A_58 = arith.constant 0 : i32
      %dma_start3A_59 = tpu.memref_slice %arg3[%add3A, %dma_start3A_57, %dma_start3A_58] : memref<32x104x128xi32, #tpu.memory_space<hbm>> -> memref<1x104x128xi32, #tpu.memory_space<hbm>>
      %dma_start3A_60 = tpu.memref_squeeze %dma_start3A_59 : memref<1x104x128xi32, #tpu.memory_space<hbm>> -> memref<104x128xi32, #tpu.memory_space<hbm>>
      tpu.enqueue_dma source(%dma_start3A_60 : memref<104x128xi32, #tpu.memory_space<hbm>>) target(%arg7 : memref<104x128xi32, #tpu.memory_space<vmem>>) target_semaphore(%run_scoped3A : memref<!tpu.dma_semaphore, #tpu.memory_space<semaphore_mem>>)
      %dma_wait3A = arith.constant 0 : i32
      %dma_wait3A_61 = arith.constant 0 : i32
      %dma_wait3A_62 = tpu.memref_slice %arg3[%add3A, %dma_wait3A, %dma_wait3A_61] : memref<32x104x128xi32, #tpu.memory_space<hbm>> -> memref<1x104x128xi32, #tpu.memory_space<hbm>>
      %dma_wait3A_63 = tpu.memref_squeeze %dma_wait3A_62 : memref<1x104x128xi32, #tpu.memory_space<hbm>> -> memref<104x128xi32, #tpu.memory_space<hbm>>
      %dma_wait3A_64 = arith.constant 0 : i32
      %dma_wait3A_65 = arith.constant 0 : i32
      %dma_wait3A_66 = tpu.memref_slice %arg3[%add3A, %dma_wait3A_64, %dma_wait3A_65] : memref<32x104x128xi32, #tpu.memory_space<hbm>> -> memref<1x104x128xi32, #tpu.memory_space<hbm>>
      %dma_wait3A_67 = tpu.memref_squeeze %dma_wait3A_66 : memref<1x104x128xi32, #tpu.memory_space<hbm>> -> memref<104x128xi32, #tpu.memory_space<hbm>>
      tpu.wait_dma2 semaphore(%run_scoped3A : memref<!tpu.dma_semaphore, #tpu.memory_space<semaphore_mem>>) src(%dma_wait3A_67 : memref<104x128xi32, #tpu.memory_space<hbm>>) dst(%arg7 : memref<104x128xi32, #tpu.memory_space<vmem>>)
      tpu.yield
    }) : () -> ()
    "tpu.region"() ({
      %run_scoped3A = tpu.sem_alloc : memref<!tpu.dma_semaphore, #tpu.memory_space<semaphore_mem>>
      %dma_start3A_53 = arith.constant 0 : i32
      %dma_start3A_54 = arith.constant 0 : i32
      %dma_start3A_55 = tpu.memref_slice %arg4[%add3A, %dma_start3A_53, %dma_start3A_54] : memref<32x104x128xi32, #tpu.memory_space<hbm>> -> memref<1x104x128xi32, #tpu.memory_space<hbm>>
      %dma_start3A_56 = tpu.memref_squeeze %dma_start3A_55 : memref<1x104x128xi32, #tpu.memory_space<hbm>> -> memref<104x128xi32, #tpu.memory_space<hbm>>
      %dma_start3A_57 = arith.constant 0 : i32
      %dma_start3A_58 = arith.constant 0 : i32
      %dma_start3A_59 = tpu.memref_slice %arg4[%add3A, %dma_start3A_57, %dma_start3A_58] : memref<32x104x128xi32, #tpu.memory_space<hbm>> -> memref<1x104x128xi32, #tpu.memory_space<hbm>>
      %dma_start3A_60 = tpu.memref_squeeze %dma_start3A_59 : memref<1x104x128xi32, #tpu.memory_space<hbm>> -> memref<104x128xi32, #tpu.memory_space<hbm>>
      tpu.enqueue_dma source(%dma_start3A_60 : memref<104x128xi32, #tpu.memory_space<hbm>>) target(%arg8 : memref<104x128xi32, #tpu.memory_space<vmem>>) target_semaphore(%run_scoped3A : memref<!tpu.dma_semaphore, #tpu.memory_space<semaphore_mem>>)
      %dma_wait3A = arith.constant 0 : i32
      %dma_wait3A_61 = arith.constant 0 : i32
      %dma_wait3A_62 = tpu.memref_slice %arg4[%add3A, %dma_wait3A, %dma_wait3A_61] : memref<32x104x128xi32, #tpu.memory_space<hbm>> -> memref<1x104x128xi32, #tpu.memory_space<hbm>>
      %dma_wait3A_63 = tpu.memref_squeeze %dma_wait3A_62 : memref<1x104x128xi32, #tpu.memory_space<hbm>> -> memref<104x128xi32, #tpu.memory_space<hbm>>
      %dma_wait3A_64 = arith.constant 0 : i32
      %dma_wait3A_65 = arith.constant 0 : i32
      %dma_wait3A_66 = tpu.memref_slice %arg4[%add3A, %dma_wait3A_64, %dma_wait3A_65] : memref<32x104x128xi32, #tpu.memory_space<hbm>> -> memref<1x104x128xi32, #tpu.memory_space<hbm>>
      %dma_wait3A_67 = tpu.memref_squeeze %dma_wait3A_66 : memref<1x104x128xi32, #tpu.memory_space<hbm>> -> memref<104x128xi32, #tpu.memory_space<hbm>>
      tpu.wait_dma2 semaphore(%run_scoped3A : memref<!tpu.dma_semaphore, #tpu.memory_space<semaphore_mem>>) src(%dma_wait3A_67 : memref<104x128xi32, #tpu.memory_space<hbm>>) dst(%arg8 : memref<104x128xi32, #tpu.memory_space<vmem>>)
      tpu.yield
    }) : () -> ()
    %dma_start3A = arith.constant 0 : i32
    %dma_start3A_5 = arith.constant 0 : i32
    %dma_start3A_6 = tpu.memref_slice %arg7[%dma_start3A, %dma_start3A_5] : memref<104x128xi32, #tpu.memory_space<vmem>> -> memref<1x128xi32, #tpu.memory_space<vmem>>
    %dma_start3A_7 = tpu.memref_squeeze %dma_start3A_6 : memref<1x128xi32, #tpu.memory_space<vmem>> -> memref<128xi32, #tpu.memory_space<vmem>>
    %dma_start3A_8 = arith.constant 0 : i32
    %dma_start3A_9 = arith.constant 0 : i32
    %dma_start3A_10 = tpu.memref_slice %arg2[%dma_start3A_8, %dma_start3A_9] : memref<10112x64xf32, #tpu.memory_space<hbm>> -> memref<10112x64xf32, #tpu.memory_space<hbm>>
    tpu.enqueue_indirect_dma source(%dma_start3A_10 : memref<10112x64xf32, #tpu.memory_space<hbm>>) target(%arg9 : memref<128x64xf32, #tpu.memory_space<vmem>>) offsets(%dma_start3A_7 : memref<128xi32, #tpu.memory_space<vmem>>) semaphore(%arg13 : memref<!tpu.dma_semaphore, #tpu.memory_space<semaphore_mem>>)
    %broadcast_in_dim3A = arith.constant 0.000000e+00 : f32
    %broadcast_in_dim3A_11 = vector.broadcast %broadcast_in_dim3A : f32 to vector<16xf32>
    %scan3A = arith.constant 0 : i32
    %scan3A_12 = arith.constant 0 : i32
    %scan3A_13 = arith.constant 632 : i32
    %scan3A_14 = arith.addi %scan3A_12, %scan3A_13 : i32
    %scan3A_15 = arith.constant 1 : i32
    scf.for %scan3A_53 = %scan3A_12 to %scan3A_14 step %scan3A_15  : i32 {
      %swap3A = arith.index_cast %scan3A_53 : i32 to index
      %swap3A_54 = arith.constant 0 : index
      %swap3A_55 = tpu.vector_load %arg11[%swap3A, %swap3A_54] {strides = array<i32>} : memref<632x64xf32, #tpu.memory_space<vmem>>, vector<1x16xf32>,
      %swap3A_56 = vector.shape_cast %swap3A_55 : vector<1x16xf32> to vector<16xf32>
      %swap3A_57 = vector.shape_cast %broadcast_in_dim3A_11 : vector<16xf32> to vector<1x16xf32>
      tpu.vector_store %arg11[%swap3A, %swap3A_54], %swap3A_57 {strides = array<i32>} : memref<632x64xf32, #tpu.memory_space<vmem>>, vector<1x16xf32>,
      %swap3A_58 = arith.index_cast %scan3A_53 : i32 to index
      %swap3A_59 = arith.constant 16 : index
      %swap3A_60 = tpu.vector_load %arg11[%swap3A_58, %swap3A_59] {strides = array<i32>} : memref<632x64xf32, #tpu.memory_space<vmem>>, vector<1x16xf32>,
      %swap3A_61 = vector.shape_cast %swap3A_60 : vector<1x16xf32> to vector<16xf32>
      %swap3A_62 = vector.shape_cast %broadcast_in_dim3A_11 : vector<16xf32> to vector<1x16xf32>
      tpu.vector_store %arg11[%swap3A_58, %swap3A_59], %swap3A_62 {strides = array<i32>} : memref<632x64xf32, #tpu.memory_space<vmem>>, vector<1x16xf32>,
      %swap3A_63 = arith.index_cast %scan3A_53 : i32 to index
      %swap3A_64 = arith.constant 32 : index
      %swap3A_65 = tpu.vector_load %arg11[%swap3A_63, %swap3A_64] {strides = array<i32>} : memref<632x64xf32, #tpu.memory_space<vmem>>, vector<1x16xf32>,
      %swap3A_66 = vector.shape_cast %swap3A_65 : vector<1x16xf32> to vector<16xf32>
      %swap3A_67 = vector.shape_cast %broadcast_in_dim3A_11 : vector<16xf32> to vector<1x16xf32>
      tpu.vector_store %arg11[%swap3A_63, %swap3A_64], %swap3A_67 {strides = array<i32>} : memref<632x64xf32, #tpu.memory_space<vmem>>, vector<1x16xf32>,
      %swap3A_68 = arith.index_cast %scan3A_53 : i32 to index
      %swap3A_69 = arith.constant 48 : index
      %swap3A_70 = tpu.vector_load %arg11[%swap3A_68, %swap3A_69] {strides = array<i32>} : memref<632x64xf32, #tpu.memory_space<vmem>>, vector<1x16xf32>,
      %swap3A_71 = vector.shape_cast %swap3A_70 : vector<1x16xf32> to vector<16xf32>
      %swap3A_72 = vector.shape_cast %broadcast_in_dim3A_11 : vector<16xf32> to vector<1x16xf32>
      tpu.vector_store %arg11[%swap3A_68, %swap3A_69], %swap3A_72 {strides = array<i32>} : memref<632x64xf32, #tpu.memory_space<vmem>>, vector<1x16xf32>,
    }
    %scan3A_16 = arith.constant 632 : i32
    "tpu.region"() ({
      %run_scoped3A = tpu.sem_alloc : memref<!tpu.dma_semaphore, #tpu.memory_space<semaphore_mem>>
      %dma_start3A_53 = arith.constant 0 : i32
      %dma_start3A_54 = tpu.memref_slice %arg12[%mul3A_2, %dma_start3A_53] : memref<10112x64xf32, #tpu.memory_space<vmem_shared>> -> memref<632x64xf32, #tpu.memory_space<vmem_shared>>
      %dma_start3A_55 = arith.constant 0 : i32
      %dma_start3A_56 = tpu.memref_slice %arg12[%mul3A_2, %dma_start3A_55] : memref<10112x64xf32, #tpu.memory_space<vmem_shared>> -> memref<632x64xf32, #tpu.memory_space<vmem_shared>>
      tpu.enqueue_dma source(%arg11 : memref<632x64xf32, #tpu.memory_space<vmem>>) target(%dma_start3A_56 : memref<632x64xf32, #tpu.memory_space<vmem_shared>>) target_semaphore(%run_scoped3A : memref<!tpu.dma_semaphore, #tpu.memory_space<semaphore_mem>>)
      %dma_wait3A = arith.constant 0 : i32
      %dma_wait3A_57 = tpu.memref_slice %arg12[%mul3A_2, %dma_wait3A] : memref<10112x64xf32, #tpu.memory_space<vmem_shared>> -> memref<632x64xf32, #tpu.memory_space<vmem_shared>>
      %dma_wait3A_58 = arith.constant 0 : i32
      %dma_wait3A_59 = tpu.memref_slice %arg12[%mul3A_2, %dma_wait3A_58] : memref<10112x64xf32, #tpu.memory_space<vmem_shared>> -> memref<632x64xf32, #tpu.memory_space<vmem_shared>>
      tpu.wait_dma2 semaphore(%run_scoped3A : memref<!tpu.dma_semaphore, #tpu.memory_space<semaphore_mem>>) src(%arg11 : memref<632x64xf32, #tpu.memory_space<vmem>>) dst(%dma_wait3A_59 : memref<632x64xf32, #tpu.memory_space<vmem_shared>>)
      tpu.yield
    }) : () -> ()
    %barrier3A = arith.constant 0 : index
    tpu.barrier barrier_id(%barrier3A)
    %jit3A_17 = arith.constant 2 : i32
    %div3A = arith.divsi %select_n3A, %jit3A_17 : i32
    %sign3A = arith.constant 0 : i32
    %sign3A_18 = arith.cmpi sgt, %select_n3A, %sign3A : i32
    %sign3A_19 = arith.extui %sign3A_18 : i1 to i32
    %sign3A_20 = arith.constant 0 : i32
    %sign3A_21 = arith.cmpi slt, %select_n3A, %sign3A_20 : i32
    %sign3A_22 = arith.extui %sign3A_21 : i1 to i32
    %sign3A_23 = arith.subi %sign3A_19, %sign3A_22 : i32
    %sign3A_24 = arith.constant 0 : i32
    %sign3A_25 = arith.cmpi sgt, %jit3A_17, %sign3A_24 : i32
    %sign3A_26 = arith.extui %sign3A_25 : i1 to i32
    %sign3A_27 = arith.constant 0 : i32
    %sign3A_28 = arith.cmpi slt, %jit3A_17, %sign3A_27 : i32
    %sign3A_29 = arith.extui %sign3A_28 : i1 to i32
    %sign3A_30 = arith.subi %sign3A_26, %sign3A_29 : i32
    %ne3A = arith.cmpi ne, %sign3A_23, %sign3A_30 : i32
    %rem3A = arith.remsi %select_n3A, %jit3A_17 : i32
    %ne3A_31 = arith.constant 0 : i32
    %ne3A_32 = arith.cmpi ne, %rem3A, %ne3A_31 : i32
    %and3A = arith.andi %ne3A, %ne3A_32 : i1
    %sub3A = arith.constant 1 : i32
    %sub3A_33 = arith.subi %div3A, %sub3A : i32
    %select_n3A_34 = arith.select %and3A, %sub3A_33, %div3A : i32
    %while3A = arith.constant 0 : i32
    %while3A_35 = arith.constant 0 : i32
    %while3A_36 = arith.subi %select_n3A_34, %while3A_35 : i32
    %while3A_37 = arith.addi %while3A_35, %while3A_36 : i32
    %while3A_38 = arith.constant 1 : i32
    %while3A_39 = arith.divsi %while3A_36, %while3A_38 : i32
    %while3A_40 = arith.muli %while3A_39, %while3A_38 : i32
    %while3A_41 = arith.addi %while3A_35, %while3A_40 : i32
    %while3A_42 = arith.constant 1 : i32
    scf.for %while3A_53 = %while3A_35 to %while3A_41 step %while3A_42  : i32 {
      %mul3A_54 = arith.constant 2 : i32
      %mul3A_55 = arith.muli %mul3A_54, %while3A_53 : i32
      %add3A_56 = arith.constant 1 : i32
      %add3A_57 = arith.addi %mul3A_55, %add3A_56 : i32
      %dma_start3A_58 = arith.constant 0 : i32
      %dma_start3A_59 = tpu.memref_slice %arg7[%add3A_57, %dma_start3A_58] : memref<104x128xi32, #tpu.memory_space<vmem>> -> memref<1x128xi32, #tpu.memory_space<vmem>>
      %dma_start3A_60 = tpu.memref_squeeze %dma_start3A_59 : memref<1x128xi32, #tpu.memory_space<vmem>> -> memref<128xi32, #tpu.memory_space<vmem>>
      %dma_start3A_61 = arith.constant 0 : i32
      %dma_start3A_62 = arith.constant 0 : i32
      %dma_start3A_63 = tpu.memref_slice %arg2[%dma_start3A_61, %dma_start3A_62] : memref<10112x64xf32, #tpu.memory_space<hbm>> -> memref<10112x64xf32, #tpu.memory_space<hbm>>
      tpu.enqueue_indirect_dma source(%dma_start3A_63 : memref<10112x64xf32, #tpu.memory_space<hbm>>) target(%arg10 : memref<128x64xf32, #tpu.memory_space<vmem>>) offsets(%dma_start3A_60 : memref<128xi32, #tpu.memory_space<vmem>>) semaphore(%arg14 : memref<!tpu.dma_semaphore, #tpu.memory_space<semaphore_mem>>)
      %dma_wait3A = arith.constant 0 : i32
      %dma_wait3A_64 = tpu.memref_slice %arg7[%mul3A_55, %dma_wait3A] : memref<104x128xi32, #tpu.memory_space<vmem>> -> memref<1x128xi32, #tpu.memory_space<vmem>>
      %dma_wait3A_65 = tpu.memref_squeeze %dma_wait3A_64 : memref<1x128xi32, #tpu.memory_space<vmem>> -> memref<128xi32, #tpu.memory_space<vmem>>
      %dma_wait3A_66 = arith.constant 0 : i32
      %dma_wait3A_67 = arith.constant 0 : i32
      %dma_wait3A_68 = tpu.memref_slice %arg2[%dma_wait3A_66, %dma_wait3A_67] : memref<10112x64xf32, #tpu.memory_space<hbm>> -> memref<10112x64xf32, #tpu.memory_space<hbm>>
      tpu.wait_indirect_dma semaphore(%arg13 : memref<!tpu.dma_semaphore, #tpu.memory_space<semaphore_mem>>) src(%dma_wait3A_68 : memref<10112x64xf32, #tpu.memory_space<hbm>>) dst(%arg9 : memref<128x64xf32, #tpu.memory_space<vmem>>)
      "tpu.region"() ({
        %run_scoped3A = tpu.sem_alloc : memref<!tpu.dma_semaphore, #tpu.memory_space<semaphore_mem>>
        %dma_start3A_80 = arith.constant 0 : i32
        %dma_start3A_81 = tpu.memref_slice %arg8[%mul3A_55, %dma_start3A_80] : memref<104x128xi32, #tpu.memory_space<vmem>> -> memref<1x128xi32, #tpu.memory_space<vmem>>
        %dma_start3A_82 = tpu.memref_squeeze %dma_start3A_81 : memref<1x128xi32, #tpu.memory_space<vmem>> -> memref<128xi32, #tpu.memory_space<vmem>>
        %dma_start3A_83 = arith.constant 0 : i32
        %dma_start3A_84 = arith.constant 0 : i32
        %dma_start3A_85 = tpu.memref_slice %arg12[%dma_start3A_83, %dma_start3A_84] : memref<10112x64xf32, #tpu.memory_space<vmem_shared>> -> memref<10112x64xf32, #tpu.memory_space<vmem_shared>>
        tpu.enqueue_indirect_dma source(%arg9 : memref<128x64xf32, #tpu.memory_space<vmem>>) target(%dma_start3A_85 : memref<10112x64xf32, #tpu.memory_space<vmem_shared>>) offsets(%dma_start3A_82 : memref<128xi32, #tpu.memory_space<vmem>>) semaphore(%run_scoped3A : memref<!tpu.dma_semaphore, #tpu.memory_space<semaphore_mem>>) {add = true}
        %dma_wait3A_86 = arith.constant 0 : i32
        %dma_wait3A_87 = tpu.memref_slice %arg8[%mul3A_55, %dma_wait3A_86] : memref<104x128xi32, #tpu.memory_space<vmem>> -> memref<1x128xi32, #tpu.memory_space<vmem>>
        %dma_wait3A_88 = tpu.memref_squeeze %dma_wait3A_87 : memref<1x128xi32, #tpu.memory_space<vmem>> -> memref<128xi32, #tpu.memory_space<vmem>>
        %dma_wait3A_89 = arith.constant 0 : i32
        %dma_wait3A_90 = arith.constant 0 : i32
        %dma_wait3A_91 = tpu.memref_slice %arg12[%dma_wait3A_89, %dma_wait3A_90] : memref<10112x64xf32, #tpu.memory_space<vmem_shared>> -> memref<10112x64xf32, #tpu.memory_space<vmem_shared>>
        tpu.wait_indirect_dma semaphore(%run_scoped3A : memref<!tpu.dma_semaphore, #tpu.memory_space<semaphore_mem>>) src(%arg9 : memref<128x64xf32, #tpu.memory_space<vmem>>) dst(%dma_wait3A_91 : memref<10112x64xf32, #tpu.memory_space<vmem_shared>>)
        tpu.yield
      }) : () -> ()
      %add3A_69 = arith.constant 1 : i32
      %add3A_70 = arith.addi %add3A_57, %add3A_69 : i32
      %lt3A = arith.cmpi slt, %add3A_70, %select_n3A : i32
      %convert_element_type3A_71 = arith.extui %lt3A : i1 to i32
      %cond3A_72 = arith.constant 0 : i32
      %cond3A_73 = arith.cmpi ne, %convert_element_type3A_71, %cond3A_72 : i32
      scf.if %cond3A_73 {
        %add3A_80 = arith.constant 1 : i32
        %add3A_81 = arith.addi %add3A_57, %add3A_80 : i32
        %dma_start3A_82 = arith.constant 0 : i32
        %dma_start3A_83 = tpu.memref_slice %arg7[%add3A_81, %dma_start3A_82] : memref<104x128xi32, #tpu.memory_space<vmem>> -> memref<1x128xi32, #tpu.memory_space<vmem>>
        %dma_start3A_84 = tpu.memref_squeeze %dma_start3A_83 : memref<1x128xi32, #tpu.memory_space<vmem>> -> memref<128xi32, #tpu.memory_space<vmem>>
        %dma_start3A_85 = arith.constant 0 : i32
        %dma_start3A_86 = arith.constant 0 : i32
        %dma_start3A_87 = tpu.memref_slice %arg2[%dma_start3A_85, %dma_start3A_86] : memref<10112x64xf32, #tpu.memory_space<hbm>> -> memref<10112x64xf32, #tpu.memory_space<hbm>>
        tpu.enqueue_indirect_dma source(%dma_start3A_87 : memref<10112x64xf32, #tpu.memory_space<hbm>>) target(%arg9 : memref<128x64xf32, #tpu.memory_space<vmem>>) offsets(%dma_start3A_84 : memref<128xi32, #tpu.memory_space<vmem>>) semaphore(%arg13 : memref<!tpu.dma_semaphore, #tpu.memory_space<semaphore_mem>>)
      } else {
      }
      %dma_wait3A_74 = arith.constant 0 : i32
      %dma_wait3A_75 = tpu.memref_slice %arg7[%add3A_57, %dma_wait3A_74] : memref<104x128xi32, #tpu.memory_space<vmem>> -> memref<1x128xi32, #tpu.memory_space<vmem>>
      %dma_wait3A_76 = tpu.memref_squeeze %dma_wait3A_75 : memref<1x128xi32, #tpu.memory_space<vmem>> -> memref<128xi32, #tpu.memory_space<vmem>>
      %dma_wait3A_77 = arith.constant 0 : i32
      %dma_wait3A_78 = arith.constant 0 : i32
      %dma_wait3A_79 = tpu.memref_slice %arg2[%dma_wait3A_77, %dma_wait3A_78] : memref<10112x64xf32, #tpu.memory_space<hbm>> -> memref<10112x64xf32, #tpu.memory_space<hbm>>
      tpu.wait_indirect_dma semaphore(%arg14 : memref<!tpu.dma_semaphore, #tpu.memory_space<semaphore_mem>>) src(%dma_wait3A_79 : memref<10112x64xf32, #tpu.memory_space<hbm>>) dst(%arg10 : memref<128x64xf32, #tpu.memory_space<vmem>>)
      "tpu.region"() ({
        %run_scoped3A = tpu.sem_alloc : memref<!tpu.dma_semaphore, #tpu.memory_space<semaphore_mem>>
        %dma_start3A_80 = arith.constant 0 : i32
        %dma_start3A_81 = tpu.memref_slice %arg8[%add3A_57, %dma_start3A_80] : memref<104x128xi32, #tpu.memory_space<vmem>> -> memref<1x128xi32, #tpu.memory_space<vmem>>
        %dma_start3A_82 = tpu.memref_squeeze %dma_start3A_81 : memref<1x128xi32, #tpu.memory_space<vmem>> -> memref<128xi32, #tpu.memory_space<vmem>>
        %dma_start3A_83 = arith.constant 0 : i32
        %dma_start3A_84 = arith.constant 0 : i32
        %dma_start3A_85 = tpu.memref_slice %arg12[%dma_start3A_83, %dma_start3A_84] : memref<10112x64xf32, #tpu.memory_space<vmem_shared>> -> memref<10112x64xf32, #tpu.memory_space<vmem_shared>>
        tpu.enqueue_indirect_dma source(%arg10 : memref<128x64xf32, #tpu.memory_space<vmem>>) target(%dma_start3A_85 : memref<10112x64xf32, #tpu.memory_space<vmem_shared>>) offsets(%dma_start3A_82 : memref<128xi32, #tpu.memory_space<vmem>>) semaphore(%run_scoped3A : memref<!tpu.dma_semaphore, #tpu.memory_space<semaphore_mem>>) {add = true}
        %dma_wait3A_86 = arith.constant 0 : i32
        %dma_wait3A_87 = tpu.memref_slice %arg8[%add3A_57, %dma_wait3A_86] : memref<104x128xi32, #tpu.memory_space<vmem>> -> memref<1x128xi32, #tpu.memory_space<vmem>>
        %dma_wait3A_88 = tpu.memref_squeeze %dma_wait3A_87 : memref<1x128xi32, #tpu.memory_space<vmem>> -> memref<128xi32, #tpu.memory_space<vmem>>
        %dma_wait3A_89 = arith.constant 0 : i32
        %dma_wait3A_90 = arith.constant 0 : i32
        %dma_wait3A_91 = tpu.memref_slice %arg12[%dma_wait3A_89, %dma_wait3A_90] : memref<10112x64xf32, #tpu.memory_space<vmem_shared>> -> memref<10112x64xf32, #tpu.memory_space<vmem_shared>>
        tpu.wait_indirect_dma semaphore(%run_scoped3A : memref<!tpu.dma_semaphore, #tpu.memory_space<semaphore_mem>>) src(%arg10 : memref<128x64xf32, #tpu.memory_space<vmem>>) dst(%dma_wait3A_91 : memref<10112x64xf32, #tpu.memory_space<vmem_shared>>)
        tpu.yield
      }) : () -> ()
    }
    %while3A_43 = arith.constant 1 : i32
    scf.for %while3A_53 = %while3A_41 to %while3A_37 step %while3A_43  : i32 {
      %mul3A_54 = arith.constant 2 : i32
      %mul3A_55 = arith.muli %mul3A_54, %while3A_53 : i32
      %add3A_56 = arith.constant 1 : i32
      %add3A_57 = arith.addi %mul3A_55, %add3A_56 : i32
      %dma_start3A_58 = arith.constant 0 : i32
      %dma_start3A_59 = tpu.memref_slice %arg7[%add3A_57, %dma_start3A_58] : memref<104x128xi32, #tpu.memory_space<vmem>> -> memref<1x128xi32, #tpu.memory_space<vmem>>
      %dma_start3A_60 = tpu.memref_squeeze %dma_start3A_59 : memref<1x128xi32, #tpu.memory_space<vmem>> -> memref<128xi32, #tpu.memory_space<vmem>>
      %dma_start3A_61 = arith.constant 0 : i32
      %dma_start3A_62 = arith.constant 0 : i32
      %dma_start3A_63 = tpu.memref_slice %arg2[%dma_start3A_61, %dma_start3A_62] : memref<10112x64xf32, #tpu.memory_space<hbm>> -> memref<10112x64xf32, #tpu.memory_space<hbm>>
      tpu.enqueue_indirect_dma source(%dma_start3A_63 : memref<10112x64xf32, #tpu.memory_space<hbm>>) target(%arg10 : memref<128x64xf32, #tpu.memory_space<vmem>>) offsets(%dma_start3A_60 : memref<128xi32, #tpu.memory_space<vmem>>) semaphore(%arg14 : memref<!tpu.dma_semaphore, #tpu.memory_space<semaphore_mem>>)
      %dma_wait3A = arith.constant 0 : i32
      %dma_wait3A_64 = tpu.memref_slice %arg7[%mul3A_55, %dma_wait3A] : memref<104x128xi32, #tpu.memory_space<vmem>> -> memref<1x128xi32, #tpu.memory_space<vmem>>
      %dma_wait3A_65 = tpu.memref_squeeze %dma_wait3A_64 : memref<1x128xi32, #tpu.memory_space<vmem>> -> memref<128xi32, #tpu.memory_space<vmem>>
      %dma_wait3A_66 = arith.constant 0 : i32
      %dma_wait3A_67 = arith.constant 0 : i32
      %dma_wait3A_68 = tpu.memref_slice %arg2[%dma_wait3A_66, %dma_wait3A_67] : memref<10112x64xf32, #tpu.memory_space<hbm>> -> memref<10112x64xf32, #tpu.memory_space<hbm>>
      tpu.wait_indirect_dma semaphore(%arg13 : memref<!tpu.dma_semaphore, #tpu.memory_space<semaphore_mem>>) src(%dma_wait3A_68 : memref<10112x64xf32, #tpu.memory_space<hbm>>) dst(%arg9 : memref<128x64xf32, #tpu.memory_space<vmem>>)
      "tpu.region"() ({
        %run_scoped3A = tpu.sem_alloc : memref<!tpu.dma_semaphore, #tpu.memory_space<semaphore_mem>>
        %dma_start3A_80 = arith.constant 0 : i32
        %dma_start3A_81 = tpu.memref_slice %arg8[%mul3A_55, %dma_start3A_80] : memref<104x128xi32, #tpu.memory_space<vmem>> -> memref<1x128xi32, #tpu.memory_space<vmem>>
        %dma_start3A_82 = tpu.memref_squeeze %dma_start3A_81 : memref<1x128xi32, #tpu.memory_space<vmem>> -> memref<128xi32, #tpu.memory_space<vmem>>
        %dma_start3A_83 = arith.constant 0 : i32
        %dma_start3A_84 = arith.constant 0 : i32
        %dma_start3A_85 = tpu.memref_slice %arg12[%dma_start3A_83, %dma_start3A_84] : memref<10112x64xf32, #tpu.memory_space<vmem_shared>> -> memref<10112x64xf32, #tpu.memory_space<vmem_shared>>
        tpu.enqueue_indirect_dma source(%arg9 : memref<128x64xf32, #tpu.memory_space<vmem>>) target(%dma_start3A_85 : memref<10112x64xf32, #tpu.memory_space<vmem_shared>>) offsets(%dma_start3A_82 : memref<128xi32, #tpu.memory_space<vmem>>) semaphore(%run_scoped3A : memref<!tpu.dma_semaphore, #tpu.memory_space<semaphore_mem>>) {add = true}
        %dma_wait3A_86 = arith.constant 0 : i32
        %dma_wait3A_87 = tpu.memref_slice %arg8[%mul3A_55, %dma_wait3A_86] : memref<104x128xi32, #tpu.memory_space<vmem>> -> memref<1x128xi32, #tpu.memory_space<vmem>>
        %dma_wait3A_88 = tpu.memref_squeeze %dma_wait3A_87 : memref<1x128xi32, #tpu.memory_space<vmem>> -> memref<128xi32, #tpu.memory_space<vmem>>
        %dma_wait3A_89 = arith.constant 0 : i32
        %dma_wait3A_90 = arith.constant 0 : i32
        %dma_wait3A_91 = tpu.memref_slice %arg12[%dma_wait3A_89, %dma_wait3A_90] : memref<10112x64xf32, #tpu.memory_space<vmem_shared>> -> memref<10112x64xf32, #tpu.memory_space<vmem_shared>>
        tpu.wait_indirect_dma semaphore(%run_scoped3A : memref<!tpu.dma_semaphore, #tpu.memory_space<semaphore_mem>>) src(%arg9 : memref<128x64xf32, #tpu.memory_space<vmem>>) dst(%dma_wait3A_91 : memref<10112x64xf32, #tpu.memory_space<vmem_shared>>)
        tpu.yield
      }) : () -> ()
      %add3A_69 = arith.constant 1 : i32
      %add3A_70 = arith.addi %add3A_57, %add3A_69 : i32
      %lt3A = arith.cmpi slt, %add3A_70, %select_n3A : i32
      %convert_element_type3A_71 = arith.extui %lt3A : i1 to i32
      %cond3A_72 = arith.constant 0 : i32
      %cond3A_73 = arith.cmpi ne, %convert_element_type3A_71, %cond3A_72 : i32
      scf.if %cond3A_73 {
        %add3A_80 = arith.constant 1 : i32
        %add3A_81 = arith.addi %add3A_57, %add3A_80 : i32
        %dma_start3A_82 = arith.constant 0 : i32
        %dma_start3A_83 = tpu.memref_slice %arg7[%add3A_81, %dma_start3A_82] : memref<104x128xi32, #tpu.memory_space<vmem>> -> memref<1x128xi32, #tpu.memory_space<vmem>>
        %dma_start3A_84 = tpu.memref_squeeze %dma_start3A_83 : memref<1x128xi32, #tpu.memory_space<vmem>> -> memref<128xi32, #tpu.memory_space<vmem>>
        %dma_start3A_85 = arith.constant 0 : i32
        %dma_start3A_86 = arith.constant 0 : i32
        %dma_start3A_87 = tpu.memref_slice %arg2[%dma_start3A_85, %dma_start3A_86] : memref<10112x64xf32, #tpu.memory_space<hbm>> -> memref<10112x64xf32, #tpu.memory_space<hbm>>
        tpu.enqueue_indirect_dma source(%dma_start3A_87 : memref<10112x64xf32, #tpu.memory_space<hbm>>) target(%arg9 : memref<128x64xf32, #tpu.memory_space<vmem>>) offsets(%dma_start3A_84 : memref<128xi32, #tpu.memory_space<vmem>>) semaphore(%arg13 : memref<!tpu.dma_semaphore, #tpu.memory_space<semaphore_mem>>)
      } else {
      }
      %dma_wait3A_74 = arith.constant 0 : i32
      %dma_wait3A_75 = tpu.memref_slice %arg7[%add3A_57, %dma_wait3A_74] : memref<104x128xi32, #tpu.memory_space<vmem>> -> memref<1x128xi32, #tpu.memory_space<vmem>>
      %dma_wait3A_76 = tpu.memref_squeeze %dma_wait3A_75 : memref<1x128xi32, #tpu.memory_space<vmem>> -> memref<128xi32, #tpu.memory_space<vmem>>
      %dma_wait3A_77 = arith.constant 0 : i32
      %dma_wait3A_78 = arith.constant 0 : i32
      %dma_wait3A_79 = tpu.memref_slice %arg2[%dma_wait3A_77, %dma_wait3A_78] : memref<10112x64xf32, #tpu.memory_space<hbm>> -> memref<10112x64xf32, #tpu.memory_space<hbm>>
      tpu.wait_indirect_dma semaphore(%arg14 : memref<!tpu.dma_semaphore, #tpu.memory_space<semaphore_mem>>) src(%dma_wait3A_79 : memref<10112x64xf32, #tpu.memory_space<hbm>>) dst(%arg10 : memref<128x64xf32, #tpu.memory_space<vmem>>)
      "tpu.region"() ({
        %run_scoped3A = tpu.sem_alloc : memref<!tpu.dma_semaphore, #tpu.memory_space<semaphore_mem>>
        %dma_start3A_80 = arith.constant 0 : i32
        %dma_start3A_81 = tpu.memref_slice %arg8[%add3A_57, %dma_start3A_80] : memref<104x128xi32, #tpu.memory_space<vmem>> -> memref<1x128xi32, #tpu.memory_space<vmem>>
        %dma_start3A_82 = tpu.memref_squeeze %dma_start3A_81 : memref<1x128xi32, #tpu.memory_space<vmem>> -> memref<128xi32, #tpu.memory_space<vmem>>
        %dma_start3A_83 = arith.constant 0 : i32
        %dma_start3A_84 = arith.constant 0 : i32
        %dma_start3A_85 = tpu.memref_slice %arg12[%dma_start3A_83, %dma_start3A_84] : memref<10112x64xf32, #tpu.memory_space<vmem_shared>> -> memref<10112x64xf32, #tpu.memory_space<vmem_shared>>
        tpu.enqueue_indirect_dma source(%arg10 : memref<128x64xf32, #tpu.memory_space<vmem>>) target(%dma_start3A_85 : memref<10112x64xf32, #tpu.memory_space<vmem_shared>>) offsets(%dma_start3A_82 : memref<128xi32, #tpu.memory_space<vmem>>) semaphore(%run_scoped3A : memref<!tpu.dma_semaphore, #tpu.memory_space<semaphore_mem>>) {add = true}
        %dma_wait3A_86 = arith.constant 0 : i32
        %dma_wait3A_87 = tpu.memref_slice %arg8[%add3A_57, %dma_wait3A_86] : memref<104x128xi32, #tpu.memory_space<vmem>> -> memref<1x128xi32, #tpu.memory_space<vmem>>
        %dma_wait3A_88 = tpu.memref_squeeze %dma_wait3A_87 : memref<1x128xi32, #tpu.memory_space<vmem>> -> memref<128xi32, #tpu.memory_space<vmem>>
        %dma_wait3A_89 = arith.constant 0 : i32
        %dma_wait3A_90 = arith.constant 0 : i32
        %dma_wait3A_91 = tpu.memref_slice %arg12[%dma_wait3A_89, %dma_wait3A_90] : memref<10112x64xf32, #tpu.memory_space<vmem_shared>> -> memref<10112x64xf32, #tpu.memory_space<vmem_shared>>
        tpu.wait_indirect_dma semaphore(%run_scoped3A : memref<!tpu.dma_semaphore, #tpu.memory_space<semaphore_mem>>) src(%arg10 : memref<128x64xf32, #tpu.memory_space<vmem>>) dst(%dma_wait3A_91 : memref<10112x64xf32, #tpu.memory_space<vmem_shared>>)
        tpu.yield
      }) : () -> ()
    }
    %barrier3A_44 = arith.constant 0 : index
    tpu.barrier barrier_id(%barrier3A_44)
    "tpu.region"() ({
      %run_scoped3A = tpu.sem_alloc : memref<!tpu.dma_semaphore, #tpu.memory_space<semaphore_mem>>
      %dma_start3A_53 = arith.constant 0 : i32
      %dma_start3A_54 = tpu.memref_slice %arg12[%mul3A_2, %dma_start3A_53] : memref<10112x64xf32, #tpu.memory_space<vmem_shared>> -> memref<632x64xf32, #tpu.memory_space<vmem_shared>>
      %dma_start3A_55 = arith.constant 0 : i32
      %dma_start3A_56 = tpu.memref_slice %arg12[%mul3A_2, %dma_start3A_55] : memref<10112x64xf32, #tpu.memory_space<vmem_shared>> -> memref<632x64xf32, #tpu.memory_space<vmem_shared>>
      tpu.enqueue_dma source(%dma_start3A_56 : memref<632x64xf32, #tpu.memory_space<vmem_shared>>) target(%arg11 : memref<632x64xf32, #tpu.memory_space<vmem>>) target_semaphore(%run_scoped3A : memref<!tpu.dma_semaphore, #tpu.memory_space<semaphore_mem>>)
      %dma_wait3A = arith.constant 0 : i32
      %dma_wait3A_57 = tpu.memref_slice %arg12[%mul3A_2, %dma_wait3A] : memref<10112x64xf32, #tpu.memory_space<vmem_shared>> -> memref<632x64xf32, #tpu.memory_space<vmem_shared>>
      %dma_wait3A_58 = arith.constant 0 : i32
      %dma_wait3A_59 = tpu.memref_slice %arg12[%mul3A_2, %dma_wait3A_58] : memref<10112x64xf32, #tpu.memory_space<vmem_shared>> -> memref<632x64xf32, #tpu.memory_space<vmem_shared>>
      tpu.wait_dma2 semaphore(%run_scoped3A : memref<!tpu.dma_semaphore, #tpu.memory_space<semaphore_mem>>) src(%dma_wait3A_59 : memref<632x64xf32, #tpu.memory_space<vmem_shared>>) dst(%arg11 : memref<632x64xf32, #tpu.memory_space<vmem>>)
      tpu.yield
    }) : () -> ()
    %eq3A_45 = arith.constant 0 : i32
    %eq3A_46 = arith.cmpi eq, %arg0, %eq3A_45 : i32
    %convert_element_type3A = arith.extui %eq3A_46 : i1 to i32
    %cond3A = arith.constant 0 : i32
    %cond3A_47 = arith.cmpi ne, %convert_element_type3A, %cond3A : i32
    scf.if %cond3A_47 {
      "tpu.region"() ({
        %run_scoped3A = tpu.sem_alloc : memref<!tpu.dma_semaphore, #tpu.memory_space<semaphore_mem>>
        %dma_start3A_53 = arith.constant 0 : i32
        %dma_start3A_54 = tpu.memref_slice %arg5[%mul3A_2, %dma_start3A_53] : memref<10112x64xf32, #tpu.memory_space<hbm>> -> memref<632x64xf32, #tpu.memory_space<hbm>>
        %dma_start3A_55 = arith.constant 0 : i32
        %dma_start3A_56 = tpu.memref_slice %arg5[%mul3A_2, %dma_start3A_55] : memref<10112x64xf32, #tpu.memory_space<hbm>> -> memref<632x64xf32, #tpu.memory_space<hbm>>
        tpu.enqueue_dma source(%arg11 : memref<632x64xf32, #tpu.memory_space<vmem>>) target(%dma_start3A_56 : memref<632x64xf32, #tpu.memory_space<hbm>>) target_semaphore(%run_scoped3A : memref<!tpu.dma_semaphore, #tpu.memory_space<semaphore_mem>>)
        %dma_wait3A = arith.constant 0 : i32
        %dma_wait3A_57 = tpu.memref_slice %arg5[%mul3A_2, %dma_wait3A] : memref<10112x64xf32, #tpu.memory_space<hbm>> -> memref<632x64xf32, #tpu.memory_space<hbm>>
        %dma_wait3A_58 = arith.constant 0 : i32
        %dma_wait3A_59 = tpu.memref_slice %arg5[%mul3A_2, %dma_wait3A_58] : memref<10112x64xf32, #tpu.memory_space<hbm>> -> memref<632x64xf32, #tpu.memory_space<hbm>>
        tpu.wait_dma2 semaphore(%run_scoped3A : memref<!tpu.dma_semaphore, #tpu.memory_space<semaphore_mem>>) src(%arg11 : memref<632x64xf32, #tpu.memory_space<vmem>>) dst(%dma_wait3A_59 : memref<632x64xf32, #tpu.memory_space<hbm>>)
        tpu.yield
      }) : () -> ()
    } else {
    }
    %eq3A_48 = arith.constant 1 : i32
    %eq3A_49 = arith.cmpi eq, %arg0, %eq3A_48 : i32
    %convert_element_type3A_50 = arith.extui %eq3A_49 : i1 to i32
    %cond3A_51 = arith.constant 0 : i32
    %cond3A_52 = arith.cmpi ne, %convert_element_type3A_50, %cond3A_51 : i32
    scf.if %cond3A_52 {
      "tpu.region"() ({
        %run_scoped3A = tpu.sem_alloc : memref<!tpu.dma_semaphore, #tpu.memory_space<semaphore_mem>>
        %dma_start3A_53 = arith.constant 0 : i32
        %dma_start3A_54 = tpu.memref_slice %arg6[%mul3A_2, %dma_start3A_53] : memref<10112x64xf32, #tpu.memory_space<hbm>> -> memref<632x64xf32, #tpu.memory_space<hbm>>
        %dma_start3A_55 = arith.constant 0 : i32
        %dma_start3A_56 = tpu.memref_slice %arg6[%mul3A_2, %dma_start3A_55] : memref<10112x64xf32, #tpu.memory_space<hbm>> -> memref<632x64xf32, #tpu.memory_space<hbm>>
        tpu.enqueue_dma source(%arg11 : memref<632x64xf32, #tpu.memory_space<vmem>>) target(%dma_start3A_56 : memref<632x64xf32, #tpu.memory_space<hbm>>) target_semaphore(%run_scoped3A : memref<!tpu.dma_semaphore, #tpu.memory_space<semaphore_mem>>)
        %dma_wait3A = arith.constant 0 : i32
        %dma_wait3A_57 = tpu.memref_slice %arg6[%mul3A_2, %dma_wait3A] : memref<10112x64xf32, #tpu.memory_space<hbm>> -> memref<632x64xf32, #tpu.memory_space<hbm>>
        %dma_wait3A_58 = arith.constant 0 : i32
        %dma_wait3A_59 = tpu.memref_slice %arg6[%mul3A_2, %dma_wait3A_58] : memref<10112x64xf32, #tpu.memory_space<hbm>> -> memref<632x64xf32, #tpu.memory_space<hbm>>
        tpu.wait_dma2 semaphore(%run_scoped3A : memref<!tpu.dma_semaphore, #tpu.memory_space<semaphore_mem>>) src(%arg11 : memref<632x64xf32, #tpu.memory_space<vmem>>) dst(%dma_wait3A_59 : memref<632x64xf32, #tpu.memory_space<hbm>>)
        tpu.yield
      }) : () -> ()
    } else {
    }
    return
  }
}

#map = affine_map<(d0, d1) -> (0, 0)>
#map1 = affine_map<(d0, d1) -> (0, 0, 0)>
module attributes {stable_mosaic.version = 14 : i64} {
  func.func @_sc_agg_body(%arg0: i32, %arg1: i32, %arg2: memref<10112x64xf32, #tpu.memory_space<hbm>>, %arg3: memref<32x104x128xi32, #tpu.memory_space<hbm>>, %arg4: memref<32x104x128xi32, #tpu.memory_space<hbm>>, %arg5: memref<10112x64xf32, #tpu.memory_space<hbm>>, %arg6: memref<10112x64xf32, #tpu.memory_space<hbm>>, %arg7: memref<104x128xi32, #tpu.memory_space<vmem>>, %arg8: memref<104x128xi32, #tpu.memory_space<vmem>>, %arg9: memref<128x64xf32, #tpu.memory_space<vmem>>, %arg10: memref<128x64xf32, #tpu.memory_space<vmem>>, %arg11: memref<632x64xf32, #tpu.memory_space<vmem>>, %arg12: memref<10112x64xf32, #tpu.memory_space<vmem_shared>>, %arg13: memref<!tpu.dma_semaphore, #tpu.memory_space<semaphore_mem>>, %arg14: memref<!tpu.dma_semaphore, #tpu.memory_space<semaphore_mem>>) attributes {dimension_semantics = [#tpu.dimension_semantics<core_parallel>, #tpu.dimension_semantics<subcore_parallel>], iteration_bounds = array<i64: 2, 16>, scalar_prefetch = 0 : i64, scratch_operands = 8 : i64, tpu.core_type = #tpu.core_type<sc_vector_subcore>, window_params = [{transform_indices = #map}, {transform_indices = #map1}, {transform_indices = #map1}, {transform_indices = #map}, {transform_indices = #map}]} {
    %mul3A = arith.constant 2 : i32
    %mul3A_0 = arith.muli %arg1, %mul3A : i32
    %add3A = arith.addi %mul3A_0, %arg0 : i32
    %mul3A_1 = arith.constant 632 : i32
    %mul3A_2 = arith.muli %arg1, %mul3A_1 : i32
    %eq3A = arith.constant 0 : i32
    %eq3A_3 = arith.cmpi eq, %arg0, %eq3A : i32
    %jit3A = arith.constant 104 : i32
    %jit3A_4 = arith.constant 54 : i32
    %select_n3A = arith.select %eq3A_3, %jit3A, %jit3A_4 : i32
    "tpu.region"() ({
      %run_scoped3A = tpu.sem_alloc : memref<!tpu.dma_semaphore, #tpu.memory_space<semaphore_mem>>
      %dma_start3A_53 = arith.constant 0 : i32
      %dma_start3A_54 = arith.constant 0 : i32
      %dma_start3A_55 = tpu.memref_slice %arg3[%add3A, %dma_start3A_53, %dma_start3A_54] : memref<32x104x128xi32, #tpu.memory_space<hbm>> -> memref<1x104x128xi32, #tpu.memory_space<hbm>>
      %dma_start3A_56 = tpu.memref_squeeze %dma_start3A_55 : memref<1x104x128xi32, #tpu.memory_space<hbm>> -> memref<104x128xi32, #tpu.memory_space<hbm>>
      %dma_start3A_57 = arith.constant 0 : i32
      %dma_start3A_58 = arith.constant 0 : i32
      %dma_start3A_59 = tpu.memref_slice %arg3[%add3A, %dma_start3A_57, %dma_start3A_58] : memref<32x104x128xi32, #tpu.memory_space<hbm>> -> memref<1x104x128xi32, #tpu.memory_space<hbm>>
      %dma_start3A_60 = tpu.memref_squeeze %dma_start3A_59 : memref<1x104x128xi32, #tpu.memory_space<hbm>> -> memref<104x128xi32, #tpu.memory_space<hbm>>
      tpu.enqueue_dma source(%dma_start3A_60 : memref<104x128xi32, #tpu.memory_space<hbm>>) target(%arg7 : memref<104x128xi32, #tpu.memory_space<vmem>>) target_semaphore(%run_scoped3A : memref<!tpu.dma_semaphore, #tpu.memory_space<semaphore_mem>>)
      %dma_wait3A = arith.constant 0 : i32
      %dma_wait3A_61 = arith.constant 0 : i32
      %dma_wait3A_62 = tpu.memref_slice %arg3[%add3A, %dma_wait3A, %dma_wait3A_61] : memref<32x104x128xi32, #tpu.memory_space<hbm>> -> memref<1x104x128xi32, #tpu.memory_space<hbm>>
      %dma_wait3A_63 = tpu.memref_squeeze %dma_wait3A_62 : memref<1x104x128xi32, #tpu.memory_space<hbm>> -> memref<104x128xi32, #tpu.memory_space<hbm>>
      %dma_wait3A_64 = arith.constant 0 : i32
      %dma_wait3A_65 = arith.constant 0 : i32
      %dma_wait3A_66 = tpu.memref_slice %arg3[%add3A, %dma_wait3A_64, %dma_wait3A_65] : memref<32x104x128xi32, #tpu.memory_space<hbm>> -> memref<1x104x128xi32, #tpu.memory_space<hbm>>
      %dma_wait3A_67 = tpu.memref_squeeze %dma_wait3A_66 : memref<1x104x128xi32, #tpu.memory_space<hbm>> -> memref<104x128xi32, #tpu.memory_space<hbm>>
      tpu.wait_dma2 semaphore(%run_scoped3A : memref<!tpu.dma_semaphore, #tpu.memory_space<semaphore_mem>>) src(%dma_wait3A_67 : memref<104x128xi32, #tpu.memory_space<hbm>>) dst(%arg7 : memref<104x128xi32, #tpu.memory_space<vmem>>)
      tpu.yield
    }) : () -> ()
    "tpu.region"() ({
      %run_scoped3A = tpu.sem_alloc : memref<!tpu.dma_semaphore, #tpu.memory_space<semaphore_mem>>
      %dma_start3A_53 = arith.constant 0 : i32
      %dma_start3A_54 = arith.constant 0 : i32
      %dma_start3A_55 = tpu.memref_slice %arg4[%add3A, %dma_start3A_53, %dma_start3A_54] : memref<32x104x128xi32, #tpu.memory_space<hbm>> -> memref<1x104x128xi32, #tpu.memory_space<hbm>>
      %dma_start3A_56 = tpu.memref_squeeze %dma_start3A_55 : memref<1x104x128xi32, #tpu.memory_space<hbm>> -> memref<104x128xi32, #tpu.memory_space<hbm>>
      %dma_start3A_57 = arith.constant 0 : i32
      %dma_start3A_58 = arith.constant 0 : i32
      %dma_start3A_59 = tpu.memref_slice %arg4[%add3A, %dma_start3A_57, %dma_start3A_58] : memref<32x104x128xi32, #tpu.memory_space<hbm>> -> memref<1x104x128xi32, #tpu.memory_space<hbm>>
      %dma_start3A_60 = tpu.memref_squeeze %dma_start3A_59 : memref<1x104x128xi32, #tpu.memory_space<hbm>> -> memref<104x128xi32, #tpu.memory_space<hbm>>
      tpu.enqueue_dma source(%dma_start3A_60 : memref<104x128xi32, #tpu.memory_space<hbm>>) target(%arg8 : memref<104x128xi32, #tpu.memory_space<vmem>>) target_semaphore(%run_scoped3A : memref<!tpu.dma_semaphore, #tpu.memory_space<semaphore_mem>>)
      %dma_wait3A = arith.constant 0 : i32
      %dma_wait3A_61 = arith.constant 0 : i32
      %dma_wait3A_62 = tpu.memref_slice %arg4[%add3A, %dma_wait3A, %dma_wait3A_61] : memref<32x104x128xi32, #tpu.memory_space<hbm>> -> memref<1x104x128xi32, #tpu.memory_space<hbm>>
      %dma_wait3A_63 = tpu.memref_squeeze %dma_wait3A_62 : memref<1x104x128xi32, #tpu.memory_space<hbm>> -> memref<104x128xi32, #tpu.memory_space<hbm>>
      %dma_wait3A_64 = arith.constant 0 : i32
      %dma_wait3A_65 = arith.constant 0 : i32
      %dma_wait3A_66 = tpu.memref_slice %arg4[%add3A, %dma_wait3A_64, %dma_wait3A_65] : memref<32x104x128xi32, #tpu.memory_space<hbm>> -> memref<1x104x128xi32, #tpu.memory_space<hbm>>
      %dma_wait3A_67 = tpu.memref_squeeze %dma_wait3A_66 : memref<1x104x128xi32, #tpu.memory_space<hbm>> -> memref<104x128xi32, #tpu.memory_space<hbm>>
      tpu.wait_dma2 semaphore(%run_scoped3A : memref<!tpu.dma_semaphore, #tpu.memory_space<semaphore_mem>>) src(%dma_wait3A_67 : memref<104x128xi32, #tpu.memory_space<hbm>>) dst(%arg8 : memref<104x128xi32, #tpu.memory_space<vmem>>)
      tpu.yield
    }) : () -> ()
    %dma_start3A = arith.constant 0 : i32
    %dma_start3A_5 = arith.constant 0 : i32
    %dma_start3A_6 = tpu.memref_slice %arg7[%dma_start3A, %dma_start3A_5] : memref<104x128xi32, #tpu.memory_space<vmem>> -> memref<1x128xi32, #tpu.memory_space<vmem>>
    %dma_start3A_7 = tpu.memref_squeeze %dma_start3A_6 : memref<1x128xi32, #tpu.memory_space<vmem>> -> memref<128xi32, #tpu.memory_space<vmem>>
    %dma_start3A_8 = arith.constant 0 : i32
    %dma_start3A_9 = arith.constant 0 : i32
    %dma_start3A_10 = tpu.memref_slice %arg2[%dma_start3A_8, %dma_start3A_9] : memref<10112x64xf32, #tpu.memory_space<hbm>> -> memref<10112x64xf32, #tpu.memory_space<hbm>>
    tpu.enqueue_indirect_dma source(%dma_start3A_10 : memref<10112x64xf32, #tpu.memory_space<hbm>>) target(%arg9 : memref<128x64xf32, #tpu.memory_space<vmem>>) offsets(%dma_start3A_7 : memref<128xi32, #tpu.memory_space<vmem>>) semaphore(%arg13 : memref<!tpu.dma_semaphore, #tpu.memory_space<semaphore_mem>>)
    %broadcast_in_dim3A = arith.constant 0.000000e+00 : f32
    %broadcast_in_dim3A_11 = vector.broadcast %broadcast_in_dim3A : f32 to vector<16xf32>
    %scan3A = arith.constant 0 : i32
    %scan3A_12 = arith.constant 0 : i32
    %scan3A_13 = arith.constant 632 : i32
    %scan3A_14 = arith.addi %scan3A_12, %scan3A_13 : i32
    %scan3A_15 = arith.constant 1 : i32
    scf.for %scan3A_53 = %scan3A_12 to %scan3A_14 step %scan3A_15  : i32 {
      %swap3A = arith.index_cast %scan3A_53 : i32 to index
      %swap3A_54 = arith.constant 0 : index
      %swap3A_55 = tpu.vector_load %arg11[%swap3A, %swap3A_54] {strides = array<i32>} : memref<632x64xf32, #tpu.memory_space<vmem>>, vector<1x16xf32>,
      %swap3A_56 = vector.shape_cast %swap3A_55 : vector<1x16xf32> to vector<16xf32>
      %swap3A_57 = vector.shape_cast %broadcast_in_dim3A_11 : vector<16xf32> to vector<1x16xf32>
      tpu.vector_store %arg11[%swap3A, %swap3A_54], %swap3A_57 {strides = array<i32>} : memref<632x64xf32, #tpu.memory_space<vmem>>, vector<1x16xf32>,
      %swap3A_58 = arith.index_cast %scan3A_53 : i32 to index
      %swap3A_59 = arith.constant 16 : index
      %swap3A_60 = tpu.vector_load %arg11[%swap3A_58, %swap3A_59] {strides = array<i32>} : memref<632x64xf32, #tpu.memory_space<vmem>>, vector<1x16xf32>,
      %swap3A_61 = vector.shape_cast %swap3A_60 : vector<1x16xf32> to vector<16xf32>
      %swap3A_62 = vector.shape_cast %broadcast_in_dim3A_11 : vector<16xf32> to vector<1x16xf32>
      tpu.vector_store %arg11[%swap3A_58, %swap3A_59], %swap3A_62 {strides = array<i32>} : memref<632x64xf32, #tpu.memory_space<vmem>>, vector<1x16xf32>,
      %swap3A_63 = arith.index_cast %scan3A_53 : i32 to index
      %swap3A_64 = arith.constant 32 : index
      %swap3A_65 = tpu.vector_load %arg11[%swap3A_63, %swap3A_64] {strides = array<i32>} : memref<632x64xf32, #tpu.memory_space<vmem>>, vector<1x16xf32>,
      %swap3A_66 = vector.shape_cast %swap3A_65 : vector<1x16xf32> to vector<16xf32>
      %swap3A_67 = vector.shape_cast %broadcast_in_dim3A_11 : vector<16xf32> to vector<1x16xf32>
      tpu.vector_store %arg11[%swap3A_63, %swap3A_64], %swap3A_67 {strides = array<i32>} : memref<632x64xf32, #tpu.memory_space<vmem>>, vector<1x16xf32>,
      %swap3A_68 = arith.index_cast %scan3A_53 : i32 to index
      %swap3A_69 = arith.constant 48 : index
      %swap3A_70 = tpu.vector_load %arg11[%swap3A_68, %swap3A_69] {strides = array<i32>} : memref<632x64xf32, #tpu.memory_space<vmem>>, vector<1x16xf32>,
      %swap3A_71 = vector.shape_cast %swap3A_70 : vector<1x16xf32> to vector<16xf32>
      %swap3A_72 = vector.shape_cast %broadcast_in_dim3A_11 : vector<16xf32> to vector<1x16xf32>
      tpu.vector_store %arg11[%swap3A_68, %swap3A_69], %swap3A_72 {strides = array<i32>} : memref<632x64xf32, #tpu.memory_space<vmem>>, vector<1x16xf32>,
    }
    %scan3A_16 = arith.constant 632 : i32
    "tpu.region"() ({
      %run_scoped3A = tpu.sem_alloc : memref<!tpu.dma_semaphore, #tpu.memory_space<semaphore_mem>>
      %dma_start3A_53 = arith.constant 0 : i32
      %dma_start3A_54 = tpu.memref_slice %arg12[%mul3A_2, %dma_start3A_53] : memref<10112x64xf32, #tpu.memory_space<vmem_shared>> -> memref<632x64xf32, #tpu.memory_space<vmem_shared>>
      %dma_start3A_55 = arith.constant 0 : i32
      %dma_start3A_56 = tpu.memref_slice %arg12[%mul3A_2, %dma_start3A_55] : memref<10112x64xf32, #tpu.memory_space<vmem_shared>> -> memref<632x64xf32, #tpu.memory_space<vmem_shared>>
      tpu.enqueue_dma source(%arg11 : memref<632x64xf32, #tpu.memory_space<vmem>>) target(%dma_start3A_56 : memref<632x64xf32, #tpu.memory_space<vmem_shared>>) target_semaphore(%run_scoped3A : memref<!tpu.dma_semaphore, #tpu.memory_space<semaphore_mem>>)
      %dma_wait3A = arith.constant 0 : i32
      %dma_wait3A_57 = tpu.memref_slice %arg12[%mul3A_2, %dma_wait3A] : memref<10112x64xf32, #tpu.memory_space<vmem_shared>> -> memref<632x64xf32, #tpu.memory_space<vmem_shared>>
      %dma_wait3A_58 = arith.constant 0 : i32
      %dma_wait3A_59 = tpu.memref_slice %arg12[%mul3A_2, %dma_wait3A_58] : memref<10112x64xf32, #tpu.memory_space<vmem_shared>> -> memref<632x64xf32, #tpu.memory_space<vmem_shared>>
      tpu.wait_dma2 semaphore(%run_scoped3A : memref<!tpu.dma_semaphore, #tpu.memory_space<semaphore_mem>>) src(%arg11 : memref<632x64xf32, #tpu.memory_space<vmem>>) dst(%dma_wait3A_59 : memref<632x64xf32, #tpu.memory_space<vmem_shared>>)
      tpu.yield
    }) : () -> ()
    %barrier3A = arith.constant 0 : index
    tpu.barrier barrier_id(%barrier3A)
    %jit3A_17 = arith.constant 2 : i32
    %div3A = arith.divsi %select_n3A, %jit3A_17 : i32
    %sign3A = arith.constant 0 : i32
    %sign3A_18 = arith.cmpi sgt, %select_n3A, %sign3A : i32
    %sign3A_19 = arith.extui %sign3A_18 : i1 to i32
    %sign3A_20 = arith.constant 0 : i32
    %sign3A_21 = arith.cmpi slt, %select_n3A, %sign3A_20 : i32
    %sign3A_22 = arith.extui %sign3A_21 : i1 to i32
    %sign3A_23 = arith.subi %sign3A_19, %sign3A_22 : i32
    %sign3A_24 = arith.constant 0 : i32
    %sign3A_25 = arith.cmpi sgt, %jit3A_17, %sign3A_24 : i32
    %sign3A_26 = arith.extui %sign3A_25 : i1 to i32
    %sign3A_27 = arith.constant 0 : i32
    %sign3A_28 = arith.cmpi slt, %jit3A_17, %sign3A_27 : i32
    %sign3A_29 = arith.extui %sign3A_28 : i1 to i32
    %sign3A_30 = arith.subi %sign3A_26, %sign3A_29 : i32
    %ne3A = arith.cmpi ne, %sign3A_23, %sign3A_30 : i32
    %rem3A = arith.remsi %select_n3A, %jit3A_17 : i32
    %ne3A_31 = arith.constant 0 : i32
    %ne3A_32 = arith.cmpi ne, %rem3A, %ne3A_31 : i32
    %and3A = arith.andi %ne3A, %ne3A_32 : i1
    %sub3A = arith.constant 1 : i32
    %sub3A_33 = arith.subi %div3A, %sub3A : i32
    %select_n3A_34 = arith.select %and3A, %sub3A_33, %div3A : i32
    %while3A = arith.constant 0 : i32
    %while3A_35 = arith.constant 0 : i32
    %while3A_36 = arith.subi %select_n3A_34, %while3A_35 : i32
    %while3A_37 = arith.addi %while3A_35, %while3A_36 : i32
    %while3A_38 = arith.constant 1 : i32
    %while3A_39 = arith.divsi %while3A_36, %while3A_38 : i32
    %while3A_40 = arith.muli %while3A_39, %while3A_38 : i32
    %while3A_41 = arith.addi %while3A_35, %while3A_40 : i32
    %while3A_42 = arith.constant 1 : i32
    scf.for %while3A_53 = %while3A_35 to %while3A_41 step %while3A_42  : i32 {
      %mul3A_54 = arith.constant 2 : i32
      %mul3A_55 = arith.muli %mul3A_54, %while3A_53 : i32
      %add3A_56 = arith.constant 1 : i32
      %add3A_57 = arith.addi %mul3A_55, %add3A_56 : i32
      %dma_start3A_58 = arith.constant 0 : i32
      %dma_start3A_59 = tpu.memref_slice %arg7[%add3A_57, %dma_start3A_58] : memref<104x128xi32, #tpu.memory_space<vmem>> -> memref<1x128xi32, #tpu.memory_space<vmem>>
      %dma_start3A_60 = tpu.memref_squeeze %dma_start3A_59 : memref<1x128xi32, #tpu.memory_space<vmem>> -> memref<128xi32, #tpu.memory_space<vmem>>
      %dma_start3A_61 = arith.constant 0 : i32
      %dma_start3A_62 = arith.constant 0 : i32
      %dma_start3A_63 = tpu.memref_slice %arg2[%dma_start3A_61, %dma_start3A_62] : memref<10112x64xf32, #tpu.memory_space<hbm>> -> memref<10112x64xf32, #tpu.memory_space<hbm>>
      tpu.enqueue_indirect_dma source(%dma_start3A_63 : memref<10112x64xf32, #tpu.memory_space<hbm>>) target(%arg10 : memref<128x64xf32, #tpu.memory_space<vmem>>) offsets(%dma_start3A_60 : memref<128xi32, #tpu.memory_space<vmem>>) semaphore(%arg14 : memref<!tpu.dma_semaphore, #tpu.memory_space<semaphore_mem>>)
      %dma_wait3A = arith.constant 0 : i32
      %dma_wait3A_64 = tpu.memref_slice %arg7[%mul3A_55, %dma_wait3A] : memref<104x128xi32, #tpu.memory_space<vmem>> -> memref<1x128xi32, #tpu.memory_space<vmem>>
      %dma_wait3A_65 = tpu.memref_squeeze %dma_wait3A_64 : memref<1x128xi32, #tpu.memory_space<vmem>> -> memref<128xi32, #tpu.memory_space<vmem>>
      %dma_wait3A_66 = arith.constant 0 : i32
      %dma_wait3A_67 = arith.constant 0 : i32
      %dma_wait3A_68 = tpu.memref_slice %arg2[%dma_wait3A_66, %dma_wait3A_67] : memref<10112x64xf32, #tpu.memory_space<hbm>> -> memref<10112x64xf32, #tpu.memory_space<hbm>>
      tpu.wait_indirect_dma semaphore(%arg13 : memref<!tpu.dma_semaphore, #tpu.memory_space<semaphore_mem>>) src(%dma_wait3A_68 : memref<10112x64xf32, #tpu.memory_space<hbm>>) dst(%arg9 : memref<128x64xf32, #tpu.memory_space<vmem>>)
      "tpu.region"() ({
        %run_scoped3A = tpu.sem_alloc : memref<!tpu.dma_semaphore, #tpu.memory_space<semaphore_mem>>
        %dma_start3A_80 = arith.constant 0 : i32
        %dma_start3A_81 = tpu.memref_slice %arg8[%mul3A_55, %dma_start3A_80] : memref<104x128xi32, #tpu.memory_space<vmem>> -> memref<1x128xi32, #tpu.memory_space<vmem>>
        %dma_start3A_82 = tpu.memref_squeeze %dma_start3A_81 : memref<1x128xi32, #tpu.memory_space<vmem>> -> memref<128xi32, #tpu.memory_space<vmem>>
        %dma_start3A_83 = arith.constant 0 : i32
        %dma_start3A_84 = arith.constant 0 : i32
        %dma_start3A_85 = tpu.memref_slice %arg12[%dma_start3A_83, %dma_start3A_84] : memref<10112x64xf32, #tpu.memory_space<vmem_shared>> -> memref<10112x64xf32, #tpu.memory_space<vmem_shared>>
        tpu.enqueue_indirect_dma source(%arg9 : memref<128x64xf32, #tpu.memory_space<vmem>>) target(%dma_start3A_85 : memref<10112x64xf32, #tpu.memory_space<vmem_shared>>) offsets(%dma_start3A_82 : memref<128xi32, #tpu.memory_space<vmem>>) semaphore(%run_scoped3A : memref<!tpu.dma_semaphore, #tpu.memory_space<semaphore_mem>>) {add = true}
        %dma_wait3A_86 = arith.constant 0 : i32
        %dma_wait3A_87 = tpu.memref_slice %arg8[%mul3A_55, %dma_wait3A_86] : memref<104x128xi32, #tpu.memory_space<vmem>> -> memref<1x128xi32, #tpu.memory_space<vmem>>
        %dma_wait3A_88 = tpu.memref_squeeze %dma_wait3A_87 : memref<1x128xi32, #tpu.memory_space<vmem>> -> memref<128xi32, #tpu.memory_space<vmem>>
        %dma_wait3A_89 = arith.constant 0 : i32
        %dma_wait3A_90 = arith.constant 0 : i32
        %dma_wait3A_91 = tpu.memref_slice %arg12[%dma_wait3A_89, %dma_wait3A_90] : memref<10112x64xf32, #tpu.memory_space<vmem_shared>> -> memref<10112x64xf32, #tpu.memory_space<vmem_shared>>
        tpu.wait_indirect_dma semaphore(%run_scoped3A : memref<!tpu.dma_semaphore, #tpu.memory_space<semaphore_mem>>) src(%arg9 : memref<128x64xf32, #tpu.memory_space<vmem>>) dst(%dma_wait3A_91 : memref<10112x64xf32, #tpu.memory_space<vmem_shared>>)
        tpu.yield
      }) : () -> ()
      %add3A_69 = arith.constant 1 : i32
      %add3A_70 = arith.addi %add3A_57, %add3A_69 : i32
      %lt3A = arith.cmpi slt, %add3A_70, %select_n3A : i32
      %convert_element_type3A_71 = arith.extui %lt3A : i1 to i32
      %cond3A_72 = arith.constant 0 : i32
      %cond3A_73 = arith.cmpi ne, %convert_element_type3A_71, %cond3A_72 : i32
      scf.if %cond3A_73 {
        %add3A_80 = arith.constant 1 : i32
        %add3A_81 = arith.addi %add3A_57, %add3A_80 : i32
        %dma_start3A_82 = arith.constant 0 : i32
        %dma_start3A_83 = tpu.memref_slice %arg7[%add3A_81, %dma_start3A_82] : memref<104x128xi32, #tpu.memory_space<vmem>> -> memref<1x128xi32, #tpu.memory_space<vmem>>
        %dma_start3A_84 = tpu.memref_squeeze %dma_start3A_83 : memref<1x128xi32, #tpu.memory_space<vmem>> -> memref<128xi32, #tpu.memory_space<vmem>>
        %dma_start3A_85 = arith.constant 0 : i32
        %dma_start3A_86 = arith.constant 0 : i32
        %dma_start3A_87 = tpu.memref_slice %arg2[%dma_start3A_85, %dma_start3A_86] : memref<10112x64xf32, #tpu.memory_space<hbm>> -> memref<10112x64xf32, #tpu.memory_space<hbm>>
        tpu.enqueue_indirect_dma source(%dma_start3A_87 : memref<10112x64xf32, #tpu.memory_space<hbm>>) target(%arg9 : memref<128x64xf32, #tpu.memory_space<vmem>>) offsets(%dma_start3A_84 : memref<128xi32, #tpu.memory_space<vmem>>) semaphore(%arg13 : memref<!tpu.dma_semaphore, #tpu.memory_space<semaphore_mem>>)
      } else {
      }
      %dma_wait3A_74 = arith.constant 0 : i32
      %dma_wait3A_75 = tpu.memref_slice %arg7[%add3A_57, %dma_wait3A_74] : memref<104x128xi32, #tpu.memory_space<vmem>> -> memref<1x128xi32, #tpu.memory_space<vmem>>
      %dma_wait3A_76 = tpu.memref_squeeze %dma_wait3A_75 : memref<1x128xi32, #tpu.memory_space<vmem>> -> memref<128xi32, #tpu.memory_space<vmem>>
      %dma_wait3A_77 = arith.constant 0 : i32
      %dma_wait3A_78 = arith.constant 0 : i32
      %dma_wait3A_79 = tpu.memref_slice %arg2[%dma_wait3A_77, %dma_wait3A_78] : memref<10112x64xf32, #tpu.memory_space<hbm>> -> memref<10112x64xf32, #tpu.memory_space<hbm>>
      tpu.wait_indirect_dma semaphore(%arg14 : memref<!tpu.dma_semaphore, #tpu.memory_space<semaphore_mem>>) src(%dma_wait3A_79 : memref<10112x64xf32, #tpu.memory_space<hbm>>) dst(%arg10 : memref<128x64xf32, #tpu.memory_space<vmem>>)
      "tpu.region"() ({
        %run_scoped3A = tpu.sem_alloc : memref<!tpu.dma_semaphore, #tpu.memory_space<semaphore_mem>>
        %dma_start3A_80 = arith.constant 0 : i32
        %dma_start3A_81 = tpu.memref_slice %arg8[%add3A_57, %dma_start3A_80] : memref<104x128xi32, #tpu.memory_space<vmem>> -> memref<1x128xi32, #tpu.memory_space<vmem>>
        %dma_start3A_82 = tpu.memref_squeeze %dma_start3A_81 : memref<1x128xi32, #tpu.memory_space<vmem>> -> memref<128xi32, #tpu.memory_space<vmem>>
        %dma_start3A_83 = arith.constant 0 : i32
        %dma_start3A_84 = arith.constant 0 : i32
        %dma_start3A_85 = tpu.memref_slice %arg12[%dma_start3A_83, %dma_start3A_84] : memref<10112x64xf32, #tpu.memory_space<vmem_shared>> -> memref<10112x64xf32, #tpu.memory_space<vmem_shared>>
        tpu.enqueue_indirect_dma source(%arg10 : memref<128x64xf32, #tpu.memory_space<vmem>>) target(%dma_start3A_85 : memref<10112x64xf32, #tpu.memory_space<vmem_shared>>) offsets(%dma_start3A_82 : memref<128xi32, #tpu.memory_space<vmem>>) semaphore(%run_scoped3A : memref<!tpu.dma_semaphore, #tpu.memory_space<semaphore_mem>>) {add = true}
        %dma_wait3A_86 = arith.constant 0 : i32
        %dma_wait3A_87 = tpu.memref_slice %arg8[%add3A_57, %dma_wait3A_86] : memref<104x128xi32, #tpu.memory_space<vmem>> -> memref<1x128xi32, #tpu.memory_space<vmem>>
        %dma_wait3A_88 = tpu.memref_squeeze %dma_wait3A_87 : memref<1x128xi32, #tpu.memory_space<vmem>> -> memref<128xi32, #tpu.memory_space<vmem>>
        %dma_wait3A_89 = arith.constant 0 : i32
        %dma_wait3A_90 = arith.constant 0 : i32
        %dma_wait3A_91 = tpu.memref_slice %arg12[%dma_wait3A_89, %dma_wait3A_90] : memref<10112x64xf32, #tpu.memory_space<vmem_shared>> -> memref<10112x64xf32, #tpu.memory_space<vmem_shared>>
        tpu.wait_indirect_dma semaphore(%run_scoped3A : memref<!tpu.dma_semaphore, #tpu.memory_space<semaphore_mem>>) src(%arg10 : memref<128x64xf32, #tpu.memory_space<vmem>>) dst(%dma_wait3A_91 : memref<10112x64xf32, #tpu.memory_space<vmem_shared>>)
        tpu.yield
      }) : () -> ()
    }
    %while3A_43 = arith.constant 1 : i32
    scf.for %while3A_53 = %while3A_41 to %while3A_37 step %while3A_43  : i32 {
      %mul3A_54 = arith.constant 2 : i32
      %mul3A_55 = arith.muli %mul3A_54, %while3A_53 : i32
      %add3A_56 = arith.constant 1 : i32
      %add3A_57 = arith.addi %mul3A_55, %add3A_56 : i32
      %dma_start3A_58 = arith.constant 0 : i32
      %dma_start3A_59 = tpu.memref_slice %arg7[%add3A_57, %dma_start3A_58] : memref<104x128xi32, #tpu.memory_space<vmem>> -> memref<1x128xi32, #tpu.memory_space<vmem>>
      %dma_start3A_60 = tpu.memref_squeeze %dma_start3A_59 : memref<1x128xi32, #tpu.memory_space<vmem>> -> memref<128xi32, #tpu.memory_space<vmem>>
      %dma_start3A_61 = arith.constant 0 : i32
      %dma_start3A_62 = arith.constant 0 : i32
      %dma_start3A_63 = tpu.memref_slice %arg2[%dma_start3A_61, %dma_start3A_62] : memref<10112x64xf32, #tpu.memory_space<hbm>> -> memref<10112x64xf32, #tpu.memory_space<hbm>>
      tpu.enqueue_indirect_dma source(%dma_start3A_63 : memref<10112x64xf32, #tpu.memory_space<hbm>>) target(%arg10 : memref<128x64xf32, #tpu.memory_space<vmem>>) offsets(%dma_start3A_60 : memref<128xi32, #tpu.memory_space<vmem>>) semaphore(%arg14 : memref<!tpu.dma_semaphore, #tpu.memory_space<semaphore_mem>>)
      %dma_wait3A = arith.constant 0 : i32
      %dma_wait3A_64 = tpu.memref_slice %arg7[%mul3A_55, %dma_wait3A] : memref<104x128xi32, #tpu.memory_space<vmem>> -> memref<1x128xi32, #tpu.memory_space<vmem>>
      %dma_wait3A_65 = tpu.memref_squeeze %dma_wait3A_64 : memref<1x128xi32, #tpu.memory_space<vmem>> -> memref<128xi32, #tpu.memory_space<vmem>>
      %dma_wait3A_66 = arith.constant 0 : i32
      %dma_wait3A_67 = arith.constant 0 : i32
      %dma_wait3A_68 = tpu.memref_slice %arg2[%dma_wait3A_66, %dma_wait3A_67] : memref<10112x64xf32, #tpu.memory_space<hbm>> -> memref<10112x64xf32, #tpu.memory_space<hbm>>
      tpu.wait_indirect_dma semaphore(%arg13 : memref<!tpu.dma_semaphore, #tpu.memory_space<semaphore_mem>>) src(%dma_wait3A_68 : memref<10112x64xf32, #tpu.memory_space<hbm>>) dst(%arg9 : memref<128x64xf32, #tpu.memory_space<vmem>>)
      "tpu.region"() ({
        %run_scoped3A = tpu.sem_alloc : memref<!tpu.dma_semaphore, #tpu.memory_space<semaphore_mem>>
        %dma_start3A_80 = arith.constant 0 : i32
        %dma_start3A_81 = tpu.memref_slice %arg8[%mul3A_55, %dma_start3A_80] : memref<104x128xi32, #tpu.memory_space<vmem>> -> memref<1x128xi32, #tpu.memory_space<vmem>>
        %dma_start3A_82 = tpu.memref_squeeze %dma_start3A_81 : memref<1x128xi32, #tpu.memory_space<vmem>> -> memref<128xi32, #tpu.memory_space<vmem>>
        %dma_start3A_83 = arith.constant 0 : i32
        %dma_start3A_84 = arith.constant 0 : i32
        %dma_start3A_85 = tpu.memref_slice %arg12[%dma_start3A_83, %dma_start3A_84] : memref<10112x64xf32, #tpu.memory_space<vmem_shared>> -> memref<10112x64xf32, #tpu.memory_space<vmem_shared>>
        tpu.enqueue_indirect_dma source(%arg9 : memref<128x64xf32, #tpu.memory_space<vmem>>) target(%dma_start3A_85 : memref<10112x64xf32, #tpu.memory_space<vmem_shared>>) offsets(%dma_start3A_82 : memref<128xi32, #tpu.memory_space<vmem>>) semaphore(%run_scoped3A : memref<!tpu.dma_semaphore, #tpu.memory_space<semaphore_mem>>) {add = true}
        %dma_wait3A_86 = arith.constant 0 : i32
        %dma_wait3A_87 = tpu.memref_slice %arg8[%mul3A_55, %dma_wait3A_86] : memref<104x128xi32, #tpu.memory_space<vmem>> -> memref<1x128xi32, #tpu.memory_space<vmem>>
        %dma_wait3A_88 = tpu.memref_squeeze %dma_wait3A_87 : memref<1x128xi32, #tpu.memory_space<vmem>> -> memref<128xi32, #tpu.memory_space<vmem>>
        %dma_wait3A_89 = arith.constant 0 : i32
        %dma_wait3A_90 = arith.constant 0 : i32
        %dma_wait3A_91 = tpu.memref_slice %arg12[%dma_wait3A_89, %dma_wait3A_90] : memref<10112x64xf32, #tpu.memory_space<vmem_shared>> -> memref<10112x64xf32, #tpu.memory_space<vmem_shared>>
        tpu.wait_indirect_dma semaphore(%run_scoped3A : memref<!tpu.dma_semaphore, #tpu.memory_space<semaphore_mem>>) src(%arg9 : memref<128x64xf32, #tpu.memory_space<vmem>>) dst(%dma_wait3A_91 : memref<10112x64xf32, #tpu.memory_space<vmem_shared>>)
        tpu.yield
      }) : () -> ()
      %add3A_69 = arith.constant 1 : i32
      %add3A_70 = arith.addi %add3A_57, %add3A_69 : i32
      %lt3A = arith.cmpi slt, %add3A_70, %select_n3A : i32
      %convert_element_type3A_71 = arith.extui %lt3A : i1 to i32
      %cond3A_72 = arith.constant 0 : i32
      %cond3A_73 = arith.cmpi ne, %convert_element_type3A_71, %cond3A_72 : i32
      scf.if %cond3A_73 {
        %add3A_80 = arith.constant 1 : i32
        %add3A_81 = arith.addi %add3A_57, %add3A_80 : i32
        %dma_start3A_82 = arith.constant 0 : i32
        %dma_start3A_83 = tpu.memref_slice %arg7[%add3A_81, %dma_start3A_82] : memref<104x128xi32, #tpu.memory_space<vmem>> -> memref<1x128xi32, #tpu.memory_space<vmem>>
        %dma_start3A_84 = tpu.memref_squeeze %dma_start3A_83 : memref<1x128xi32, #tpu.memory_space<vmem>> -> memref<128xi32, #tpu.memory_space<vmem>>
        %dma_start3A_85 = arith.constant 0 : i32
        %dma_start3A_86 = arith.constant 0 : i32
        %dma_start3A_87 = tpu.memref_slice %arg2[%dma_start3A_85, %dma_start3A_86] : memref<10112x64xf32, #tpu.memory_space<hbm>> -> memref<10112x64xf32, #tpu.memory_space<hbm>>
        tpu.enqueue_indirect_dma source(%dma_start3A_87 : memref<10112x64xf32, #tpu.memory_space<hbm>>) target(%arg9 : memref<128x64xf32, #tpu.memory_space<vmem>>) offsets(%dma_start3A_84 : memref<128xi32, #tpu.memory_space<vmem>>) semaphore(%arg13 : memref<!tpu.dma_semaphore, #tpu.memory_space<semaphore_mem>>)
      } else {
      }
      %dma_wait3A_74 = arith.constant 0 : i32
      %dma_wait3A_75 = tpu.memref_slice %arg7[%add3A_57, %dma_wait3A_74] : memref<104x128xi32, #tpu.memory_space<vmem>> -> memref<1x128xi32, #tpu.memory_space<vmem>>
      %dma_wait3A_76 = tpu.memref_squeeze %dma_wait3A_75 : memref<1x128xi32, #tpu.memory_space<vmem>> -> memref<128xi32, #tpu.memory_space<vmem>>
      %dma_wait3A_77 = arith.constant 0 : i32
      %dma_wait3A_78 = arith.constant 0 : i32
      %dma_wait3A_79 = tpu.memref_slice %arg2[%dma_wait3A_77, %dma_wait3A_78] : memref<10112x64xf32, #tpu.memory_space<hbm>> -> memref<10112x64xf32, #tpu.memory_space<hbm>>
      tpu.wait_indirect_dma semaphore(%arg14 : memref<!tpu.dma_semaphore, #tpu.memory_space<semaphore_mem>>) src(%dma_wait3A_79 : memref<10112x64xf32, #tpu.memory_space<hbm>>) dst(%arg10 : memref<128x64xf32, #tpu.memory_space<vmem>>)
      "tpu.region"() ({
        %run_scoped3A = tpu.sem_alloc : memref<!tpu.dma_semaphore, #tpu.memory_space<semaphore_mem>>
        %dma_start3A_80 = arith.constant 0 : i32
        %dma_start3A_81 = tpu.memref_slice %arg8[%add3A_57, %dma_start3A_80] : memref<104x128xi32, #tpu.memory_space<vmem>> -> memref<1x128xi32, #tpu.memory_space<vmem>>
        %dma_start3A_82 = tpu.memref_squeeze %dma_start3A_81 : memref<1x128xi32, #tpu.memory_space<vmem>> -> memref<128xi32, #tpu.memory_space<vmem>>
        %dma_start3A_83 = arith.constant 0 : i32
        %dma_start3A_84 = arith.constant 0 : i32
        %dma_start3A_85 = tpu.memref_slice %arg12[%dma_start3A_83, %dma_start3A_84] : memref<10112x64xf32, #tpu.memory_space<vmem_shared>> -> memref<10112x64xf32, #tpu.memory_space<vmem_shared>>
        tpu.enqueue_indirect_dma source(%arg10 : memref<128x64xf32, #tpu.memory_space<vmem>>) target(%dma_start3A_85 : memref<10112x64xf32, #tpu.memory_space<vmem_shared>>) offsets(%dma_start3A_82 : memref<128xi32, #tpu.memory_space<vmem>>) semaphore(%run_scoped3A : memref<!tpu.dma_semaphore, #tpu.memory_space<semaphore_mem>>) {add = true}
        %dma_wait3A_86 = arith.constant 0 : i32
        %dma_wait3A_87 = tpu.memref_slice %arg8[%add3A_57, %dma_wait3A_86] : memref<104x128xi32, #tpu.memory_space<vmem>> -> memref<1x128xi32, #tpu.memory_space<vmem>>
        %dma_wait3A_88 = tpu.memref_squeeze %dma_wait3A_87 : memref<1x128xi32, #tpu.memory_space<vmem>> -> memref<128xi32, #tpu.memory_space<vmem>>
        %dma_wait3A_89 = arith.constant 0 : i32
        %dma_wait3A_90 = arith.constant 0 : i32
        %dma_wait3A_91 = tpu.memref_slice %arg12[%dma_wait3A_89, %dma_wait3A_90] : memref<10112x64xf32, #tpu.memory_space<vmem_shared>> -> memref<10112x64xf32, #tpu.memory_space<vmem_shared>>
        tpu.wait_indirect_dma semaphore(%run_scoped3A : memref<!tpu.dma_semaphore, #tpu.memory_space<semaphore_mem>>) src(%arg10 : memref<128x64xf32, #tpu.memory_space<vmem>>) dst(%dma_wait3A_91 : memref<10112x64xf32, #tpu.memory_space<vmem_shared>>)
        tpu.yield
      }) : () -> ()
    }
    %barrier3A_44 = arith.constant 0 : index
    tpu.barrier barrier_id(%barrier3A_44)
    "tpu.region"() ({
      %run_scoped3A = tpu.sem_alloc : memref<!tpu.dma_semaphore, #tpu.memory_space<semaphore_mem>>
      %dma_start3A_53 = arith.constant 0 : i32
      %dma_start3A_54 = tpu.memref_slice %arg12[%mul3A_2, %dma_start3A_53] : memref<10112x64xf32, #tpu.memory_space<vmem_shared>> -> memref<632x64xf32, #tpu.memory_space<vmem_shared>>
      %dma_start3A_55 = arith.constant 0 : i32
      %dma_start3A_56 = tpu.memref_slice %arg12[%mul3A_2, %dma_start3A_55] : memref<10112x64xf32, #tpu.memory_space<vmem_shared>> -> memref<632x64xf32, #tpu.memory_space<vmem_shared>>
      tpu.enqueue_dma source(%dma_start3A_56 : memref<632x64xf32, #tpu.memory_space<vmem_shared>>) target(%arg11 : memref<632x64xf32, #tpu.memory_space<vmem>>) target_semaphore(%run_scoped3A : memref<!tpu.dma_semaphore, #tpu.memory_space<semaphore_mem>>)
      %dma_wait3A = arith.constant 0 : i32
      %dma_wait3A_57 = tpu.memref_slice %arg12[%mul3A_2, %dma_wait3A] : memref<10112x64xf32, #tpu.memory_space<vmem_shared>> -> memref<632x64xf32, #tpu.memory_space<vmem_shared>>
      %dma_wait3A_58 = arith.constant 0 : i32
      %dma_wait3A_59 = tpu.memref_slice %arg12[%mul3A_2, %dma_wait3A_58] : memref<10112x64xf32, #tpu.memory_space<vmem_shared>> -> memref<632x64xf32, #tpu.memory_space<vmem_shared>>
      tpu.wait_dma2 semaphore(%run_scoped3A : memref<!tpu.dma_semaphore, #tpu.memory_space<semaphore_mem>>) src(%dma_wait3A_59 : memref<632x64xf32, #tpu.memory_space<vmem_shared>>) dst(%arg11 : memref<632x64xf32, #tpu.memory_space<vmem>>)
      tpu.yield
    }) : () -> ()
    %eq3A_45 = arith.constant 0 : i32
    %eq3A_46 = arith.cmpi eq, %arg0, %eq3A_45 : i32
    %convert_element_type3A = arith.extui %eq3A_46 : i1 to i32
    %cond3A = arith.constant 0 : i32
    %cond3A_47 = arith.cmpi ne, %convert_element_type3A, %cond3A : i32
    scf.if %cond3A_47 {
      "tpu.region"() ({
        %run_scoped3A = tpu.sem_alloc : memref<!tpu.dma_semaphore, #tpu.memory_space<semaphore_mem>>
        %dma_start3A_53 = arith.constant 0 : i32
        %dma_start3A_54 = tpu.memref_slice %arg5[%mul3A_2, %dma_start3A_53] : memref<10112x64xf32, #tpu.memory_space<hbm>> -> memref<632x64xf32, #tpu.memory_space<hbm>>
        %dma_start3A_55 = arith.constant 0 : i32
        %dma_start3A_56 = tpu.memref_slice %arg5[%mul3A_2, %dma_start3A_55] : memref<10112x64xf32, #tpu.memory_space<hbm>> -> memref<632x64xf32, #tpu.memory_space<hbm>>
        tpu.enqueue_dma source(%arg11 : memref<632x64xf32, #tpu.memory_space<vmem>>) target(%dma_start3A_56 : memref<632x64xf32, #tpu.memory_space<hbm>>) target_semaphore(%run_scoped3A : memref<!tpu.dma_semaphore, #tpu.memory_space<semaphore_mem>>)
        %dma_wait3A = arith.constant 0 : i32
        %dma_wait3A_57 = tpu.memref_slice %arg5[%mul3A_2, %dma_wait3A] : memref<10112x64xf32, #tpu.memory_space<hbm>> -> memref<632x64xf32, #tpu.memory_space<hbm>>
        %dma_wait3A_58 = arith.constant 0 : i32
        %dma_wait3A_59 = tpu.memref_slice %arg5[%mul3A_2, %dma_wait3A_58] : memref<10112x64xf32, #tpu.memory_space<hbm>> -> memref<632x64xf32, #tpu.memory_space<hbm>>
        tpu.wait_dma2 semaphore(%run_scoped3A : memref<!tpu.dma_semaphore, #tpu.memory_space<semaphore_mem>>) src(%arg11 : memref<632x64xf32, #tpu.memory_space<vmem>>) dst(%dma_wait3A_59 : memref<632x64xf32, #tpu.memory_space<hbm>>)
        tpu.yield
      }) : () -> ()
    } else {
    }
    %eq3A_48 = arith.constant 1 : i32
    %eq3A_49 = arith.cmpi eq, %arg0, %eq3A_48 : i32
    %convert_element_type3A_50 = arith.extui %eq3A_49 : i1 to i32
    %cond3A_51 = arith.constant 0 : i32
    %cond3A_52 = arith.cmpi ne, %convert_element_type3A_50, %cond3A_51 : i32
    scf.if %cond3A_52 {
      "tpu.region"() ({
        %run_scoped3A = tpu.sem_alloc : memref<!tpu.dma_semaphore, #tpu.memory_space<semaphore_mem>>
        %dma_start3A_53 = arith.constant 0 : i32
        %dma_start3A_54 = tpu.memref_slice %arg6[%mul3A_2, %dma_start3A_53] : memref<10112x64xf32, #tpu.memory_space<hbm>> -> memref<632x64xf32, #tpu.memory_space<hbm>>
        %dma_start3A_55 = arith.constant 0 : i32
        %dma_start3A_56 = tpu.memref_slice %arg6[%mul3A_2, %dma_start3A_55] : memref<10112x64xf32, #tpu.memory_space<hbm>> -> memref<632x64xf32, #tpu.memory_space<hbm>>
        tpu.enqueue_dma source(%arg11 : memref<632x64xf32, #tpu.memory_space<vmem>>) target(%dma_start3A_56 : memref<632x64xf32, #tpu.memory_space<hbm>>) target_semaphore(%run_scoped3A : memref<!tpu.dma_semaphore, #tpu.memory_space<semaphore_mem>>)
        %dma_wait3A = arith.constant 0 : i32
        %dma_wait3A_57 = tpu.memref_slice %arg6[%mul3A_2, %dma_wait3A] : memref<10112x64xf32, #tpu.memory_space<hbm>> -> memref<632x64xf32, #tpu.memory_space<hbm>>
        %dma_wait3A_58 = arith.constant 0 : i32
        %dma_wait3A_59 = tpu.memref_slice %arg6[%mul3A_2, %dma_wait3A_58] : memref<10112x64xf32, #tpu.memory_space<hbm>> -> memref<632x64xf32, #tpu.memory_space<hbm>>
        tpu.wait_dma2 semaphore(%run_scoped3A : memref<!tpu.dma_semaphore, #tpu.memory_space<semaphore_mem>>) src(%arg11 : memref<632x64xf32, #tpu.memory_space<vmem>>) dst(%dma_wait3A_59 : memref<632x64xf32, #tpu.memory_space<hbm>>)
        tpu.yield
      }) : () -> ()
    } else {
    }
    return
  }
}

#map = affine_map<(d0, d1) -> (0, 0)>
#map1 = affine_map<(d0, d1) -> (0, 0, 0)>
module attributes {stable_mosaic.version = 14 : i64} {
  func.func @_sc_agg_body(%arg0: i32, %arg1: i32, %arg2: memref<10112x64xf32, #tpu.memory_space<hbm>>, %arg3: memref<32x104x128xi32, #tpu.memory_space<hbm>>, %arg4: memref<32x104x128xi32, #tpu.memory_space<hbm>>, %arg5: memref<10112x64xf32, #tpu.memory_space<hbm>>, %arg6: memref<10112x64xf32, #tpu.memory_space<hbm>>, %arg7: memref<104x128xi32, #tpu.memory_space<vmem>>, %arg8: memref<104x128xi32, #tpu.memory_space<vmem>>, %arg9: memref<128x64xf32, #tpu.memory_space<vmem>>, %arg10: memref<128x64xf32, #tpu.memory_space<vmem>>, %arg11: memref<632x64xf32, #tpu.memory_space<vmem>>, %arg12: memref<10112x64xf32, #tpu.memory_space<vmem_shared>>, %arg13: memref<!tpu.dma_semaphore, #tpu.memory_space<semaphore_mem>>, %arg14: memref<!tpu.dma_semaphore, #tpu.memory_space<semaphore_mem>>) attributes {dimension_semantics = [#tpu.dimension_semantics<core_parallel>, #tpu.dimension_semantics<subcore_parallel>], iteration_bounds = array<i64: 2, 16>, scalar_prefetch = 0 : i64, scratch_operands = 8 : i64, tpu.core_type = #tpu.core_type<sc_vector_subcore>, window_params = [{transform_indices = #map}, {transform_indices = #map1}, {transform_indices = #map1}, {transform_indices = #map}, {transform_indices = #map}]} {
    %mul3A = arith.constant 2 : i32
    %mul3A_0 = arith.muli %arg1, %mul3A : i32
    %add3A = arith.addi %mul3A_0, %arg0 : i32
    %mul3A_1 = arith.constant 632 : i32
    %mul3A_2 = arith.muli %arg1, %mul3A_1 : i32
    %eq3A = arith.constant 0 : i32
    %eq3A_3 = arith.cmpi eq, %arg0, %eq3A : i32
    %jit3A = arith.constant 104 : i32
    %jit3A_4 = arith.constant 54 : i32
    %select_n3A = arith.select %eq3A_3, %jit3A, %jit3A_4 : i32
    "tpu.region"() ({
      %run_scoped3A = tpu.sem_alloc : memref<!tpu.dma_semaphore, #tpu.memory_space<semaphore_mem>>
      %dma_start3A_53 = arith.constant 0 : i32
      %dma_start3A_54 = arith.constant 0 : i32
      %dma_start3A_55 = tpu.memref_slice %arg3[%add3A, %dma_start3A_53, %dma_start3A_54] : memref<32x104x128xi32, #tpu.memory_space<hbm>> -> memref<1x104x128xi32, #tpu.memory_space<hbm>>
      %dma_start3A_56 = tpu.memref_squeeze %dma_start3A_55 : memref<1x104x128xi32, #tpu.memory_space<hbm>> -> memref<104x128xi32, #tpu.memory_space<hbm>>
      %dma_start3A_57 = arith.constant 0 : i32
      %dma_start3A_58 = arith.constant 0 : i32
      %dma_start3A_59 = tpu.memref_slice %arg3[%add3A, %dma_start3A_57, %dma_start3A_58] : memref<32x104x128xi32, #tpu.memory_space<hbm>> -> memref<1x104x128xi32, #tpu.memory_space<hbm>>
      %dma_start3A_60 = tpu.memref_squeeze %dma_start3A_59 : memref<1x104x128xi32, #tpu.memory_space<hbm>> -> memref<104x128xi32, #tpu.memory_space<hbm>>
      tpu.enqueue_dma source(%dma_start3A_60 : memref<104x128xi32, #tpu.memory_space<hbm>>) target(%arg7 : memref<104x128xi32, #tpu.memory_space<vmem>>) target_semaphore(%run_scoped3A : memref<!tpu.dma_semaphore, #tpu.memory_space<semaphore_mem>>)
      %dma_wait3A = arith.constant 0 : i32
      %dma_wait3A_61 = arith.constant 0 : i32
      %dma_wait3A_62 = tpu.memref_slice %arg3[%add3A, %dma_wait3A, %dma_wait3A_61] : memref<32x104x128xi32, #tpu.memory_space<hbm>> -> memref<1x104x128xi32, #tpu.memory_space<hbm>>
      %dma_wait3A_63 = tpu.memref_squeeze %dma_wait3A_62 : memref<1x104x128xi32, #tpu.memory_space<hbm>> -> memref<104x128xi32, #tpu.memory_space<hbm>>
      %dma_wait3A_64 = arith.constant 0 : i32
      %dma_wait3A_65 = arith.constant 0 : i32
      %dma_wait3A_66 = tpu.memref_slice %arg3[%add3A, %dma_wait3A_64, %dma_wait3A_65] : memref<32x104x128xi32, #tpu.memory_space<hbm>> -> memref<1x104x128xi32, #tpu.memory_space<hbm>>
      %dma_wait3A_67 = tpu.memref_squeeze %dma_wait3A_66 : memref<1x104x128xi32, #tpu.memory_space<hbm>> -> memref<104x128xi32, #tpu.memory_space<hbm>>
      tpu.wait_dma2 semaphore(%run_scoped3A : memref<!tpu.dma_semaphore, #tpu.memory_space<semaphore_mem>>) src(%dma_wait3A_67 : memref<104x128xi32, #tpu.memory_space<hbm>>) dst(%arg7 : memref<104x128xi32, #tpu.memory_space<vmem>>)
      tpu.yield
    }) : () -> ()
    "tpu.region"() ({
      %run_scoped3A = tpu.sem_alloc : memref<!tpu.dma_semaphore, #tpu.memory_space<semaphore_mem>>
      %dma_start3A_53 = arith.constant 0 : i32
      %dma_start3A_54 = arith.constant 0 : i32
      %dma_start3A_55 = tpu.memref_slice %arg4[%add3A, %dma_start3A_53, %dma_start3A_54] : memref<32x104x128xi32, #tpu.memory_space<hbm>> -> memref<1x104x128xi32, #tpu.memory_space<hbm>>
      %dma_start3A_56 = tpu.memref_squeeze %dma_start3A_55 : memref<1x104x128xi32, #tpu.memory_space<hbm>> -> memref<104x128xi32, #tpu.memory_space<hbm>>
      %dma_start3A_57 = arith.constant 0 : i32
      %dma_start3A_58 = arith.constant 0 : i32
      %dma_start3A_59 = tpu.memref_slice %arg4[%add3A, %dma_start3A_57, %dma_start3A_58] : memref<32x104x128xi32, #tpu.memory_space<hbm>> -> memref<1x104x128xi32, #tpu.memory_space<hbm>>
      %dma_start3A_60 = tpu.memref_squeeze %dma_start3A_59 : memref<1x104x128xi32, #tpu.memory_space<hbm>> -> memref<104x128xi32, #tpu.memory_space<hbm>>
      tpu.enqueue_dma source(%dma_start3A_60 : memref<104x128xi32, #tpu.memory_space<hbm>>) target(%arg8 : memref<104x128xi32, #tpu.memory_space<vmem>>) target_semaphore(%run_scoped3A : memref<!tpu.dma_semaphore, #tpu.memory_space<semaphore_mem>>)
      %dma_wait3A = arith.constant 0 : i32
      %dma_wait3A_61 = arith.constant 0 : i32
      %dma_wait3A_62 = tpu.memref_slice %arg4[%add3A, %dma_wait3A, %dma_wait3A_61] : memref<32x104x128xi32, #tpu.memory_space<hbm>> -> memref<1x104x128xi32, #tpu.memory_space<hbm>>
      %dma_wait3A_63 = tpu.memref_squeeze %dma_wait3A_62 : memref<1x104x128xi32, #tpu.memory_space<hbm>> -> memref<104x128xi32, #tpu.memory_space<hbm>>
      %dma_wait3A_64 = arith.constant 0 : i32
      %dma_wait3A_65 = arith.constant 0 : i32
      %dma_wait3A_66 = tpu.memref_slice %arg4[%add3A, %dma_wait3A_64, %dma_wait3A_65] : memref<32x104x128xi32, #tpu.memory_space<hbm>> -> memref<1x104x128xi32, #tpu.memory_space<hbm>>
      %dma_wait3A_67 = tpu.memref_squeeze %dma_wait3A_66 : memref<1x104x128xi32, #tpu.memory_space<hbm>> -> memref<104x128xi32, #tpu.memory_space<hbm>>
      tpu.wait_dma2 semaphore(%run_scoped3A : memref<!tpu.dma_semaphore, #tpu.memory_space<semaphore_mem>>) src(%dma_wait3A_67 : memref<104x128xi32, #tpu.memory_space<hbm>>) dst(%arg8 : memref<104x128xi32, #tpu.memory_space<vmem>>)
      tpu.yield
    }) : () -> ()
    %dma_start3A = arith.constant 0 : i32
    %dma_start3A_5 = arith.constant 0 : i32
    %dma_start3A_6 = tpu.memref_slice %arg7[%dma_start3A, %dma_start3A_5] : memref<104x128xi32, #tpu.memory_space<vmem>> -> memref<1x128xi32, #tpu.memory_space<vmem>>
    %dma_start3A_7 = tpu.memref_squeeze %dma_start3A_6 : memref<1x128xi32, #tpu.memory_space<vmem>> -> memref<128xi32, #tpu.memory_space<vmem>>
    %dma_start3A_8 = arith.constant 0 : i32
    %dma_start3A_9 = arith.constant 0 : i32
    %dma_start3A_10 = tpu.memref_slice %arg2[%dma_start3A_8, %dma_start3A_9] : memref<10112x64xf32, #tpu.memory_space<hbm>> -> memref<10112x64xf32, #tpu.memory_space<hbm>>
    tpu.enqueue_indirect_dma source(%dma_start3A_10 : memref<10112x64xf32, #tpu.memory_space<hbm>>) target(%arg9 : memref<128x64xf32, #tpu.memory_space<vmem>>) offsets(%dma_start3A_7 : memref<128xi32, #tpu.memory_space<vmem>>) semaphore(%arg13 : memref<!tpu.dma_semaphore, #tpu.memory_space<semaphore_mem>>)
    %broadcast_in_dim3A = arith.constant 0.000000e+00 : f32
    %broadcast_in_dim3A_11 = vector.broadcast %broadcast_in_dim3A : f32 to vector<16xf32>
    %scan3A = arith.constant 0 : i32
    %scan3A_12 = arith.constant 0 : i32
    %scan3A_13 = arith.constant 632 : i32
    %scan3A_14 = arith.addi %scan3A_12, %scan3A_13 : i32
    %scan3A_15 = arith.constant 1 : i32
    scf.for %scan3A_53 = %scan3A_12 to %scan3A_14 step %scan3A_15  : i32 {
      %swap3A = arith.index_cast %scan3A_53 : i32 to index
      %swap3A_54 = arith.constant 0 : index
      %swap3A_55 = tpu.vector_load %arg11[%swap3A, %swap3A_54] {strides = array<i32>} : memref<632x64xf32, #tpu.memory_space<vmem>>, vector<1x16xf32>,
      %swap3A_56 = vector.shape_cast %swap3A_55 : vector<1x16xf32> to vector<16xf32>
      %swap3A_57 = vector.shape_cast %broadcast_in_dim3A_11 : vector<16xf32> to vector<1x16xf32>
      tpu.vector_store %arg11[%swap3A, %swap3A_54], %swap3A_57 {strides = array<i32>} : memref<632x64xf32, #tpu.memory_space<vmem>>, vector<1x16xf32>,
      %swap3A_58 = arith.index_cast %scan3A_53 : i32 to index
      %swap3A_59 = arith.constant 16 : index
      %swap3A_60 = tpu.vector_load %arg11[%swap3A_58, %swap3A_59] {strides = array<i32>} : memref<632x64xf32, #tpu.memory_space<vmem>>, vector<1x16xf32>,
      %swap3A_61 = vector.shape_cast %swap3A_60 : vector<1x16xf32> to vector<16xf32>
      %swap3A_62 = vector.shape_cast %broadcast_in_dim3A_11 : vector<16xf32> to vector<1x16xf32>
      tpu.vector_store %arg11[%swap3A_58, %swap3A_59], %swap3A_62 {strides = array<i32>} : memref<632x64xf32, #tpu.memory_space<vmem>>, vector<1x16xf32>,
      %swap3A_63 = arith.index_cast %scan3A_53 : i32 to index
      %swap3A_64 = arith.constant 32 : index
      %swap3A_65 = tpu.vector_load %arg11[%swap3A_63, %swap3A_64] {strides = array<i32>} : memref<632x64xf32, #tpu.memory_space<vmem>>, vector<1x16xf32>,
      %swap3A_66 = vector.shape_cast %swap3A_65 : vector<1x16xf32> to vector<16xf32>
      %swap3A_67 = vector.shape_cast %broadcast_in_dim3A_11 : vector<16xf32> to vector<1x16xf32>
      tpu.vector_store %arg11[%swap3A_63, %swap3A_64], %swap3A_67 {strides = array<i32>} : memref<632x64xf32, #tpu.memory_space<vmem>>, vector<1x16xf32>,
      %swap3A_68 = arith.index_cast %scan3A_53 : i32 to index
      %swap3A_69 = arith.constant 48 : index
      %swap3A_70 = tpu.vector_load %arg11[%swap3A_68, %swap3A_69] {strides = array<i32>} : memref<632x64xf32, #tpu.memory_space<vmem>>, vector<1x16xf32>,
      %swap3A_71 = vector.shape_cast %swap3A_70 : vector<1x16xf32> to vector<16xf32>
      %swap3A_72 = vector.shape_cast %broadcast_in_dim3A_11 : vector<16xf32> to vector<1x16xf32>
      tpu.vector_store %arg11[%swap3A_68, %swap3A_69], %swap3A_72 {strides = array<i32>} : memref<632x64xf32, #tpu.memory_space<vmem>>, vector<1x16xf32>,
    }
    %scan3A_16 = arith.constant 632 : i32
    "tpu.region"() ({
      %run_scoped3A = tpu.sem_alloc : memref<!tpu.dma_semaphore, #tpu.memory_space<semaphore_mem>>
      %dma_start3A_53 = arith.constant 0 : i32
      %dma_start3A_54 = tpu.memref_slice %arg12[%mul3A_2, %dma_start3A_53] : memref<10112x64xf32, #tpu.memory_space<vmem_shared>> -> memref<632x64xf32, #tpu.memory_space<vmem_shared>>
      %dma_start3A_55 = arith.constant 0 : i32
      %dma_start3A_56 = tpu.memref_slice %arg12[%mul3A_2, %dma_start3A_55] : memref<10112x64xf32, #tpu.memory_space<vmem_shared>> -> memref<632x64xf32, #tpu.memory_space<vmem_shared>>
      tpu.enqueue_dma source(%arg11 : memref<632x64xf32, #tpu.memory_space<vmem>>) target(%dma_start3A_56 : memref<632x64xf32, #tpu.memory_space<vmem_shared>>) target_semaphore(%run_scoped3A : memref<!tpu.dma_semaphore, #tpu.memory_space<semaphore_mem>>)
      %dma_wait3A = arith.constant 0 : i32
      %dma_wait3A_57 = tpu.memref_slice %arg12[%mul3A_2, %dma_wait3A] : memref<10112x64xf32, #tpu.memory_space<vmem_shared>> -> memref<632x64xf32, #tpu.memory_space<vmem_shared>>
      %dma_wait3A_58 = arith.constant 0 : i32
      %dma_wait3A_59 = tpu.memref_slice %arg12[%mul3A_2, %dma_wait3A_58] : memref<10112x64xf32, #tpu.memory_space<vmem_shared>> -> memref<632x64xf32, #tpu.memory_space<vmem_shared>>
      tpu.wait_dma2 semaphore(%run_scoped3A : memref<!tpu.dma_semaphore, #tpu.memory_space<semaphore_mem>>) src(%arg11 : memref<632x64xf32, #tpu.memory_space<vmem>>) dst(%dma_wait3A_59 : memref<632x64xf32, #tpu.memory_space<vmem_shared>>)
      tpu.yield
    }) : () -> ()
    %barrier3A = arith.constant 0 : index
    tpu.barrier barrier_id(%barrier3A)
    %jit3A_17 = arith.constant 2 : i32
    %div3A = arith.divsi %select_n3A, %jit3A_17 : i32
    %sign3A = arith.constant 0 : i32
    %sign3A_18 = arith.cmpi sgt, %select_n3A, %sign3A : i32
    %sign3A_19 = arith.extui %sign3A_18 : i1 to i32
    %sign3A_20 = arith.constant 0 : i32
    %sign3A_21 = arith.cmpi slt, %select_n3A, %sign3A_20 : i32
    %sign3A_22 = arith.extui %sign3A_21 : i1 to i32
    %sign3A_23 = arith.subi %sign3A_19, %sign3A_22 : i32
    %sign3A_24 = arith.constant 0 : i32
    %sign3A_25 = arith.cmpi sgt, %jit3A_17, %sign3A_24 : i32
    %sign3A_26 = arith.extui %sign3A_25 : i1 to i32
    %sign3A_27 = arith.constant 0 : i32
    %sign3A_28 = arith.cmpi slt, %jit3A_17, %sign3A_27 : i32
    %sign3A_29 = arith.extui %sign3A_28 : i1 to i32
    %sign3A_30 = arith.subi %sign3A_26, %sign3A_29 : i32
    %ne3A = arith.cmpi ne, %sign3A_23, %sign3A_30 : i32
    %rem3A = arith.remsi %select_n3A, %jit3A_17 : i32
    %ne3A_31 = arith.constant 0 : i32
    %ne3A_32 = arith.cmpi ne, %rem3A, %ne3A_31 : i32
    %and3A = arith.andi %ne3A, %ne3A_32 : i1
    %sub3A = arith.constant 1 : i32
    %sub3A_33 = arith.subi %div3A, %sub3A : i32
    %select_n3A_34 = arith.select %and3A, %sub3A_33, %div3A : i32
    %while3A = arith.constant 0 : i32
    %while3A_35 = arith.constant 0 : i32
    %while3A_36 = arith.subi %select_n3A_34, %while3A_35 : i32
    %while3A_37 = arith.addi %while3A_35, %while3A_36 : i32
    %while3A_38 = arith.constant 1 : i32
    %while3A_39 = arith.divsi %while3A_36, %while3A_38 : i32
    %while3A_40 = arith.muli %while3A_39, %while3A_38 : i32
    %while3A_41 = arith.addi %while3A_35, %while3A_40 : i32
    %while3A_42 = arith.constant 1 : i32
    scf.for %while3A_53 = %while3A_35 to %while3A_41 step %while3A_42  : i32 {
      %mul3A_54 = arith.constant 2 : i32
      %mul3A_55 = arith.muli %mul3A_54, %while3A_53 : i32
      %add3A_56 = arith.constant 1 : i32
      %add3A_57 = arith.addi %mul3A_55, %add3A_56 : i32
      %dma_start3A_58 = arith.constant 0 : i32
      %dma_start3A_59 = tpu.memref_slice %arg7[%add3A_57, %dma_start3A_58] : memref<104x128xi32, #tpu.memory_space<vmem>> -> memref<1x128xi32, #tpu.memory_space<vmem>>
      %dma_start3A_60 = tpu.memref_squeeze %dma_start3A_59 : memref<1x128xi32, #tpu.memory_space<vmem>> -> memref<128xi32, #tpu.memory_space<vmem>>
      %dma_start3A_61 = arith.constant 0 : i32
      %dma_start3A_62 = arith.constant 0 : i32
      %dma_start3A_63 = tpu.memref_slice %arg2[%dma_start3A_61, %dma_start3A_62] : memref<10112x64xf32, #tpu.memory_space<hbm>> -> memref<10112x64xf32, #tpu.memory_space<hbm>>
      tpu.enqueue_indirect_dma source(%dma_start3A_63 : memref<10112x64xf32, #tpu.memory_space<hbm>>) target(%arg10 : memref<128x64xf32, #tpu.memory_space<vmem>>) offsets(%dma_start3A_60 : memref<128xi32, #tpu.memory_space<vmem>>) semaphore(%arg14 : memref<!tpu.dma_semaphore, #tpu.memory_space<semaphore_mem>>)
      %dma_wait3A = arith.constant 0 : i32
      %dma_wait3A_64 = tpu.memref_slice %arg7[%mul3A_55, %dma_wait3A] : memref<104x128xi32, #tpu.memory_space<vmem>> -> memref<1x128xi32, #tpu.memory_space<vmem>>
      %dma_wait3A_65 = tpu.memref_squeeze %dma_wait3A_64 : memref<1x128xi32, #tpu.memory_space<vmem>> -> memref<128xi32, #tpu.memory_space<vmem>>
      %dma_wait3A_66 = arith.constant 0 : i32
      %dma_wait3A_67 = arith.constant 0 : i32
      %dma_wait3A_68 = tpu.memref_slice %arg2[%dma_wait3A_66, %dma_wait3A_67] : memref<10112x64xf32, #tpu.memory_space<hbm>> -> memref<10112x64xf32, #tpu.memory_space<hbm>>
      tpu.wait_indirect_dma semaphore(%arg13 : memref<!tpu.dma_semaphore, #tpu.memory_space<semaphore_mem>>) src(%dma_wait3A_68 : memref<10112x64xf32, #tpu.memory_space<hbm>>) dst(%arg9 : memref<128x64xf32, #tpu.memory_space<vmem>>)
      "tpu.region"() ({
        %run_scoped3A = tpu.sem_alloc : memref<!tpu.dma_semaphore, #tpu.memory_space<semaphore_mem>>
        %dma_start3A_80 = arith.constant 0 : i32
        %dma_start3A_81 = tpu.memref_slice %arg8[%mul3A_55, %dma_start3A_80] : memref<104x128xi32, #tpu.memory_space<vmem>> -> memref<1x128xi32, #tpu.memory_space<vmem>>
        %dma_start3A_82 = tpu.memref_squeeze %dma_start3A_81 : memref<1x128xi32, #tpu.memory_space<vmem>> -> memref<128xi32, #tpu.memory_space<vmem>>
        %dma_start3A_83 = arith.constant 0 : i32
        %dma_start3A_84 = arith.constant 0 : i32
        %dma_start3A_85 = tpu.memref_slice %arg12[%dma_start3A_83, %dma_start3A_84] : memref<10112x64xf32, #tpu.memory_space<vmem_shared>> -> memref<10112x64xf32, #tpu.memory_space<vmem_shared>>
        tpu.enqueue_indirect_dma source(%arg9 : memref<128x64xf32, #tpu.memory_space<vmem>>) target(%dma_start3A_85 : memref<10112x64xf32, #tpu.memory_space<vmem_shared>>) offsets(%dma_start3A_82 : memref<128xi32, #tpu.memory_space<vmem>>) semaphore(%run_scoped3A : memref<!tpu.dma_semaphore, #tpu.memory_space<semaphore_mem>>) {add = true}
        %dma_wait3A_86 = arith.constant 0 : i32
        %dma_wait3A_87 = tpu.memref_slice %arg8[%mul3A_55, %dma_wait3A_86] : memref<104x128xi32, #tpu.memory_space<vmem>> -> memref<1x128xi32, #tpu.memory_space<vmem>>
        %dma_wait3A_88 = tpu.memref_squeeze %dma_wait3A_87 : memref<1x128xi32, #tpu.memory_space<vmem>> -> memref<128xi32, #tpu.memory_space<vmem>>
        %dma_wait3A_89 = arith.constant 0 : i32
        %dma_wait3A_90 = arith.constant 0 : i32
        %dma_wait3A_91 = tpu.memref_slice %arg12[%dma_wait3A_89, %dma_wait3A_90] : memref<10112x64xf32, #tpu.memory_space<vmem_shared>> -> memref<10112x64xf32, #tpu.memory_space<vmem_shared>>
        tpu.wait_indirect_dma semaphore(%run_scoped3A : memref<!tpu.dma_semaphore, #tpu.memory_space<semaphore_mem>>) src(%arg9 : memref<128x64xf32, #tpu.memory_space<vmem>>) dst(%dma_wait3A_91 : memref<10112x64xf32, #tpu.memory_space<vmem_shared>>)
        tpu.yield
      }) : () -> ()
      %add3A_69 = arith.constant 1 : i32
      %add3A_70 = arith.addi %add3A_57, %add3A_69 : i32
      %lt3A = arith.cmpi slt, %add3A_70, %select_n3A : i32
      %convert_element_type3A_71 = arith.extui %lt3A : i1 to i32
      %cond3A_72 = arith.constant 0 : i32
      %cond3A_73 = arith.cmpi ne, %convert_element_type3A_71, %cond3A_72 : i32
      scf.if %cond3A_73 {
        %add3A_80 = arith.constant 1 : i32
        %add3A_81 = arith.addi %add3A_57, %add3A_80 : i32
        %dma_start3A_82 = arith.constant 0 : i32
        %dma_start3A_83 = tpu.memref_slice %arg7[%add3A_81, %dma_start3A_82] : memref<104x128xi32, #tpu.memory_space<vmem>> -> memref<1x128xi32, #tpu.memory_space<vmem>>
        %dma_start3A_84 = tpu.memref_squeeze %dma_start3A_83 : memref<1x128xi32, #tpu.memory_space<vmem>> -> memref<128xi32, #tpu.memory_space<vmem>>
        %dma_start3A_85 = arith.constant 0 : i32
        %dma_start3A_86 = arith.constant 0 : i32
        %dma_start3A_87 = tpu.memref_slice %arg2[%dma_start3A_85, %dma_start3A_86] : memref<10112x64xf32, #tpu.memory_space<hbm>> -> memref<10112x64xf32, #tpu.memory_space<hbm>>
        tpu.enqueue_indirect_dma source(%dma_start3A_87 : memref<10112x64xf32, #tpu.memory_space<hbm>>) target(%arg9 : memref<128x64xf32, #tpu.memory_space<vmem>>) offsets(%dma_start3A_84 : memref<128xi32, #tpu.memory_space<vmem>>) semaphore(%arg13 : memref<!tpu.dma_semaphore, #tpu.memory_space<semaphore_mem>>)
      } else {
      }
      %dma_wait3A_74 = arith.constant 0 : i32
      %dma_wait3A_75 = tpu.memref_slice %arg7[%add3A_57, %dma_wait3A_74] : memref<104x128xi32, #tpu.memory_space<vmem>> -> memref<1x128xi32, #tpu.memory_space<vmem>>
      %dma_wait3A_76 = tpu.memref_squeeze %dma_wait3A_75 : memref<1x128xi32, #tpu.memory_space<vmem>> -> memref<128xi32, #tpu.memory_space<vmem>>
      %dma_wait3A_77 = arith.constant 0 : i32
      %dma_wait3A_78 = arith.constant 0 : i32
      %dma_wait3A_79 = tpu.memref_slice %arg2[%dma_wait3A_77, %dma_wait3A_78] : memref<10112x64xf32, #tpu.memory_space<hbm>> -> memref<10112x64xf32, #tpu.memory_space<hbm>>
      tpu.wait_indirect_dma semaphore(%arg14 : memref<!tpu.dma_semaphore, #tpu.memory_space<semaphore_mem>>) src(%dma_wait3A_79 : memref<10112x64xf32, #tpu.memory_space<hbm>>) dst(%arg10 : memref<128x64xf32, #tpu.memory_space<vmem>>)
      "tpu.region"() ({
        %run_scoped3A = tpu.sem_alloc : memref<!tpu.dma_semaphore, #tpu.memory_space<semaphore_mem>>
        %dma_start3A_80 = arith.constant 0 : i32
        %dma_start3A_81 = tpu.memref_slice %arg8[%add3A_57, %dma_start3A_80] : memref<104x128xi32, #tpu.memory_space<vmem>> -> memref<1x128xi32, #tpu.memory_space<vmem>>
        %dma_start3A_82 = tpu.memref_squeeze %dma_start3A_81 : memref<1x128xi32, #tpu.memory_space<vmem>> -> memref<128xi32, #tpu.memory_space<vmem>>
        %dma_start3A_83 = arith.constant 0 : i32
        %dma_start3A_84 = arith.constant 0 : i32
        %dma_start3A_85 = tpu.memref_slice %arg12[%dma_start3A_83, %dma_start3A_84] : memref<10112x64xf32, #tpu.memory_space<vmem_shared>> -> memref<10112x64xf32, #tpu.memory_space<vmem_shared>>
        tpu.enqueue_indirect_dma source(%arg10 : memref<128x64xf32, #tpu.memory_space<vmem>>) target(%dma_start3A_85 : memref<10112x64xf32, #tpu.memory_space<vmem_shared>>) offsets(%dma_start3A_82 : memref<128xi32, #tpu.memory_space<vmem>>) semaphore(%run_scoped3A : memref<!tpu.dma_semaphore, #tpu.memory_space<semaphore_mem>>) {add = true}
        %dma_wait3A_86 = arith.constant 0 : i32
        %dma_wait3A_87 = tpu.memref_slice %arg8[%add3A_57, %dma_wait3A_86] : memref<104x128xi32, #tpu.memory_space<vmem>> -> memref<1x128xi32, #tpu.memory_space<vmem>>
        %dma_wait3A_88 = tpu.memref_squeeze %dma_wait3A_87 : memref<1x128xi32, #tpu.memory_space<vmem>> -> memref<128xi32, #tpu.memory_space<vmem>>
        %dma_wait3A_89 = arith.constant 0 : i32
        %dma_wait3A_90 = arith.constant 0 : i32
        %dma_wait3A_91 = tpu.memref_slice %arg12[%dma_wait3A_89, %dma_wait3A_90] : memref<10112x64xf32, #tpu.memory_space<vmem_shared>> -> memref<10112x64xf32, #tpu.memory_space<vmem_shared>>
        tpu.wait_indirect_dma semaphore(%run_scoped3A : memref<!tpu.dma_semaphore, #tpu.memory_space<semaphore_mem>>) src(%arg10 : memref<128x64xf32, #tpu.memory_space<vmem>>) dst(%dma_wait3A_91 : memref<10112x64xf32, #tpu.memory_space<vmem_shared>>)
        tpu.yield
      }) : () -> ()
    }
    %while3A_43 = arith.constant 1 : i32
    scf.for %while3A_53 = %while3A_41 to %while3A_37 step %while3A_43  : i32 {
      %mul3A_54 = arith.constant 2 : i32
      %mul3A_55 = arith.muli %mul3A_54, %while3A_53 : i32
      %add3A_56 = arith.constant 1 : i32
      %add3A_57 = arith.addi %mul3A_55, %add3A_56 : i32
      %dma_start3A_58 = arith.constant 0 : i32
      %dma_start3A_59 = tpu.memref_slice %arg7[%add3A_57, %dma_start3A_58] : memref<104x128xi32, #tpu.memory_space<vmem>> -> memref<1x128xi32, #tpu.memory_space<vmem>>
      %dma_start3A_60 = tpu.memref_squeeze %dma_start3A_59 : memref<1x128xi32, #tpu.memory_space<vmem>> -> memref<128xi32, #tpu.memory_space<vmem>>
      %dma_start3A_61 = arith.constant 0 : i32
      %dma_start3A_62 = arith.constant 0 : i32
      %dma_start3A_63 = tpu.memref_slice %arg2[%dma_start3A_61, %dma_start3A_62] : memref<10112x64xf32, #tpu.memory_space<hbm>> -> memref<10112x64xf32, #tpu.memory_space<hbm>>
      tpu.enqueue_indirect_dma source(%dma_start3A_63 : memref<10112x64xf32, #tpu.memory_space<hbm>>) target(%arg10 : memref<128x64xf32, #tpu.memory_space<vmem>>) offsets(%dma_start3A_60 : memref<128xi32, #tpu.memory_space<vmem>>) semaphore(%arg14 : memref<!tpu.dma_semaphore, #tpu.memory_space<semaphore_mem>>)
      %dma_wait3A = arith.constant 0 : i32
      %dma_wait3A_64 = tpu.memref_slice %arg7[%mul3A_55, %dma_wait3A] : memref<104x128xi32, #tpu.memory_space<vmem>> -> memref<1x128xi32, #tpu.memory_space<vmem>>
      %dma_wait3A_65 = tpu.memref_squeeze %dma_wait3A_64 : memref<1x128xi32, #tpu.memory_space<vmem>> -> memref<128xi32, #tpu.memory_space<vmem>>
      %dma_wait3A_66 = arith.constant 0 : i32
      %dma_wait3A_67 = arith.constant 0 : i32
      %dma_wait3A_68 = tpu.memref_slice %arg2[%dma_wait3A_66, %dma_wait3A_67] : memref<10112x64xf32, #tpu.memory_space<hbm>> -> memref<10112x64xf32, #tpu.memory_space<hbm>>
      tpu.wait_indirect_dma semaphore(%arg13 : memref<!tpu.dma_semaphore, #tpu.memory_space<semaphore_mem>>) src(%dma_wait3A_68 : memref<10112x64xf32, #tpu.memory_space<hbm>>) dst(%arg9 : memref<128x64xf32, #tpu.memory_space<vmem>>)
      "tpu.region"() ({
        %run_scoped3A = tpu.sem_alloc : memref<!tpu.dma_semaphore, #tpu.memory_space<semaphore_mem>>
        %dma_start3A_80 = arith.constant 0 : i32
        %dma_start3A_81 = tpu.memref_slice %arg8[%mul3A_55, %dma_start3A_80] : memref<104x128xi32, #tpu.memory_space<vmem>> -> memref<1x128xi32, #tpu.memory_space<vmem>>
        %dma_start3A_82 = tpu.memref_squeeze %dma_start3A_81 : memref<1x128xi32, #tpu.memory_space<vmem>> -> memref<128xi32, #tpu.memory_space<vmem>>
        %dma_start3A_83 = arith.constant 0 : i32
        %dma_start3A_84 = arith.constant 0 : i32
        %dma_start3A_85 = tpu.memref_slice %arg12[%dma_start3A_83, %dma_start3A_84] : memref<10112x64xf32, #tpu.memory_space<vmem_shared>> -> memref<10112x64xf32, #tpu.memory_space<vmem_shared>>
        tpu.enqueue_indirect_dma source(%arg9 : memref<128x64xf32, #tpu.memory_space<vmem>>) target(%dma_start3A_85 : memref<10112x64xf32, #tpu.memory_space<vmem_shared>>) offsets(%dma_start3A_82 : memref<128xi32, #tpu.memory_space<vmem>>) semaphore(%run_scoped3A : memref<!tpu.dma_semaphore, #tpu.memory_space<semaphore_mem>>) {add = true}
        %dma_wait3A_86 = arith.constant 0 : i32
        %dma_wait3A_87 = tpu.memref_slice %arg8[%mul3A_55, %dma_wait3A_86] : memref<104x128xi32, #tpu.memory_space<vmem>> -> memref<1x128xi32, #tpu.memory_space<vmem>>
        %dma_wait3A_88 = tpu.memref_squeeze %dma_wait3A_87 : memref<1x128xi32, #tpu.memory_space<vmem>> -> memref<128xi32, #tpu.memory_space<vmem>>
        %dma_wait3A_89 = arith.constant 0 : i32
        %dma_wait3A_90 = arith.constant 0 : i32
        %dma_wait3A_91 = tpu.memref_slice %arg12[%dma_wait3A_89, %dma_wait3A_90] : memref<10112x64xf32, #tpu.memory_space<vmem_shared>> -> memref<10112x64xf32, #tpu.memory_space<vmem_shared>>
        tpu.wait_indirect_dma semaphore(%run_scoped3A : memref<!tpu.dma_semaphore, #tpu.memory_space<semaphore_mem>>) src(%arg9 : memref<128x64xf32, #tpu.memory_space<vmem>>) dst(%dma_wait3A_91 : memref<10112x64xf32, #tpu.memory_space<vmem_shared>>)
        tpu.yield
      }) : () -> ()
      %add3A_69 = arith.constant 1 : i32
      %add3A_70 = arith.addi %add3A_57, %add3A_69 : i32
      %lt3A = arith.cmpi slt, %add3A_70, %select_n3A : i32
      %convert_element_type3A_71 = arith.extui %lt3A : i1 to i32
      %cond3A_72 = arith.constant 0 : i32
      %cond3A_73 = arith.cmpi ne, %convert_element_type3A_71, %cond3A_72 : i32
      scf.if %cond3A_73 {
        %add3A_80 = arith.constant 1 : i32
        %add3A_81 = arith.addi %add3A_57, %add3A_80 : i32
        %dma_start3A_82 = arith.constant 0 : i32
        %dma_start3A_83 = tpu.memref_slice %arg7[%add3A_81, %dma_start3A_82] : memref<104x128xi32, #tpu.memory_space<vmem>> -> memref<1x128xi32, #tpu.memory_space<vmem>>
        %dma_start3A_84 = tpu.memref_squeeze %dma_start3A_83 : memref<1x128xi32, #tpu.memory_space<vmem>> -> memref<128xi32, #tpu.memory_space<vmem>>
        %dma_start3A_85 = arith.constant 0 : i32
        %dma_start3A_86 = arith.constant 0 : i32
        %dma_start3A_87 = tpu.memref_slice %arg2[%dma_start3A_85, %dma_start3A_86] : memref<10112x64xf32, #tpu.memory_space<hbm>> -> memref<10112x64xf32, #tpu.memory_space<hbm>>
        tpu.enqueue_indirect_dma source(%dma_start3A_87 : memref<10112x64xf32, #tpu.memory_space<hbm>>) target(%arg9 : memref<128x64xf32, #tpu.memory_space<vmem>>) offsets(%dma_start3A_84 : memref<128xi32, #tpu.memory_space<vmem>>) semaphore(%arg13 : memref<!tpu.dma_semaphore, #tpu.memory_space<semaphore_mem>>)
      } else {
      }
      %dma_wait3A_74 = arith.constant 0 : i32
      %dma_wait3A_75 = tpu.memref_slice %arg7[%add3A_57, %dma_wait3A_74] : memref<104x128xi32, #tpu.memory_space<vmem>> -> memref<1x128xi32, #tpu.memory_space<vmem>>
      %dma_wait3A_76 = tpu.memref_squeeze %dma_wait3A_75 : memref<1x128xi32, #tpu.memory_space<vmem>> -> memref<128xi32, #tpu.memory_space<vmem>>
      %dma_wait3A_77 = arith.constant 0 : i32
      %dma_wait3A_78 = arith.constant 0 : i32
      %dma_wait3A_79 = tpu.memref_slice %arg2[%dma_wait3A_77, %dma_wait3A_78] : memref<10112x64xf32, #tpu.memory_space<hbm>> -> memref<10112x64xf32, #tpu.memory_space<hbm>>
      tpu.wait_indirect_dma semaphore(%arg14 : memref<!tpu.dma_semaphore, #tpu.memory_space<semaphore_mem>>) src(%dma_wait3A_79 : memref<10112x64xf32, #tpu.memory_space<hbm>>) dst(%arg10 : memref<128x64xf32, #tpu.memory_space<vmem>>)
      "tpu.region"() ({
        %run_scoped3A = tpu.sem_alloc : memref<!tpu.dma_semaphore, #tpu.memory_space<semaphore_mem>>
        %dma_start3A_80 = arith.constant 0 : i32
        %dma_start3A_81 = tpu.memref_slice %arg8[%add3A_57, %dma_start3A_80] : memref<104x128xi32, #tpu.memory_space<vmem>> -> memref<1x128xi32, #tpu.memory_space<vmem>>
        %dma_start3A_82 = tpu.memref_squeeze %dma_start3A_81 : memref<1x128xi32, #tpu.memory_space<vmem>> -> memref<128xi32, #tpu.memory_space<vmem>>
        %dma_start3A_83 = arith.constant 0 : i32
        %dma_start3A_84 = arith.constant 0 : i32
        %dma_start3A_85 = tpu.memref_slice %arg12[%dma_start3A_83, %dma_start3A_84] : memref<10112x64xf32, #tpu.memory_space<vmem_shared>> -> memref<10112x64xf32, #tpu.memory_space<vmem_shared>>
        tpu.enqueue_indirect_dma source(%arg10 : memref<128x64xf32, #tpu.memory_space<vmem>>) target(%dma_start3A_85 : memref<10112x64xf32, #tpu.memory_space<vmem_shared>>) offsets(%dma_start3A_82 : memref<128xi32, #tpu.memory_space<vmem>>) semaphore(%run_scoped3A : memref<!tpu.dma_semaphore, #tpu.memory_space<semaphore_mem>>) {add = true}
        %dma_wait3A_86 = arith.constant 0 : i32
        %dma_wait3A_87 = tpu.memref_slice %arg8[%add3A_57, %dma_wait3A_86] : memref<104x128xi32, #tpu.memory_space<vmem>> -> memref<1x128xi32, #tpu.memory_space<vmem>>
        %dma_wait3A_88 = tpu.memref_squeeze %dma_wait3A_87 : memref<1x128xi32, #tpu.memory_space<vmem>> -> memref<128xi32, #tpu.memory_space<vmem>>
        %dma_wait3A_89 = arith.constant 0 : i32
        %dma_wait3A_90 = arith.constant 0 : i32
        %dma_wait3A_91 = tpu.memref_slice %arg12[%dma_wait3A_89, %dma_wait3A_90] : memref<10112x64xf32, #tpu.memory_space<vmem_shared>> -> memref<10112x64xf32, #tpu.memory_space<vmem_shared>>
        tpu.wait_indirect_dma semaphore(%run_scoped3A : memref<!tpu.dma_semaphore, #tpu.memory_space<semaphore_mem>>) src(%arg10 : memref<128x64xf32, #tpu.memory_space<vmem>>) dst(%dma_wait3A_91 : memref<10112x64xf32, #tpu.memory_space<vmem_shared>>)
        tpu.yield
      }) : () -> ()
    }
    %barrier3A_44 = arith.constant 0 : index
    tpu.barrier barrier_id(%barrier3A_44)
    "tpu.region"() ({
      %run_scoped3A = tpu.sem_alloc : memref<!tpu.dma_semaphore, #tpu.memory_space<semaphore_mem>>
      %dma_start3A_53 = arith.constant 0 : i32
      %dma_start3A_54 = tpu.memref_slice %arg12[%mul3A_2, %dma_start3A_53] : memref<10112x64xf32, #tpu.memory_space<vmem_shared>> -> memref<632x64xf32, #tpu.memory_space<vmem_shared>>
      %dma_start3A_55 = arith.constant 0 : i32
      %dma_start3A_56 = tpu.memref_slice %arg12[%mul3A_2, %dma_start3A_55] : memref<10112x64xf32, #tpu.memory_space<vmem_shared>> -> memref<632x64xf32, #tpu.memory_space<vmem_shared>>
      tpu.enqueue_dma source(%dma_start3A_56 : memref<632x64xf32, #tpu.memory_space<vmem_shared>>) target(%arg11 : memref<632x64xf32, #tpu.memory_space<vmem>>) target_semaphore(%run_scoped3A : memref<!tpu.dma_semaphore, #tpu.memory_space<semaphore_mem>>)
      %dma_wait3A = arith.constant 0 : i32
      %dma_wait3A_57 = tpu.memref_slice %arg12[%mul3A_2, %dma_wait3A] : memref<10112x64xf32, #tpu.memory_space<vmem_shared>> -> memref<632x64xf32, #tpu.memory_space<vmem_shared>>
      %dma_wait3A_58 = arith.constant 0 : i32
      %dma_wait3A_59 = tpu.memref_slice %arg12[%mul3A_2, %dma_wait3A_58] : memref<10112x64xf32, #tpu.memory_space<vmem_shared>> -> memref<632x64xf32, #tpu.memory_space<vmem_shared>>
      tpu.wait_dma2 semaphore(%run_scoped3A : memref<!tpu.dma_semaphore, #tpu.memory_space<semaphore_mem>>) src(%dma_wait3A_59 : memref<632x64xf32, #tpu.memory_space<vmem_shared>>) dst(%arg11 : memref<632x64xf32, #tpu.memory_space<vmem>>)
      tpu.yield
    }) : () -> ()
    %eq3A_45 = arith.constant 0 : i32
    %eq3A_46 = arith.cmpi eq, %arg0, %eq3A_45 : i32
    %convert_element_type3A = arith.extui %eq3A_46 : i1 to i32
    %cond3A = arith.constant 0 : i32
    %cond3A_47 = arith.cmpi ne, %convert_element_type3A, %cond3A : i32
    scf.if %cond3A_47 {
      "tpu.region"() ({
        %run_scoped3A = tpu.sem_alloc : memref<!tpu.dma_semaphore, #tpu.memory_space<semaphore_mem>>
        %dma_start3A_53 = arith.constant 0 : i32
        %dma_start3A_54 = tpu.memref_slice %arg5[%mul3A_2, %dma_start3A_53] : memref<10112x64xf32, #tpu.memory_space<hbm>> -> memref<632x64xf32, #tpu.memory_space<hbm>>
        %dma_start3A_55 = arith.constant 0 : i32
        %dma_start3A_56 = tpu.memref_slice %arg5[%mul3A_2, %dma_start3A_55] : memref<10112x64xf32, #tpu.memory_space<hbm>> -> memref<632x64xf32, #tpu.memory_space<hbm>>
        tpu.enqueue_dma source(%arg11 : memref<632x64xf32, #tpu.memory_space<vmem>>) target(%dma_start3A_56 : memref<632x64xf32, #tpu.memory_space<hbm>>) target_semaphore(%run_scoped3A : memref<!tpu.dma_semaphore, #tpu.memory_space<semaphore_mem>>)
        %dma_wait3A = arith.constant 0 : i32
        %dma_wait3A_57 = tpu.memref_slice %arg5[%mul3A_2, %dma_wait3A] : memref<10112x64xf32, #tpu.memory_space<hbm>> -> memref<632x64xf32, #tpu.memory_space<hbm>>
        %dma_wait3A_58 = arith.constant 0 : i32
        %dma_wait3A_59 = tpu.memref_slice %arg5[%mul3A_2, %dma_wait3A_58] : memref<10112x64xf32, #tpu.memory_space<hbm>> -> memref<632x64xf32, #tpu.memory_space<hbm>>
        tpu.wait_dma2 semaphore(%run_scoped3A : memref<!tpu.dma_semaphore, #tpu.memory_space<semaphore_mem>>) src(%arg11 : memref<632x64xf32, #tpu.memory_space<vmem>>) dst(%dma_wait3A_59 : memref<632x64xf32, #tpu.memory_space<hbm>>)
        tpu.yield
      }) : () -> ()
    } else {
    }
    %eq3A_48 = arith.constant 1 : i32
    %eq3A_49 = arith.cmpi eq, %arg0, %eq3A_48 : i32
    %convert_element_type3A_50 = arith.extui %eq3A_49 : i1 to i32
    %cond3A_51 = arith.constant 0 : i32
    %cond3A_52 = arith.cmpi ne, %convert_element_type3A_50, %cond3A_51 : i32
    scf.if %cond3A_52 {
      "tpu.region"() ({
        %run_scoped3A = tpu.sem_alloc : memref<!tpu.dma_semaphore, #tpu.memory_space<semaphore_mem>>
        %dma_start3A_53 = arith.constant 0 : i32
        %dma_start3A_54 = tpu.memref_slice %arg6[%mul3A_2, %dma_start3A_53] : memref<10112x64xf32, #tpu.memory_space<hbm>> -> memref<632x64xf32, #tpu.memory_space<hbm>>
        %dma_start3A_55 = arith.constant 0 : i32
        %dma_start3A_56 = tpu.memref_slice %arg6[%mul3A_2, %dma_start3A_55] : memref<10112x64xf32, #tpu.memory_space<hbm>> -> memref<632x64xf32, #tpu.memory_space<hbm>>
        tpu.enqueue_dma source(%arg11 : memref<632x64xf32, #tpu.memory_space<vmem>>) target(%dma_start3A_56 : memref<632x64xf32, #tpu.memory_space<hbm>>) target_semaphore(%run_scoped3A : memref<!tpu.dma_semaphore, #tpu.memory_space<semaphore_mem>>)
        %dma_wait3A = arith.constant 0 : i32
        %dma_wait3A_57 = tpu.memref_slice %arg6[%mul3A_2, %dma_wait3A] : memref<10112x64xf32, #tpu.memory_space<hbm>> -> memref<632x64xf32, #tpu.memory_space<hbm>>
        %dma_wait3A_58 = arith.constant 0 : i32
        %dma_wait3A_59 = tpu.memref_slice %arg6[%mul3A_2, %dma_wait3A_58] : memref<10112x64xf32, #tpu.memory_space<hbm>> -> memref<632x64xf32, #tpu.memory_space<hbm>>
        tpu.wait_dma2 semaphore(%run_scoped3A : memref<!tpu.dma_semaphore, #tpu.memory_space<semaphore_mem>>) src(%arg11 : memref<632x64xf32, #tpu.memory_space<vmem>>) dst(%dma_wait3A_59 : memref<632x64xf32, #tpu.memory_space<hbm>>)
        tpu.yield
      }) : () -> ()
    } else {
    }
    return
  }
}

#map = affine_map<(d0, d1) -> (0, 0)>
#map1 = affine_map<(d0, d1) -> (0, 0, 0)>
module attributes {stable_mosaic.version = 14 : i64} {
  func.func @_sc_agg_body(%arg0: i32, %arg1: i32, %arg2: memref<10112x64xf32, #tpu.memory_space<hbm>>, %arg3: memref<32x104x128xi32, #tpu.memory_space<hbm>>, %arg4: memref<32x104x128xi32, #tpu.memory_space<hbm>>, %arg5: memref<10112x64xf32, #tpu.memory_space<hbm>>, %arg6: memref<10112x64xf32, #tpu.memory_space<hbm>>, %arg7: memref<104x128xi32, #tpu.memory_space<vmem>>, %arg8: memref<104x128xi32, #tpu.memory_space<vmem>>, %arg9: memref<128x64xf32, #tpu.memory_space<vmem>>, %arg10: memref<128x64xf32, #tpu.memory_space<vmem>>, %arg11: memref<632x64xf32, #tpu.memory_space<vmem>>, %arg12: memref<10112x64xf32, #tpu.memory_space<vmem_shared>>, %arg13: memref<!tpu.dma_semaphore, #tpu.memory_space<semaphore_mem>>, %arg14: memref<!tpu.dma_semaphore, #tpu.memory_space<semaphore_mem>>) attributes {dimension_semantics = [#tpu.dimension_semantics<core_parallel>, #tpu.dimension_semantics<subcore_parallel>], iteration_bounds = array<i64: 2, 16>, scalar_prefetch = 0 : i64, scratch_operands = 8 : i64, tpu.core_type = #tpu.core_type<sc_vector_subcore>, window_params = [{transform_indices = #map}, {transform_indices = #map1}, {transform_indices = #map1}, {transform_indices = #map}, {transform_indices = #map}]} {
    %mul3A = arith.constant 2 : i32
    %mul3A_0 = arith.muli %arg1, %mul3A : i32
    %add3A = arith.addi %mul3A_0, %arg0 : i32
    %mul3A_1 = arith.constant 632 : i32
    %mul3A_2 = arith.muli %arg1, %mul3A_1 : i32
    %eq3A = arith.constant 0 : i32
    %eq3A_3 = arith.cmpi eq, %arg0, %eq3A : i32
    %jit3A = arith.constant 104 : i32
    %jit3A_4 = arith.constant 54 : i32
    %select_n3A = arith.select %eq3A_3, %jit3A, %jit3A_4 : i32
    "tpu.region"() ({
      %run_scoped3A = tpu.sem_alloc : memref<!tpu.dma_semaphore, #tpu.memory_space<semaphore_mem>>
      %dma_start3A_53 = arith.constant 0 : i32
      %dma_start3A_54 = arith.constant 0 : i32
      %dma_start3A_55 = tpu.memref_slice %arg3[%add3A, %dma_start3A_53, %dma_start3A_54] : memref<32x104x128xi32, #tpu.memory_space<hbm>> -> memref<1x104x128xi32, #tpu.memory_space<hbm>>
      %dma_start3A_56 = tpu.memref_squeeze %dma_start3A_55 : memref<1x104x128xi32, #tpu.memory_space<hbm>> -> memref<104x128xi32, #tpu.memory_space<hbm>>
      %dma_start3A_57 = arith.constant 0 : i32
      %dma_start3A_58 = arith.constant 0 : i32
      %dma_start3A_59 = tpu.memref_slice %arg3[%add3A, %dma_start3A_57, %dma_start3A_58] : memref<32x104x128xi32, #tpu.memory_space<hbm>> -> memref<1x104x128xi32, #tpu.memory_space<hbm>>
      %dma_start3A_60 = tpu.memref_squeeze %dma_start3A_59 : memref<1x104x128xi32, #tpu.memory_space<hbm>> -> memref<104x128xi32, #tpu.memory_space<hbm>>
      tpu.enqueue_dma source(%dma_start3A_60 : memref<104x128xi32, #tpu.memory_space<hbm>>) target(%arg7 : memref<104x128xi32, #tpu.memory_space<vmem>>) target_semaphore(%run_scoped3A : memref<!tpu.dma_semaphore, #tpu.memory_space<semaphore_mem>>)
      %dma_wait3A = arith.constant 0 : i32
      %dma_wait3A_61 = arith.constant 0 : i32
      %dma_wait3A_62 = tpu.memref_slice %arg3[%add3A, %dma_wait3A, %dma_wait3A_61] : memref<32x104x128xi32, #tpu.memory_space<hbm>> -> memref<1x104x128xi32, #tpu.memory_space<hbm>>
      %dma_wait3A_63 = tpu.memref_squeeze %dma_wait3A_62 : memref<1x104x128xi32, #tpu.memory_space<hbm>> -> memref<104x128xi32, #tpu.memory_space<hbm>>
      %dma_wait3A_64 = arith.constant 0 : i32
      %dma_wait3A_65 = arith.constant 0 : i32
      %dma_wait3A_66 = tpu.memref_slice %arg3[%add3A, %dma_wait3A_64, %dma_wait3A_65] : memref<32x104x128xi32, #tpu.memory_space<hbm>> -> memref<1x104x128xi32, #tpu.memory_space<hbm>>
      %dma_wait3A_67 = tpu.memref_squeeze %dma_wait3A_66 : memref<1x104x128xi32, #tpu.memory_space<hbm>> -> memref<104x128xi32, #tpu.memory_space<hbm>>
      tpu.wait_dma2 semaphore(%run_scoped3A : memref<!tpu.dma_semaphore, #tpu.memory_space<semaphore_mem>>) src(%dma_wait3A_67 : memref<104x128xi32, #tpu.memory_space<hbm>>) dst(%arg7 : memref<104x128xi32, #tpu.memory_space<vmem>>)
      tpu.yield
    }) : () -> ()
    "tpu.region"() ({
      %run_scoped3A = tpu.sem_alloc : memref<!tpu.dma_semaphore, #tpu.memory_space<semaphore_mem>>
      %dma_start3A_53 = arith.constant 0 : i32
      %dma_start3A_54 = arith.constant 0 : i32
      %dma_start3A_55 = tpu.memref_slice %arg4[%add3A, %dma_start3A_53, %dma_start3A_54] : memref<32x104x128xi32, #tpu.memory_space<hbm>> -> memref<1x104x128xi32, #tpu.memory_space<hbm>>
      %dma_start3A_56 = tpu.memref_squeeze %dma_start3A_55 : memref<1x104x128xi32, #tpu.memory_space<hbm>> -> memref<104x128xi32, #tpu.memory_space<hbm>>
      %dma_start3A_57 = arith.constant 0 : i32
      %dma_start3A_58 = arith.constant 0 : i32
      %dma_start3A_59 = tpu.memref_slice %arg4[%add3A, %dma_start3A_57, %dma_start3A_58] : memref<32x104x128xi32, #tpu.memory_space<hbm>> -> memref<1x104x128xi32, #tpu.memory_space<hbm>>
      %dma_start3A_60 = tpu.memref_squeeze %dma_start3A_59 : memref<1x104x128xi32, #tpu.memory_space<hbm>> -> memref<104x128xi32, #tpu.memory_space<hbm>>
      tpu.enqueue_dma source(%dma_start3A_60 : memref<104x128xi32, #tpu.memory_space<hbm>>) target(%arg8 : memref<104x128xi32, #tpu.memory_space<vmem>>) target_semaphore(%run_scoped3A : memref<!tpu.dma_semaphore, #tpu.memory_space<semaphore_mem>>)
      %dma_wait3A = arith.constant 0 : i32
      %dma_wait3A_61 = arith.constant 0 : i32
      %dma_wait3A_62 = tpu.memref_slice %arg4[%add3A, %dma_wait3A, %dma_wait3A_61] : memref<32x104x128xi32, #tpu.memory_space<hbm>> -> memref<1x104x128xi32, #tpu.memory_space<hbm>>
      %dma_wait3A_63 = tpu.memref_squeeze %dma_wait3A_62 : memref<1x104x128xi32, #tpu.memory_space<hbm>> -> memref<104x128xi32, #tpu.memory_space<hbm>>
      %dma_wait3A_64 = arith.constant 0 : i32
      %dma_wait3A_65 = arith.constant 0 : i32
      %dma_wait3A_66 = tpu.memref_slice %arg4[%add3A, %dma_wait3A_64, %dma_wait3A_65] : memref<32x104x128xi32, #tpu.memory_space<hbm>> -> memref<1x104x128xi32, #tpu.memory_space<hbm>>
      %dma_wait3A_67 = tpu.memref_squeeze %dma_wait3A_66 : memref<1x104x128xi32, #tpu.memory_space<hbm>> -> memref<104x128xi32, #tpu.memory_space<hbm>>
      tpu.wait_dma2 semaphore(%run_scoped3A : memref<!tpu.dma_semaphore, #tpu.memory_space<semaphore_mem>>) src(%dma_wait3A_67 : memref<104x128xi32, #tpu.memory_space<hbm>>) dst(%arg8 : memref<104x128xi32, #tpu.memory_space<vmem>>)
      tpu.yield
    }) : () -> ()
    %dma_start3A = arith.constant 0 : i32
    %dma_start3A_5 = arith.constant 0 : i32
    %dma_start3A_6 = tpu.memref_slice %arg7[%dma_start3A, %dma_start3A_5] : memref<104x128xi32, #tpu.memory_space<vmem>> -> memref<1x128xi32, #tpu.memory_space<vmem>>
    %dma_start3A_7 = tpu.memref_squeeze %dma_start3A_6 : memref<1x128xi32, #tpu.memory_space<vmem>> -> memref<128xi32, #tpu.memory_space<vmem>>
    %dma_start3A_8 = arith.constant 0 : i32
    %dma_start3A_9 = arith.constant 0 : i32
    %dma_start3A_10 = tpu.memref_slice %arg2[%dma_start3A_8, %dma_start3A_9] : memref<10112x64xf32, #tpu.memory_space<hbm>> -> memref<10112x64xf32, #tpu.memory_space<hbm>>
    tpu.enqueue_indirect_dma source(%dma_start3A_10 : memref<10112x64xf32, #tpu.memory_space<hbm>>) target(%arg9 : memref<128x64xf32, #tpu.memory_space<vmem>>) offsets(%dma_start3A_7 : memref<128xi32, #tpu.memory_space<vmem>>) semaphore(%arg13 : memref<!tpu.dma_semaphore, #tpu.memory_space<semaphore_mem>>)
    %broadcast_in_dim3A = arith.constant 0.000000e+00 : f32
    %broadcast_in_dim3A_11 = vector.broadcast %broadcast_in_dim3A : f32 to vector<16xf32>
    %scan3A = arith.constant 0 : i32
    %scan3A_12 = arith.constant 0 : i32
    %scan3A_13 = arith.constant 632 : i32
    %scan3A_14 = arith.addi %scan3A_12, %scan3A_13 : i32
    %scan3A_15 = arith.constant 1 : i32
    scf.for %scan3A_53 = %scan3A_12 to %scan3A_14 step %scan3A_15  : i32 {
      %swap3A = arith.index_cast %scan3A_53 : i32 to index
      %swap3A_54 = arith.constant 0 : index
      %swap3A_55 = tpu.vector_load %arg11[%swap3A, %swap3A_54] {strides = array<i32>} : memref<632x64xf32, #tpu.memory_space<vmem>>, vector<1x16xf32>,
      %swap3A_56 = vector.shape_cast %swap3A_55 : vector<1x16xf32> to vector<16xf32>
      %swap3A_57 = vector.shape_cast %broadcast_in_dim3A_11 : vector<16xf32> to vector<1x16xf32>
      tpu.vector_store %arg11[%swap3A, %swap3A_54], %swap3A_57 {strides = array<i32>} : memref<632x64xf32, #tpu.memory_space<vmem>>, vector<1x16xf32>,
      %swap3A_58 = arith.index_cast %scan3A_53 : i32 to index
      %swap3A_59 = arith.constant 16 : index
      %swap3A_60 = tpu.vector_load %arg11[%swap3A_58, %swap3A_59] {strides = array<i32>} : memref<632x64xf32, #tpu.memory_space<vmem>>, vector<1x16xf32>,
      %swap3A_61 = vector.shape_cast %swap3A_60 : vector<1x16xf32> to vector<16xf32>
      %swap3A_62 = vector.shape_cast %broadcast_in_dim3A_11 : vector<16xf32> to vector<1x16xf32>
      tpu.vector_store %arg11[%swap3A_58, %swap3A_59], %swap3A_62 {strides = array<i32>} : memref<632x64xf32, #tpu.memory_space<vmem>>, vector<1x16xf32>,
      %swap3A_63 = arith.index_cast %scan3A_53 : i32 to index
      %swap3A_64 = arith.constant 32 : index
      %swap3A_65 = tpu.vector_load %arg11[%swap3A_63, %swap3A_64] {strides = array<i32>} : memref<632x64xf32, #tpu.memory_space<vmem>>, vector<1x16xf32>,
      %swap3A_66 = vector.shape_cast %swap3A_65 : vector<1x16xf32> to vector<16xf32>
      %swap3A_67 = vector.shape_cast %broadcast_in_dim3A_11 : vector<16xf32> to vector<1x16xf32>
      tpu.vector_store %arg11[%swap3A_63, %swap3A_64], %swap3A_67 {strides = array<i32>} : memref<632x64xf32, #tpu.memory_space<vmem>>, vector<1x16xf32>,
      %swap3A_68 = arith.index_cast %scan3A_53 : i32 to index
      %swap3A_69 = arith.constant 48 : index
      %swap3A_70 = tpu.vector_load %arg11[%swap3A_68, %swap3A_69] {strides = array<i32>} : memref<632x64xf32, #tpu.memory_space<vmem>>, vector<1x16xf32>,
      %swap3A_71 = vector.shape_cast %swap3A_70 : vector<1x16xf32> to vector<16xf32>
      %swap3A_72 = vector.shape_cast %broadcast_in_dim3A_11 : vector<16xf32> to vector<1x16xf32>
      tpu.vector_store %arg11[%swap3A_68, %swap3A_69], %swap3A_72 {strides = array<i32>} : memref<632x64xf32, #tpu.memory_space<vmem>>, vector<1x16xf32>,
    }
    %scan3A_16 = arith.constant 632 : i32
    "tpu.region"() ({
      %run_scoped3A = tpu.sem_alloc : memref<!tpu.dma_semaphore, #tpu.memory_space<semaphore_mem>>
      %dma_start3A_53 = arith.constant 0 : i32
      %dma_start3A_54 = tpu.memref_slice %arg12[%mul3A_2, %dma_start3A_53] : memref<10112x64xf32, #tpu.memory_space<vmem_shared>> -> memref<632x64xf32, #tpu.memory_space<vmem_shared>>
      %dma_start3A_55 = arith.constant 0 : i32
      %dma_start3A_56 = tpu.memref_slice %arg12[%mul3A_2, %dma_start3A_55] : memref<10112x64xf32, #tpu.memory_space<vmem_shared>> -> memref<632x64xf32, #tpu.memory_space<vmem_shared>>
      tpu.enqueue_dma source(%arg11 : memref<632x64xf32, #tpu.memory_space<vmem>>) target(%dma_start3A_56 : memref<632x64xf32, #tpu.memory_space<vmem_shared>>) target_semaphore(%run_scoped3A : memref<!tpu.dma_semaphore, #tpu.memory_space<semaphore_mem>>)
      %dma_wait3A = arith.constant 0 : i32
      %dma_wait3A_57 = tpu.memref_slice %arg12[%mul3A_2, %dma_wait3A] : memref<10112x64xf32, #tpu.memory_space<vmem_shared>> -> memref<632x64xf32, #tpu.memory_space<vmem_shared>>
      %dma_wait3A_58 = arith.constant 0 : i32
      %dma_wait3A_59 = tpu.memref_slice %arg12[%mul3A_2, %dma_wait3A_58] : memref<10112x64xf32, #tpu.memory_space<vmem_shared>> -> memref<632x64xf32, #tpu.memory_space<vmem_shared>>
      tpu.wait_dma2 semaphore(%run_scoped3A : memref<!tpu.dma_semaphore, #tpu.memory_space<semaphore_mem>>) src(%arg11 : memref<632x64xf32, #tpu.memory_space<vmem>>) dst(%dma_wait3A_59 : memref<632x64xf32, #tpu.memory_space<vmem_shared>>)
      tpu.yield
    }) : () -> ()
    %barrier3A = arith.constant 0 : index
    tpu.barrier barrier_id(%barrier3A)
    %jit3A_17 = arith.constant 2 : i32
    %div3A = arith.divsi %select_n3A, %jit3A_17 : i32
    %sign3A = arith.constant 0 : i32
    %sign3A_18 = arith.cmpi sgt, %select_n3A, %sign3A : i32
    %sign3A_19 = arith.extui %sign3A_18 : i1 to i32
    %sign3A_20 = arith.constant 0 : i32
    %sign3A_21 = arith.cmpi slt, %select_n3A, %sign3A_20 : i32
    %sign3A_22 = arith.extui %sign3A_21 : i1 to i32
    %sign3A_23 = arith.subi %sign3A_19, %sign3A_22 : i32
    %sign3A_24 = arith.constant 0 : i32
    %sign3A_25 = arith.cmpi sgt, %jit3A_17, %sign3A_24 : i32
    %sign3A_26 = arith.extui %sign3A_25 : i1 to i32
    %sign3A_27 = arith.constant 0 : i32
    %sign3A_28 = arith.cmpi slt, %jit3A_17, %sign3A_27 : i32
    %sign3A_29 = arith.extui %sign3A_28 : i1 to i32
    %sign3A_30 = arith.subi %sign3A_26, %sign3A_29 : i32
    %ne3A = arith.cmpi ne, %sign3A_23, %sign3A_30 : i32
    %rem3A = arith.remsi %select_n3A, %jit3A_17 : i32
    %ne3A_31 = arith.constant 0 : i32
    %ne3A_32 = arith.cmpi ne, %rem3A, %ne3A_31 : i32
    %and3A = arith.andi %ne3A, %ne3A_32 : i1
    %sub3A = arith.constant 1 : i32
    %sub3A_33 = arith.subi %div3A, %sub3A : i32
    %select_n3A_34 = arith.select %and3A, %sub3A_33, %div3A : i32
    %while3A = arith.constant 0 : i32
    %while3A_35 = arith.constant 0 : i32
    %while3A_36 = arith.subi %select_n3A_34, %while3A_35 : i32
    %while3A_37 = arith.addi %while3A_35, %while3A_36 : i32
    %while3A_38 = arith.constant 1 : i32
    %while3A_39 = arith.divsi %while3A_36, %while3A_38 : i32
    %while3A_40 = arith.muli %while3A_39, %while3A_38 : i32
    %while3A_41 = arith.addi %while3A_35, %while3A_40 : i32
    %while3A_42 = arith.constant 1 : i32
    scf.for %while3A_53 = %while3A_35 to %while3A_41 step %while3A_42  : i32 {
      %mul3A_54 = arith.constant 2 : i32
      %mul3A_55 = arith.muli %mul3A_54, %while3A_53 : i32
      %add3A_56 = arith.constant 1 : i32
      %add3A_57 = arith.addi %mul3A_55, %add3A_56 : i32
      %dma_start3A_58 = arith.constant 0 : i32
      %dma_start3A_59 = tpu.memref_slice %arg7[%add3A_57, %dma_start3A_58] : memref<104x128xi32, #tpu.memory_space<vmem>> -> memref<1x128xi32, #tpu.memory_space<vmem>>
      %dma_start3A_60 = tpu.memref_squeeze %dma_start3A_59 : memref<1x128xi32, #tpu.memory_space<vmem>> -> memref<128xi32, #tpu.memory_space<vmem>>
      %dma_start3A_61 = arith.constant 0 : i32
      %dma_start3A_62 = arith.constant 0 : i32
      %dma_start3A_63 = tpu.memref_slice %arg2[%dma_start3A_61, %dma_start3A_62] : memref<10112x64xf32, #tpu.memory_space<hbm>> -> memref<10112x64xf32, #tpu.memory_space<hbm>>
      tpu.enqueue_indirect_dma source(%dma_start3A_63 : memref<10112x64xf32, #tpu.memory_space<hbm>>) target(%arg10 : memref<128x64xf32, #tpu.memory_space<vmem>>) offsets(%dma_start3A_60 : memref<128xi32, #tpu.memory_space<vmem>>) semaphore(%arg14 : memref<!tpu.dma_semaphore, #tpu.memory_space<semaphore_mem>>)
      %dma_wait3A = arith.constant 0 : i32
      %dma_wait3A_64 = tpu.memref_slice %arg7[%mul3A_55, %dma_wait3A] : memref<104x128xi32, #tpu.memory_space<vmem>> -> memref<1x128xi32, #tpu.memory_space<vmem>>
      %dma_wait3A_65 = tpu.memref_squeeze %dma_wait3A_64 : memref<1x128xi32, #tpu.memory_space<vmem>> -> memref<128xi32, #tpu.memory_space<vmem>>
      %dma_wait3A_66 = arith.constant 0 : i32
      %dma_wait3A_67 = arith.constant 0 : i32
      %dma_wait3A_68 = tpu.memref_slice %arg2[%dma_wait3A_66, %dma_wait3A_67] : memref<10112x64xf32, #tpu.memory_space<hbm>> -> memref<10112x64xf32, #tpu.memory_space<hbm>>
      tpu.wait_indirect_dma semaphore(%arg13 : memref<!tpu.dma_semaphore, #tpu.memory_space<semaphore_mem>>) src(%dma_wait3A_68 : memref<10112x64xf32, #tpu.memory_space<hbm>>) dst(%arg9 : memref<128x64xf32, #tpu.memory_space<vmem>>)
      "tpu.region"() ({
        %run_scoped3A = tpu.sem_alloc : memref<!tpu.dma_semaphore, #tpu.memory_space<semaphore_mem>>
        %dma_start3A_80 = arith.constant 0 : i32
        %dma_start3A_81 = tpu.memref_slice %arg8[%mul3A_55, %dma_start3A_80] : memref<104x128xi32, #tpu.memory_space<vmem>> -> memref<1x128xi32, #tpu.memory_space<vmem>>
        %dma_start3A_82 = tpu.memref_squeeze %dma_start3A_81 : memref<1x128xi32, #tpu.memory_space<vmem>> -> memref<128xi32, #tpu.memory_space<vmem>>
        %dma_start3A_83 = arith.constant 0 : i32
        %dma_start3A_84 = arith.constant 0 : i32
        %dma_start3A_85 = tpu.memref_slice %arg12[%dma_start3A_83, %dma_start3A_84] : memref<10112x64xf32, #tpu.memory_space<vmem_shared>> -> memref<10112x64xf32, #tpu.memory_space<vmem_shared>>
        tpu.enqueue_indirect_dma source(%arg9 : memref<128x64xf32, #tpu.memory_space<vmem>>) target(%dma_start3A_85 : memref<10112x64xf32, #tpu.memory_space<vmem_shared>>) offsets(%dma_start3A_82 : memref<128xi32, #tpu.memory_space<vmem>>) semaphore(%run_scoped3A : memref<!tpu.dma_semaphore, #tpu.memory_space<semaphore_mem>>) {add = true}
        %dma_wait3A_86 = arith.constant 0 : i32
        %dma_wait3A_87 = tpu.memref_slice %arg8[%mul3A_55, %dma_wait3A_86] : memref<104x128xi32, #tpu.memory_space<vmem>> -> memref<1x128xi32, #tpu.memory_space<vmem>>
        %dma_wait3A_88 = tpu.memref_squeeze %dma_wait3A_87 : memref<1x128xi32, #tpu.memory_space<vmem>> -> memref<128xi32, #tpu.memory_space<vmem>>
        %dma_wait3A_89 = arith.constant 0 : i32
        %dma_wait3A_90 = arith.constant 0 : i32
        %dma_wait3A_91 = tpu.memref_slice %arg12[%dma_wait3A_89, %dma_wait3A_90] : memref<10112x64xf32, #tpu.memory_space<vmem_shared>> -> memref<10112x64xf32, #tpu.memory_space<vmem_shared>>
        tpu.wait_indirect_dma semaphore(%run_scoped3A : memref<!tpu.dma_semaphore, #tpu.memory_space<semaphore_mem>>) src(%arg9 : memref<128x64xf32, #tpu.memory_space<vmem>>) dst(%dma_wait3A_91 : memref<10112x64xf32, #tpu.memory_space<vmem_shared>>)
        tpu.yield
      }) : () -> ()
      %add3A_69 = arith.constant 1 : i32
      %add3A_70 = arith.addi %add3A_57, %add3A_69 : i32
      %lt3A = arith.cmpi slt, %add3A_70, %select_n3A : i32
      %convert_element_type3A_71 = arith.extui %lt3A : i1 to i32
      %cond3A_72 = arith.constant 0 : i32
      %cond3A_73 = arith.cmpi ne, %convert_element_type3A_71, %cond3A_72 : i32
      scf.if %cond3A_73 {
        %add3A_80 = arith.constant 1 : i32
        %add3A_81 = arith.addi %add3A_57, %add3A_80 : i32
        %dma_start3A_82 = arith.constant 0 : i32
        %dma_start3A_83 = tpu.memref_slice %arg7[%add3A_81, %dma_start3A_82] : memref<104x128xi32, #tpu.memory_space<vmem>> -> memref<1x128xi32, #tpu.memory_space<vmem>>
        %dma_start3A_84 = tpu.memref_squeeze %dma_start3A_83 : memref<1x128xi32, #tpu.memory_space<vmem>> -> memref<128xi32, #tpu.memory_space<vmem>>
        %dma_start3A_85 = arith.constant 0 : i32
        %dma_start3A_86 = arith.constant 0 : i32
        %dma_start3A_87 = tpu.memref_slice %arg2[%dma_start3A_85, %dma_start3A_86] : memref<10112x64xf32, #tpu.memory_space<hbm>> -> memref<10112x64xf32, #tpu.memory_space<hbm>>
        tpu.enqueue_indirect_dma source(%dma_start3A_87 : memref<10112x64xf32, #tpu.memory_space<hbm>>) target(%arg9 : memref<128x64xf32, #tpu.memory_space<vmem>>) offsets(%dma_start3A_84 : memref<128xi32, #tpu.memory_space<vmem>>) semaphore(%arg13 : memref<!tpu.dma_semaphore, #tpu.memory_space<semaphore_mem>>)
      } else {
      }
      %dma_wait3A_74 = arith.constant 0 : i32
      %dma_wait3A_75 = tpu.memref_slice %arg7[%add3A_57, %dma_wait3A_74] : memref<104x128xi32, #tpu.memory_space<vmem>> -> memref<1x128xi32, #tpu.memory_space<vmem>>
      %dma_wait3A_76 = tpu.memref_squeeze %dma_wait3A_75 : memref<1x128xi32, #tpu.memory_space<vmem>> -> memref<128xi32, #tpu.memory_space<vmem>>
      %dma_wait3A_77 = arith.constant 0 : i32
      %dma_wait3A_78 = arith.constant 0 : i32
      %dma_wait3A_79 = tpu.memref_slice %arg2[%dma_wait3A_77, %dma_wait3A_78] : memref<10112x64xf32, #tpu.memory_space<hbm>> -> memref<10112x64xf32, #tpu.memory_space<hbm>>
      tpu.wait_indirect_dma semaphore(%arg14 : memref<!tpu.dma_semaphore, #tpu.memory_space<semaphore_mem>>) src(%dma_wait3A_79 : memref<10112x64xf32, #tpu.memory_space<hbm>>) dst(%arg10 : memref<128x64xf32, #tpu.memory_space<vmem>>)
      "tpu.region"() ({
        %run_scoped3A = tpu.sem_alloc : memref<!tpu.dma_semaphore, #tpu.memory_space<semaphore_mem>>
        %dma_start3A_80 = arith.constant 0 : i32
        %dma_start3A_81 = tpu.memref_slice %arg8[%add3A_57, %dma_start3A_80] : memref<104x128xi32, #tpu.memory_space<vmem>> -> memref<1x128xi32, #tpu.memory_space<vmem>>
        %dma_start3A_82 = tpu.memref_squeeze %dma_start3A_81 : memref<1x128xi32, #tpu.memory_space<vmem>> -> memref<128xi32, #tpu.memory_space<vmem>>
        %dma_start3A_83 = arith.constant 0 : i32
        %dma_start3A_84 = arith.constant 0 : i32
        %dma_start3A_85 = tpu.memref_slice %arg12[%dma_start3A_83, %dma_start3A_84] : memref<10112x64xf32, #tpu.memory_space<vmem_shared>> -> memref<10112x64xf32, #tpu.memory_space<vmem_shared>>
        tpu.enqueue_indirect_dma source(%arg10 : memref<128x64xf32, #tpu.memory_space<vmem>>) target(%dma_start3A_85 : memref<10112x64xf32, #tpu.memory_space<vmem_shared>>) offsets(%dma_start3A_82 : memref<128xi32, #tpu.memory_space<vmem>>) semaphore(%run_scoped3A : memref<!tpu.dma_semaphore, #tpu.memory_space<semaphore_mem>>) {add = true}
        %dma_wait3A_86 = arith.constant 0 : i32
        %dma_wait3A_87 = tpu.memref_slice %arg8[%add3A_57, %dma_wait3A_86] : memref<104x128xi32, #tpu.memory_space<vmem>> -> memref<1x128xi32, #tpu.memory_space<vmem>>
        %dma_wait3A_88 = tpu.memref_squeeze %dma_wait3A_87 : memref<1x128xi32, #tpu.memory_space<vmem>> -> memref<128xi32, #tpu.memory_space<vmem>>
        %dma_wait3A_89 = arith.constant 0 : i32
        %dma_wait3A_90 = arith.constant 0 : i32
        %dma_wait3A_91 = tpu.memref_slice %arg12[%dma_wait3A_89, %dma_wait3A_90] : memref<10112x64xf32, #tpu.memory_space<vmem_shared>> -> memref<10112x64xf32, #tpu.memory_space<vmem_shared>>
        tpu.wait_indirect_dma semaphore(%run_scoped3A : memref<!tpu.dma_semaphore, #tpu.memory_space<semaphore_mem>>) src(%arg10 : memref<128x64xf32, #tpu.memory_space<vmem>>) dst(%dma_wait3A_91 : memref<10112x64xf32, #tpu.memory_space<vmem_shared>>)
        tpu.yield
      }) : () -> ()
    }
    %while3A_43 = arith.constant 1 : i32
    scf.for %while3A_53 = %while3A_41 to %while3A_37 step %while3A_43  : i32 {
      %mul3A_54 = arith.constant 2 : i32
      %mul3A_55 = arith.muli %mul3A_54, %while3A_53 : i32
      %add3A_56 = arith.constant 1 : i32
      %add3A_57 = arith.addi %mul3A_55, %add3A_56 : i32
      %dma_start3A_58 = arith.constant 0 : i32
      %dma_start3A_59 = tpu.memref_slice %arg7[%add3A_57, %dma_start3A_58] : memref<104x128xi32, #tpu.memory_space<vmem>> -> memref<1x128xi32, #tpu.memory_space<vmem>>
      %dma_start3A_60 = tpu.memref_squeeze %dma_start3A_59 : memref<1x128xi32, #tpu.memory_space<vmem>> -> memref<128xi32, #tpu.memory_space<vmem>>
      %dma_start3A_61 = arith.constant 0 : i32
      %dma_start3A_62 = arith.constant 0 : i32
      %dma_start3A_63 = tpu.memref_slice %arg2[%dma_start3A_61, %dma_start3A_62] : memref<10112x64xf32, #tpu.memory_space<hbm>> -> memref<10112x64xf32, #tpu.memory_space<hbm>>
      tpu.enqueue_indirect_dma source(%dma_start3A_63 : memref<10112x64xf32, #tpu.memory_space<hbm>>) target(%arg10 : memref<128x64xf32, #tpu.memory_space<vmem>>) offsets(%dma_start3A_60 : memref<128xi32, #tpu.memory_space<vmem>>) semaphore(%arg14 : memref<!tpu.dma_semaphore, #tpu.memory_space<semaphore_mem>>)
      %dma_wait3A = arith.constant 0 : i32
      %dma_wait3A_64 = tpu.memref_slice %arg7[%mul3A_55, %dma_wait3A] : memref<104x128xi32, #tpu.memory_space<vmem>> -> memref<1x128xi32, #tpu.memory_space<vmem>>
      %dma_wait3A_65 = tpu.memref_squeeze %dma_wait3A_64 : memref<1x128xi32, #tpu.memory_space<vmem>> -> memref<128xi32, #tpu.memory_space<vmem>>
      %dma_wait3A_66 = arith.constant 0 : i32
      %dma_wait3A_67 = arith.constant 0 : i32
      %dma_wait3A_68 = tpu.memref_slice %arg2[%dma_wait3A_66, %dma_wait3A_67] : memref<10112x64xf32, #tpu.memory_space<hbm>> -> memref<10112x64xf32, #tpu.memory_space<hbm>>
      tpu.wait_indirect_dma semaphore(%arg13 : memref<!tpu.dma_semaphore, #tpu.memory_space<semaphore_mem>>) src(%dma_wait3A_68 : memref<10112x64xf32, #tpu.memory_space<hbm>>) dst(%arg9 : memref<128x64xf32, #tpu.memory_space<vmem>>)
      "tpu.region"() ({
        %run_scoped3A = tpu.sem_alloc : memref<!tpu.dma_semaphore, #tpu.memory_space<semaphore_mem>>
        %dma_start3A_80 = arith.constant 0 : i32
        %dma_start3A_81 = tpu.memref_slice %arg8[%mul3A_55, %dma_start3A_80] : memref<104x128xi32, #tpu.memory_space<vmem>> -> memref<1x128xi32, #tpu.memory_space<vmem>>
        %dma_start3A_82 = tpu.memref_squeeze %dma_start3A_81 : memref<1x128xi32, #tpu.memory_space<vmem>> -> memref<128xi32, #tpu.memory_space<vmem>>
        %dma_start3A_83 = arith.constant 0 : i32
        %dma_start3A_84 = arith.constant 0 : i32
        %dma_start3A_85 = tpu.memref_slice %arg12[%dma_start3A_83, %dma_start3A_84] : memref<10112x64xf32, #tpu.memory_space<vmem_shared>> -> memref<10112x64xf32, #tpu.memory_space<vmem_shared>>
        tpu.enqueue_indirect_dma source(%arg9 : memref<128x64xf32, #tpu.memory_space<vmem>>) target(%dma_start3A_85 : memref<10112x64xf32, #tpu.memory_space<vmem_shared>>) offsets(%dma_start3A_82 : memref<128xi32, #tpu.memory_space<vmem>>) semaphore(%run_scoped3A : memref<!tpu.dma_semaphore, #tpu.memory_space<semaphore_mem>>) {add = true}
        %dma_wait3A_86 = arith.constant 0 : i32
        %dma_wait3A_87 = tpu.memref_slice %arg8[%mul3A_55, %dma_wait3A_86] : memref<104x128xi32, #tpu.memory_space<vmem>> -> memref<1x128xi32, #tpu.memory_space<vmem>>
        %dma_wait3A_88 = tpu.memref_squeeze %dma_wait3A_87 : memref<1x128xi32, #tpu.memory_space<vmem>> -> memref<128xi32, #tpu.memory_space<vmem>>
        %dma_wait3A_89 = arith.constant 0 : i32
        %dma_wait3A_90 = arith.constant 0 : i32
        %dma_wait3A_91 = tpu.memref_slice %arg12[%dma_wait3A_89, %dma_wait3A_90] : memref<10112x64xf32, #tpu.memory_space<vmem_shared>> -> memref<10112x64xf32, #tpu.memory_space<vmem_shared>>
        tpu.wait_indirect_dma semaphore(%run_scoped3A : memref<!tpu.dma_semaphore, #tpu.memory_space<semaphore_mem>>) src(%arg9 : memref<128x64xf32, #tpu.memory_space<vmem>>) dst(%dma_wait3A_91 : memref<10112x64xf32, #tpu.memory_space<vmem_shared>>)
        tpu.yield
      }) : () -> ()
      %add3A_69 = arith.constant 1 : i32
      %add3A_70 = arith.addi %add3A_57, %add3A_69 : i32
      %lt3A = arith.cmpi slt, %add3A_70, %select_n3A : i32
      %convert_element_type3A_71 = arith.extui %lt3A : i1 to i32
      %cond3A_72 = arith.constant 0 : i32
      %cond3A_73 = arith.cmpi ne, %convert_element_type3A_71, %cond3A_72 : i32
      scf.if %cond3A_73 {
        %add3A_80 = arith.constant 1 : i32
        %add3A_81 = arith.addi %add3A_57, %add3A_80 : i32
        %dma_start3A_82 = arith.constant 0 : i32
        %dma_start3A_83 = tpu.memref_slice %arg7[%add3A_81, %dma_start3A_82] : memref<104x128xi32, #tpu.memory_space<vmem>> -> memref<1x128xi32, #tpu.memory_space<vmem>>
        %dma_start3A_84 = tpu.memref_squeeze %dma_start3A_83 : memref<1x128xi32, #tpu.memory_space<vmem>> -> memref<128xi32, #tpu.memory_space<vmem>>
        %dma_start3A_85 = arith.constant 0 : i32
        %dma_start3A_86 = arith.constant 0 : i32
        %dma_start3A_87 = tpu.memref_slice %arg2[%dma_start3A_85, %dma_start3A_86] : memref<10112x64xf32, #tpu.memory_space<hbm>> -> memref<10112x64xf32, #tpu.memory_space<hbm>>
        tpu.enqueue_indirect_dma source(%dma_start3A_87 : memref<10112x64xf32, #tpu.memory_space<hbm>>) target(%arg9 : memref<128x64xf32, #tpu.memory_space<vmem>>) offsets(%dma_start3A_84 : memref<128xi32, #tpu.memory_space<vmem>>) semaphore(%arg13 : memref<!tpu.dma_semaphore, #tpu.memory_space<semaphore_mem>>)
      } else {
      }
      %dma_wait3A_74 = arith.constant 0 : i32
      %dma_wait3A_75 = tpu.memref_slice %arg7[%add3A_57, %dma_wait3A_74] : memref<104x128xi32, #tpu.memory_space<vmem>> -> memref<1x128xi32, #tpu.memory_space<vmem>>
      %dma_wait3A_76 = tpu.memref_squeeze %dma_wait3A_75 : memref<1x128xi32, #tpu.memory_space<vmem>> -> memref<128xi32, #tpu.memory_space<vmem>>
      %dma_wait3A_77 = arith.constant 0 : i32
      %dma_wait3A_78 = arith.constant 0 : i32
      %dma_wait3A_79 = tpu.memref_slice %arg2[%dma_wait3A_77, %dma_wait3A_78] : memref<10112x64xf32, #tpu.memory_space<hbm>> -> memref<10112x64xf32, #tpu.memory_space<hbm>>
      tpu.wait_indirect_dma semaphore(%arg14 : memref<!tpu.dma_semaphore, #tpu.memory_space<semaphore_mem>>) src(%dma_wait3A_79 : memref<10112x64xf32, #tpu.memory_space<hbm>>) dst(%arg10 : memref<128x64xf32, #tpu.memory_space<vmem>>)
      "tpu.region"() ({
        %run_scoped3A = tpu.sem_alloc : memref<!tpu.dma_semaphore, #tpu.memory_space<semaphore_mem>>
        %dma_start3A_80 = arith.constant 0 : i32
        %dma_start3A_81 = tpu.memref_slice %arg8[%add3A_57, %dma_start3A_80] : memref<104x128xi32, #tpu.memory_space<vmem>> -> memref<1x128xi32, #tpu.memory_space<vmem>>
        %dma_start3A_82 = tpu.memref_squeeze %dma_start3A_81 : memref<1x128xi32, #tpu.memory_space<vmem>> -> memref<128xi32, #tpu.memory_space<vmem>>
        %dma_start3A_83 = arith.constant 0 : i32
        %dma_start3A_84 = arith.constant 0 : i32
        %dma_start3A_85 = tpu.memref_slice %arg12[%dma_start3A_83, %dma_start3A_84] : memref<10112x64xf32, #tpu.memory_space<vmem_shared>> -> memref<10112x64xf32, #tpu.memory_space<vmem_shared>>
        tpu.enqueue_indirect_dma source(%arg10 : memref<128x64xf32, #tpu.memory_space<vmem>>) target(%dma_start3A_85 : memref<10112x64xf32, #tpu.memory_space<vmem_shared>>) offsets(%dma_start3A_82 : memref<128xi32, #tpu.memory_space<vmem>>) semaphore(%run_scoped3A : memref<!tpu.dma_semaphore, #tpu.memory_space<semaphore_mem>>) {add = true}
        %dma_wait3A_86 = arith.constant 0 : i32
        %dma_wait3A_87 = tpu.memref_slice %arg8[%add3A_57, %dma_wait3A_86] : memref<104x128xi32, #tpu.memory_space<vmem>> -> memref<1x128xi32, #tpu.memory_space<vmem>>
        %dma_wait3A_88 = tpu.memref_squeeze %dma_wait3A_87 : memref<1x128xi32, #tpu.memory_space<vmem>> -> memref<128xi32, #tpu.memory_space<vmem>>
        %dma_wait3A_89 = arith.constant 0 : i32
        %dma_wait3A_90 = arith.constant 0 : i32
        %dma_wait3A_91 = tpu.memref_slice %arg12[%dma_wait3A_89, %dma_wait3A_90] : memref<10112x64xf32, #tpu.memory_space<vmem_shared>> -> memref<10112x64xf32, #tpu.memory_space<vmem_shared>>
        tpu.wait_indirect_dma semaphore(%run_scoped3A : memref<!tpu.dma_semaphore, #tpu.memory_space<semaphore_mem>>) src(%arg10 : memref<128x64xf32, #tpu.memory_space<vmem>>) dst(%dma_wait3A_91 : memref<10112x64xf32, #tpu.memory_space<vmem_shared>>)
        tpu.yield
      }) : () -> ()
    }
    %barrier3A_44 = arith.constant 0 : index
    tpu.barrier barrier_id(%barrier3A_44)
    "tpu.region"() ({
      %run_scoped3A = tpu.sem_alloc : memref<!tpu.dma_semaphore, #tpu.memory_space<semaphore_mem>>
      %dma_start3A_53 = arith.constant 0 : i32
      %dma_start3A_54 = tpu.memref_slice %arg12[%mul3A_2, %dma_start3A_53] : memref<10112x64xf32, #tpu.memory_space<vmem_shared>> -> memref<632x64xf32, #tpu.memory_space<vmem_shared>>
      %dma_start3A_55 = arith.constant 0 : i32
      %dma_start3A_56 = tpu.memref_slice %arg12[%mul3A_2, %dma_start3A_55] : memref<10112x64xf32, #tpu.memory_space<vmem_shared>> -> memref<632x64xf32, #tpu.memory_space<vmem_shared>>
      tpu.enqueue_dma source(%dma_start3A_56 : memref<632x64xf32, #tpu.memory_space<vmem_shared>>) target(%arg11 : memref<632x64xf32, #tpu.memory_space<vmem>>) target_semaphore(%run_scoped3A : memref<!tpu.dma_semaphore, #tpu.memory_space<semaphore_mem>>)
      %dma_wait3A = arith.constant 0 : i32
      %dma_wait3A_57 = tpu.memref_slice %arg12[%mul3A_2, %dma_wait3A] : memref<10112x64xf32, #tpu.memory_space<vmem_shared>> -> memref<632x64xf32, #tpu.memory_space<vmem_shared>>
      %dma_wait3A_58 = arith.constant 0 : i32
      %dma_wait3A_59 = tpu.memref_slice %arg12[%mul3A_2, %dma_wait3A_58] : memref<10112x64xf32, #tpu.memory_space<vmem_shared>> -> memref<632x64xf32, #tpu.memory_space<vmem_shared>>
      tpu.wait_dma2 semaphore(%run_scoped3A : memref<!tpu.dma_semaphore, #tpu.memory_space<semaphore_mem>>) src(%dma_wait3A_59 : memref<632x64xf32, #tpu.memory_space<vmem_shared>>) dst(%arg11 : memref<632x64xf32, #tpu.memory_space<vmem>>)
      tpu.yield
    }) : () -> ()
    %eq3A_45 = arith.constant 0 : i32
    %eq3A_46 = arith.cmpi eq, %arg0, %eq3A_45 : i32
    %convert_element_type3A = arith.extui %eq3A_46 : i1 to i32
    %cond3A = arith.constant 0 : i32
    %cond3A_47 = arith.cmpi ne, %convert_element_type3A, %cond3A : i32
    scf.if %cond3A_47 {
      "tpu.region"() ({
        %run_scoped3A = tpu.sem_alloc : memref<!tpu.dma_semaphore, #tpu.memory_space<semaphore_mem>>
        %dma_start3A_53 = arith.constant 0 : i32
        %dma_start3A_54 = tpu.memref_slice %arg5[%mul3A_2, %dma_start3A_53] : memref<10112x64xf32, #tpu.memory_space<hbm>> -> memref<632x64xf32, #tpu.memory_space<hbm>>
        %dma_start3A_55 = arith.constant 0 : i32
        %dma_start3A_56 = tpu.memref_slice %arg5[%mul3A_2, %dma_start3A_55] : memref<10112x64xf32, #tpu.memory_space<hbm>> -> memref<632x64xf32, #tpu.memory_space<hbm>>
        tpu.enqueue_dma source(%arg11 : memref<632x64xf32, #tpu.memory_space<vmem>>) target(%dma_start3A_56 : memref<632x64xf32, #tpu.memory_space<hbm>>) target_semaphore(%run_scoped3A : memref<!tpu.dma_semaphore, #tpu.memory_space<semaphore_mem>>)
        %dma_wait3A = arith.constant 0 : i32
        %dma_wait3A_57 = tpu.memref_slice %arg5[%mul3A_2, %dma_wait3A] : memref<10112x64xf32, #tpu.memory_space<hbm>> -> memref<632x64xf32, #tpu.memory_space<hbm>>
        %dma_wait3A_58 = arith.constant 0 : i32
        %dma_wait3A_59 = tpu.memref_slice %arg5[%mul3A_2, %dma_wait3A_58] : memref<10112x64xf32, #tpu.memory_space<hbm>> -> memref<632x64xf32, #tpu.memory_space<hbm>>
        tpu.wait_dma2 semaphore(%run_scoped3A : memref<!tpu.dma_semaphore, #tpu.memory_space<semaphore_mem>>) src(%arg11 : memref<632x64xf32, #tpu.memory_space<vmem>>) dst(%dma_wait3A_59 : memref<632x64xf32, #tpu.memory_space<hbm>>)
        tpu.yield
      }) : () -> ()
    } else {
    }
    %eq3A_48 = arith.constant 1 : i32
    %eq3A_49 = arith.cmpi eq, %arg0, %eq3A_48 : i32
    %convert_element_type3A_50 = arith.extui %eq3A_49 : i1 to i32
    %cond3A_51 = arith.constant 0 : i32
    %cond3A_52 = arith.cmpi ne, %convert_element_type3A_50, %cond3A_51 : i32
    scf.if %cond3A_52 {
      "tpu.region"() ({
        %run_scoped3A = tpu.sem_alloc : memref<!tpu.dma_semaphore, #tpu.memory_space<semaphore_mem>>
        %dma_start3A_53 = arith.constant 0 : i32
        %dma_start3A_54 = tpu.memref_slice %arg6[%mul3A_2, %dma_start3A_53] : memref<10112x64xf32, #tpu.memory_space<hbm>> -> memref<632x64xf32, #tpu.memory_space<hbm>>
        %dma_start3A_55 = arith.constant 0 : i32
        %dma_start3A_56 = tpu.memref_slice %arg6[%mul3A_2, %dma_start3A_55] : memref<10112x64xf32, #tpu.memory_space<hbm>> -> memref<632x64xf32, #tpu.memory_space<hbm>>
        tpu.enqueue_dma source(%arg11 : memref<632x64xf32, #tpu.memory_space<vmem>>) target(%dma_start3A_56 : memref<632x64xf32, #tpu.memory_space<hbm>>) target_semaphore(%run_scoped3A : memref<!tpu.dma_semaphore, #tpu.memory_space<semaphore_mem>>)
        %dma_wait3A = arith.constant 0 : i32
        %dma_wait3A_57 = tpu.memref_slice %arg6[%mul3A_2, %dma_wait3A] : memref<10112x64xf32, #tpu.memory_space<hbm>> -> memref<632x64xf32, #tpu.memory_space<hbm>>
        %dma_wait3A_58 = arith.constant 0 : i32
        %dma_wait3A_59 = tpu.memref_slice %arg6[%mul3A_2, %dma_wait3A_58] : memref<10112x64xf32, #tpu.memory_space<hbm>> -> memref<632x64xf32, #tpu.memory_space<hbm>>
        tpu.wait_dma2 semaphore(%run_scoped3A : memref<!tpu.dma_semaphore, #tpu.memory_space<semaphore_mem>>) src(%arg11 : memref<632x64xf32, #tpu.memory_space<vmem>>) dst(%dma_wait3A_59 : memref<632x64xf32, #tpu.memory_space<hbm>>)
        tpu.yield
      }) : () -> ()
    } else {
    }
    return
  }
}

module attributes {stable_mosaic.version = 14 : i64} {
  func.func @_enc_body(%arg0: memref<10112x128xf32, #tpu.memory_space<vmem>>, %arg1: memref<128x64xf32, #tpu.memory_space<vmem>>, %arg2: memref<1x64xf32, #tpu.memory_space<vmem>>, %arg3: memref<64x64xf32, #tpu.memory_space<vmem>>, %arg4: memref<1x64xf32, #tpu.memory_space<vmem>>, %arg5: memref<10112x64xf32, #tpu.memory_space<vmem>>, %arg6: memref<10112x64xf32, #tpu.memory_space<vmem>>) attributes {dimension_semantics = [], scalar_prefetch = 0 : i64, scratch_operands = 0 : i64, tpu.core_type = #tpu.core_type<tc>} {
    %get3A = arith.constant 0 : index
    %get3A_0 = arith.constant 0 : index
    %get3A_1 = vector.load %arg0[%get3A, %get3A_0] : memref<10112x128xf32, #tpu.memory_space<vmem>>, vector<10112x128xf32>
    %get3A_2 = arith.constant 0 : index
    %get3A_3 = arith.constant 0 : index
    %get3A_4 = vector.load %arg1[%get3A_2, %get3A_3] : memref<128x64xf32, #tpu.memory_space<vmem>>, vector<128x64xf32>
    %dot_general3A = arith.constant dense<0.000000e+00> : vector<10112x64xf32>
    %dot_general3A_5 = tpu.matmul %get3A_1, %get3A_4, %dot_general3A {dimension_numbers = #tpu.dot_dimension_numbers<[1], [0], [0], [1], [0, 0, 1, 1], [], []>, transpose_lhs_hint = false} : vector<10112x128xf32>, vector<128x64xf32>, vector<10112x64xf32> -> vector<10112x64xf32>
    %get3A_6 = arith.constant 0 : index
    %get3A_7 = arith.constant 0 : index
    %get3A_8 = vector.load %arg2[%get3A_6, %get3A_7] : memref<1x64xf32, #tpu.memory_space<vmem>>, vector<1x64xf32>
    %add3A = vector.broadcast %get3A_8 : vector<1x64xf32> to vector<10112x64xf32>
    %add3A_9 = arith.addf %dot_general3A_5, %add3A : vector<10112x64xf32>
    %max3A = arith.constant 0.000000e+00 : f32
    %max3A_10 = vector.broadcast %max3A : f32 to vector<10112x64xf32>
    %max3A_11 = arith.maximumf %add3A_9, %max3A_10 : vector<10112x64xf32>
    %swap3A = arith.constant 0 : index
    %swap3A_12 = arith.constant 0 : index
    %swap3A_13 = vector.load %arg5[%swap3A, %swap3A_12] : memref<10112x64xf32, #tpu.memory_space<vmem>>, vector<10112x64xf32>
    tpu.vector_store %arg5[%swap3A, %swap3A_12], %max3A_11 {strides = array<i32>} : memref<10112x64xf32, #tpu.memory_space<vmem>>, vector<10112x64xf32>,
    %get3A_14 = arith.constant 0 : index
    %get3A_15 = arith.constant 0 : index
    %get3A_16 = vector.load %arg3[%get3A_14, %get3A_15] : memref<64x64xf32, #tpu.memory_space<vmem>>, vector<64x64xf32>
    %dot_general3A_17 = arith.constant dense<0.000000e+00> : vector<10112x64xf32>
    %dot_general3A_18 = tpu.matmul %max3A_11, %get3A_16, %dot_general3A_17 {dimension_numbers = #tpu.dot_dimension_numbers<[1], [0], [0], [1], [0, 0, 1, 1], [], []>, transpose_lhs_hint = false} : vector<10112x64xf32>, vector<64x64xf32>, vector<10112x64xf32> -> vector<10112x64xf32>
    %get3A_19 = arith.constant 0 : index
    %get3A_20 = arith.constant 0 : index
    %get3A_21 = vector.load %arg4[%get3A_19, %get3A_20] : memref<1x64xf32, #tpu.memory_space<vmem>>, vector<1x64xf32>
    %add3A_22 = vector.broadcast %get3A_21 : vector<1x64xf32> to vector<10112x64xf32>
    %add3A_23 = arith.addf %dot_general3A_18, %add3A_22 : vector<10112x64xf32>
    %max3A_24 = arith.constant 0.000000e+00 : f32
    %max3A_25 = vector.broadcast %max3A_24 : f32 to vector<10112x64xf32>
    %max3A_26 = arith.maximumf %add3A_23, %max3A_25 : vector<10112x64xf32>
    %swap3A_27 = arith.constant 0 : index
    %swap3A_28 = arith.constant 0 : index
    %swap3A_29 = vector.load %arg6[%swap3A_27, %swap3A_28] : memref<10112x64xf32, #tpu.memory_space<vmem>>, vector<10112x64xf32>
    tpu.vector_store %arg6[%swap3A_27, %swap3A_28], %max3A_26 {strides = array<i32>} : memref<10112x64xf32, #tpu.memory_space<vmem>>, vector<10112x64xf32>,
    return
  }
}

module attributes {stable_mosaic.version = 14 : i64} {
  func.func @_upd_body(%arg0: memref<10112x64xf32, #tpu.memory_space<vmem>>, %arg1: memref<10112x64xf32, #tpu.memory_space<vmem>>, %arg2: memref<10112x64xf32, #tpu.memory_space<vmem>>, %arg3: memref<64x64xf32, #tpu.memory_space<vmem>>, %arg4: memref<64x64xf32, #tpu.memory_space<vmem>>, %arg5: memref<1x64xf32, #tpu.memory_space<vmem>>, %arg6: memref<64x64xf32, #tpu.memory_space<vmem>>, %arg7: memref<1x64xf32, #tpu.memory_space<vmem>>, %arg8: memref<10112x64xf32, #tpu.memory_space<vmem>>, %arg9: memref<10112x64xf32, #tpu.memory_space<vmem>>) attributes {dimension_semantics = [], scalar_prefetch = 0 : i64, scratch_operands = 0 : i64, tpu.core_type = #tpu.core_type<tc>} {
    %get3A = arith.constant 0 : index
    %get3A_0 = arith.constant 0 : index
    %get3A_1 = vector.load %arg1[%get3A, %get3A_0] : memref<10112x64xf32, #tpu.memory_space<vmem>>, vector<10112x64xf32>
    %get3A_2 = arith.constant 0 : index
    %get3A_3 = arith.constant 0 : index
    %get3A_4 = vector.load %arg2[%get3A_2, %get3A_3] : memref<10112x64xf32, #tpu.memory_space<vmem>>, vector<10112x64xf32>
    %add3A = arith.addf %get3A_1, %get3A_4 : vector<10112x64xf32>
    %get3A_5 = arith.constant 0 : index
    %get3A_6 = arith.constant 0 : index
    %get3A_7 = vector.load %arg0[%get3A_5, %get3A_6] : memref<10112x64xf32, #tpu.memory_space<vmem>>, vector<10112x64xf32>
    %get3A_8 = arith.constant 0 : index
    %get3A_9 = arith.constant 0 : index
    %get3A_10 = vector.load %arg3[%get3A_8, %get3A_9] : memref<64x64xf32, #tpu.memory_space<vmem>>, vector<64x64xf32>
    %dot_general3A = arith.constant dense<0.000000e+00> : vector<10112x64xf32>
    %dot_general3A_11 = tpu.matmul %get3A_7, %get3A_10, %dot_general3A {dimension_numbers = #tpu.dot_dimension_numbers<[1], [0], [0], [1], [0, 0, 1, 1], [], []>, transpose_lhs_hint = false} : vector<10112x64xf32>, vector<64x64xf32>, vector<10112x64xf32> -> vector<10112x64xf32>
    %get3A_12 = arith.constant 0 : index
    %get3A_13 = arith.constant 0 : index
    %get3A_14 = vector.load %arg4[%get3A_12, %get3A_13] : memref<64x64xf32, #tpu.memory_space<vmem>>, vector<64x64xf32>
    %dot_general3A_15 = arith.constant dense<0.000000e+00> : vector<10112x64xf32>
    %dot_general3A_16 = tpu.matmul %add3A, %get3A_14, %dot_general3A_15 {dimension_numbers = #tpu.dot_dimension_numbers<[1], [0], [0], [1], [0, 0, 1, 1], [], []>, transpose_lhs_hint = false} : vector<10112x64xf32>, vector<64x64xf32>, vector<10112x64xf32> -> vector<10112x64xf32>
    %add3A_17 = arith.addf %dot_general3A_11, %dot_general3A_16 : vector<10112x64xf32>
    %get3A_18 = arith.constant 0 : index
    %get3A_19 = arith.constant 0 : index
    %get3A_20 = vector.load %arg5[%get3A_18, %get3A_19] : memref<1x64xf32, #tpu.memory_space<vmem>>, vector<1x64xf32>
    %add3A_21 = vector.broadcast %get3A_20 : vector<1x64xf32> to vector<10112x64xf32>
    %add3A_22 = arith.addf %add3A_17, %add3A_21 : vector<10112x64xf32>
    %max3A = arith.constant 0.000000e+00 : f32
    %max3A_23 = vector.broadcast %max3A : f32 to vector<10112x64xf32>
    %max3A_24 = arith.maximumf %add3A_22, %max3A_23 : vector<10112x64xf32>
    %swap3A = arith.constant 0 : index
    %swap3A_25 = arith.constant 0 : index
    %swap3A_26 = vector.load %arg8[%swap3A, %swap3A_25] : memref<10112x64xf32, #tpu.memory_space<vmem>>, vector<10112x64xf32>
    tpu.vector_store %arg8[%swap3A, %swap3A_25], %max3A_24 {strides = array<i32>} : memref<10112x64xf32, #tpu.memory_space<vmem>>, vector<10112x64xf32>,
    %get3A_27 = arith.constant 0 : index
    %get3A_28 = arith.constant 0 : index
    %get3A_29 = vector.load %arg6[%get3A_27, %get3A_28] : memref<64x64xf32, #tpu.memory_space<vmem>>, vector<64x64xf32>
    %dot_general3A_30 = arith.constant dense<0.000000e+00> : vector<10112x64xf32>
    %dot_general3A_31 = tpu.matmul %max3A_24, %get3A_29, %dot_general3A_30 {dimension_numbers = #tpu.dot_dimension_numbers<[1], [0], [0], [1], [0, 0, 1, 1], [], []>, transpose_lhs_hint = false} : vector<10112x64xf32>, vector<64x64xf32>, vector<10112x64xf32> -> vector<10112x64xf32>
    %get3A_32 = arith.constant 0 : index
    %get3A_33 = arith.constant 0 : index
    %get3A_34 = vector.load %arg7[%get3A_32, %get3A_33] : memref<1x64xf32, #tpu.memory_space<vmem>>, vector<1x64xf32>
    %add3A_35 = vector.broadcast %get3A_34 : vector<1x64xf32> to vector<10112x64xf32>
    %add3A_36 = arith.addf %dot_general3A_31, %add3A_35 : vector<10112x64xf32>
    %max3A_37 = arith.constant 0.000000e+00 : f32
    %max3A_38 = vector.broadcast %max3A_37 : f32 to vector<10112x64xf32>
    %max3A_39 = arith.maximumf %add3A_36, %max3A_38 : vector<10112x64xf32>
    %swap3A_40 = arith.constant 0 : index
    %swap3A_41 = arith.constant 0 : index
    %swap3A_42 = vector.load %arg9[%swap3A_40, %swap3A_41] : memref<10112x64xf32, #tpu.memory_space<vmem>>, vector<10112x64xf32>
    tpu.vector_store %arg9[%swap3A_40, %swap3A_41], %max3A_39 {strides = array<i32>} : memref<10112x64xf32, #tpu.memory_space<vmem>>, vector<10112x64xf32>,
    return
  }
}

module attributes {stable_mosaic.version = 14 : i64} {
  func.func @_fin_body(%arg0: memref<10112x64xf32, #tpu.memory_space<vmem>>, %arg1: memref<10112x64xf32, #tpu.memory_space<vmem>>, %arg2: memref<10112x64xf32, #tpu.memory_space<vmem>>, %arg3: memref<64x64xf32, #tpu.memory_space<vmem>>, %arg4: memref<64x64xf32, #tpu.memory_space<vmem>>, %arg5: memref<1x64xf32, #tpu.memory_space<vmem>>, %arg6: memref<64x64xf32, #tpu.memory_space<vmem>>, %arg7: memref<1x64xf32, #tpu.memory_space<vmem>>, %arg8: memref<10112x64xf32, #tpu.memory_space<vmem>>) attributes {dimension_semantics = [], scalar_prefetch = 0 : i64, scratch_operands = 0 : i64, tpu.core_type = #tpu.core_type<tc>} {
    %get3A = arith.constant 0 : index
    %get3A_0 = arith.constant 0 : index
    %get3A_1 = vector.load %arg1[%get3A, %get3A_0] : memref<10112x64xf32, #tpu.memory_space<vmem>>, vector<10112x64xf32>
    %get3A_2 = arith.constant 0 : index
    %get3A_3 = arith.constant 0 : index
    %get3A_4 = vector.load %arg2[%get3A_2, %get3A_3] : memref<10112x64xf32, #tpu.memory_space<vmem>>, vector<10112x64xf32>
    %add3A = arith.addf %get3A_1, %get3A_4 : vector<10112x64xf32>
    %get3A_5 = arith.constant 0 : index
    %get3A_6 = arith.constant 0 : index
    %get3A_7 = vector.load %arg0[%get3A_5, %get3A_6] : memref<10112x64xf32, #tpu.memory_space<vmem>>, vector<10112x64xf32>
    %get3A_8 = arith.constant 0 : index
    %get3A_9 = arith.constant 0 : index
    %get3A_10 = vector.load %arg3[%get3A_8, %get3A_9] : memref<64x64xf32, #tpu.memory_space<vmem>>, vector<64x64xf32>
    %dot_general3A = arith.constant dense<0.000000e+00> : vector<10112x64xf32>
    %dot_general3A_11 = tpu.matmul %get3A_7, %get3A_10, %dot_general3A {dimension_numbers = #tpu.dot_dimension_numbers<[1], [0], [0], [1], [0, 0, 1, 1], [], []>, transpose_lhs_hint = false} : vector<10112x64xf32>, vector<64x64xf32>, vector<10112x64xf32> -> vector<10112x64xf32>
    %get3A_12 = arith.constant 0 : index
    %get3A_13 = arith.constant 0 : index
    %get3A_14 = vector.load %arg4[%get3A_12, %get3A_13] : memref<64x64xf32, #tpu.memory_space<vmem>>, vector<64x64xf32>
    %dot_general3A_15 = arith.constant dense<0.000000e+00> : vector<10112x64xf32>
    %dot_general3A_16 = tpu.matmul %add3A, %get3A_14, %dot_general3A_15 {dimension_numbers = #tpu.dot_dimension_numbers<[1], [0], [0], [1], [0, 0, 1, 1], [], []>, transpose_lhs_hint = false} : vector<10112x64xf32>, vector<64x64xf32>, vector<10112x64xf32> -> vector<10112x64xf32>
    %add3A_17 = arith.addf %dot_general3A_11, %dot_general3A_16 : vector<10112x64xf32>
    %get3A_18 = arith.constant 0 : index
    %get3A_19 = arith.constant 0 : index
    %get3A_20 = vector.load %arg5[%get3A_18, %get3A_19] : memref<1x64xf32, #tpu.memory_space<vmem>>, vector<1x64xf32>
    %add3A_21 = vector.broadcast %get3A_20 : vector<1x64xf32> to vector<10112x64xf32>
    %add3A_22 = arith.addf %add3A_17, %add3A_21 : vector<10112x64xf32>
    %max3A = arith.constant 0.000000e+00 : f32
    %max3A_23 = vector.broadcast %max3A : f32 to vector<10112x64xf32>
    %max3A_24 = arith.maximumf %add3A_22, %max3A_23 : vector<10112x64xf32>
    %get3A_25 = arith.constant 0 : index
    %get3A_26 = arith.constant 0 : index
    %get3A_27 = vector.load %arg6[%get3A_25, %get3A_26] : memref<64x64xf32, #tpu.memory_space<vmem>>, vector<64x64xf32>
    %dot_general3A_28 = arith.constant dense<0.000000e+00> : vector<10112x64xf32>
    %dot_general3A_29 = tpu.matmul %max3A_24, %get3A_27, %dot_general3A_28 {dimension_numbers = #tpu.dot_dimension_numbers<[1], [0], [0], [1], [0, 0, 1, 1], [], []>, transpose_lhs_hint = false} : vector<10112x64xf32>, vector<64x64xf32>, vector<10112x64xf32> -> vector<10112x64xf32>
    %get3A_30 = arith.constant 0 : index
    %get3A_31 = arith.constant 0 : index
    %get3A_32 = vector.load %arg7[%get3A_30, %get3A_31] : memref<1x64xf32, #tpu.memory_space<vmem>>, vector<1x64xf32>
    %add3A_33 = vector.broadcast %get3A_32 : vector<1x64xf32> to vector<10112x64xf32>
    %add3A_34 = arith.addf %dot_general3A_29, %add3A_33 : vector<10112x64xf32>
    %swap3A = arith.constant 0 : index
    %swap3A_35 = arith.constant 0 : index
    %swap3A_36 = vector.load %arg8[%swap3A, %swap3A_35] : memref<10112x64xf32, #tpu.memory_space<vmem>>, vector<10112x64xf32>
    tpu.vector_store %arg8[%swap3A, %swap3A_35], %add3A_34 {strides = array<i32>} : memref<10112x64xf32, #tpu.memory_space<vmem>>, vector<10112x64xf32>,
    return
  }
}

</mosaic_0001>

<sc_bundles>
// kernel: kernel.11.cloned.1.call-start
scs
__scs_entry_jumppad:
0x0: {  	(pc) =	sbr.rel $0x88, $3  }
0x1: {  	(tag) =	ssettag $0x0;
	lr =	simm.s32 $0x1  }
0x2: {  	[smem:$0x3F97] =	sst lr;
	_ =	strace $0xD0000000  }
0x3: {  	_ = 	snop  }
0x4: {  	_ = 	snop  }
0x5: {  	_ = 	snop  }
0x6: {  	_ = 	snop  }
0x7: {  	_ = 	snop  }
__scs_overlays_trampoline_lowered:
0x8: {  	[smem:$0x3FA6] =	sst s0  }
0x9: {  	[smem:$0x3FA7] =	sst s1  }
0xa: {  	[smem:$0x3FA8] =	sst s2  }
0xb: {  	[smem:$0x3FA9] =	sst s3  }
0xc: {  	[smem:$0x3FAA] =	sst s4  }
0xd: {  	[smem:$0x3FAB] =	sst s5  }
0xe: {  	[smem:$0x3FAC] =	sst s6  }
0xf: {  	[smem:$0x3FAD] =	sst s7  }
0x10: {  	[smem:$0x3FAE] =	sst s8  }
0x11: {  	[smem:$0x3FAF] =	sst s9;
	s0 =	simm.s32 @!p0 $0x0  }
0x12: {  	s1 =	sld [smem:$0x3F95];
	s0 =	simm.s32 @p0 $0x1  }
0x13: {  	[smem:$0x3FB0] =	sst s0;
	s0 =	simm.s32 @!p1 $0x0  }
0x14: {  	s2 =	sld [smem:$0x3F94];
	s0 =	simm.s32 @p1 $0x1  }
0x15: {  	[smem:$0x3FB1] =	sst s0;
	s0 =	simm.s32 @!p2 $0x0  }
0x16: {  	s3 =	sld [smem:$0x3FDB];
	s0 =	simm.s32 @p2 $0x1  }
0x17: {  	s4 =	simm.s32 $0x1BF5;
	[smem:$0x3FB3] =	sst s0  }
0x18: {  	s0 =	sld [smem:$0x3F96];
	_ =	swait.ge [sflag:s4], $0x0  }
0x19: {  	s7 =	sld [smem:$0x3F97]  }
0x1a: {  	s8 =	sadd.s32 $0xFFFFE003, lr  }
0x1b: {  	s9 =	sadd.s32 $0xFFFFFEF7, lr;
	s5 =	simm.s32 $0xFFFFFFFF;
	p2 =	slt.u32 s8, $0xFFFFF086  }
0x1c: {  	p1 =	slt.u32 s9, $0xF7A;
	s5 =	simm.s32 @!p2 $0x0  }
0x1d: {  	s5 =	simm.s32 @p1 $0x1;
	p0 =	seq.s32 s7, s2  }
0x1e: {  	s7 =	smul.u32 @!p0 $0xF7A, s2;
	p2 =	seq.s32 @!p0 s5, $0x0  }
0x1f: {  	s9 =	smul.u32 $0xF7A, s1;
	s8 =	simm.s32 @!p0 $0x1BF5;
	p2 =	por !p2, p0  }
0x20: {  	[sflag:s8] =	ssyncset.s32 @!p0 $0xFFFFF086;
	s6 =	sadd.s32 @!p0 s3, s7;
	s7 =	simm.s32 @!p0 $0x108  }
0x21: {  	s3 =	sadd.s32 s3, s9;
	s6 =	sadd.s32 @!p0 $0x88, s6;
	s7 =	simm.s32 @p2 $0x1082  }
0x22: {  	[simem:s7], [sflag:s8] =	dma.local @!p0 [hbm:s6], $0xF7A  }
0x23: {  	s9 =	sor.u32 $0xD0000000, s2;
	s6 =	simm.s32 $0x108;
	_ =	swait.ge @!p0 [sflag:s8], $0x0  }
0x24: {  	s3 =	sadd.s32 $0x88, s3;
	s6 =	simm.s32 @!p1 $0x1082;
	[sflag:s4] =	ssyncset.s32 $0xFFFFF086  }
0x25: {  	[simem:s6], [sflag:s4] =	dma.local [hbm:s3], $0xF7A  }
0x26: {  	[smem:$0x3F97] =	sst s1;
	(tag) =	ssettag s2;
	_ =	strace s9  }
0x27: {  	s1 =	sld [smem:$0x3FA7]  }
0x28: {  	s2 =	sld [smem:$0x3FA8]  }
0x29: {  	s4 =	sld [smem:$0x3FAA]  }
0x2a: {  	p0 =	seq.s32 s5, $0x0;
	s5 =	sld [smem:$0x3FAB]  }
0x2b: {  	s6 =	sld [smem:$0x3FAC]  }
0x2c: {  	s7 =	sld [smem:$0x3FAD]  }
0x2d: {  	s3 =	simm.s32 $0x108;
	s8 =	sld [smem:$0x3FAE]  }
0x2e: {  	s3 =	simm.s32 @!p0 $0x1082;
	s9 =	sld [smem:$0x3FAF]  }
0x2f: {  	lr =	sadd.s32 s0, s3;
	s0 =	sld [smem:$0x3FA6]  }
0x30: {  	s3 =	sld [smem:$0x3FA9]  }
0x31: {  	[smem:$0x3FB2] =	sst s10  }
0x32: {  	s10 =	sld [smem:$0x3FB0];
	_ =	sdelay $0x3  }
0x33: {  	p0 =	seq.s32 s10, $0x1;
	s10 =	sld [smem:$0x3FB2];
	_ =	sdelay $0x3  }
0x34: {  	[smem:$0x3FB2] =	sst s10  }
0x35: {  	s10 =	sld [smem:$0x3FB1];
	_ =	sdelay $0x3  }
0x36: {  	p1 =	seq.s32 s10, $0x1;
	s10 =	sld [smem:$0x3FB2];
	_ =	sdelay $0x3  }
0x37: {  	[smem:$0x3FB2] =	sst s10  }
0x38: {  	s10 =	sld [smem:$0x3FB3]  }
0x39: {  	_ = 	snop;
	(pc) =	sbr.ind lr, $3  }
0x3a: {  	_ = 	snop  }
0x3b: {  	_ = 	snop  }
0x3c: {  	p2 =	seq.s32 s10, $0x1;
	s10 =	sld [smem:$0x3FB2]  }
0x3d: {  	_ =	shalt  }
0x3e: {  	_ =	shalt  }
0x3f: {  	_ =	shalt  }
0x40: {  	_ =	shalt  }
0x41: {  	_ =	shalt  }
0x42: {  	_ =	shalt  }
0x43: {  	_ =	shalt  }
0x44: {  	_ =	shalt  }
0x45: {  	_ =	shalt  }
0x46: {  	_ =	shalt  }
0x47: {  	_ =	shalt  }
0x48: {  	_ =	shalt  }
0x49: {  	_ =	shalt  }
0x4a: {  	_ =	shalt  }
0x4b: {  	_ =	shalt  }
0x4c: {  	_ =	shalt  }
0x4d: {  	_ =	shalt  }
0x4e: {  	_ =	shalt  }
0x4f: {  	_ =	shalt  }
0x50: {  	_ =	shalt  }
0x51: {  	_ =	shalt  }
0x52: {  	_ =	shalt  }
0x53: {  	_ =	shalt  }
0x54: {  	_ =	shalt  }
0x55: {  	_ =	shalt  }
0x56: {  	_ =	shalt  }
0x57: {  	_ =	shalt  }
0x58: {  	_ =	shalt  }
0x59: {  	_ =	shalt  }
0x5a: {  	_ =	shalt  }
0x5b: {  	_ =	shalt  }
0x5c: {  	_ =	shalt  }
0x5d: {  	_ =	shalt  }
0x5e: {  	_ =	shalt  }
0x5f: {  	_ =	shalt  }
0x60: {  	_ =	shalt  }
0x61: {  	_ =	shalt  }
0x62: {  	_ =	shalt  }
0x63: {  	_ =	shalt  }
0x64: {  	_ =	shalt  }
0x65: {  	_ =	shalt  }
0x66: {  	_ =	shalt  }
0x67: {  	_ =	shalt  }
0x68: {  	_ =	shalt  }
0x69: {  	_ =	shalt  }
0x6a: {  	_ =	shalt  }
0x6b: {  	_ =	shalt  }
0x6c: {  	_ =	shalt  }
0x6d: {  	_ =	shalt  }
0x6e: {  	_ =	shalt  }
0x6f: {  	_ =	shalt  }
0x70: {  	_ =	shalt  }
0x71: {  	_ =	shalt  }
0x72: {  	_ =	shalt  }
0x73: {  	_ =	shalt  }
0x74: {  	_ =	shalt  }
0x75: {  	_ =	shalt  }
0x76: {  	_ =	shalt  }
0x77: {  	_ =	shalt  }
0x78: {  	_ =	shalt  }
0x79: {  	_ =	shalt  }
0x7a: {  	_ =	shalt  }
0x7b: {  	_ =	shalt  }
0x7c: {  	_ =	shalt  }
0x7d: {  	_ =	shalt  }
0x7e: {  	_ =	shalt  }
0x7f: {  	_ =	shalt  }
0x80: {  	_ =	shalt  }
0x81: {  	_ =	shalt  }
0x82: {  	_ =	shalt  }
0x83: {  	_ =	shalt  }
0x84: {  	_ =	shalt  }
0x85: {  	_ =	shalt  }
0x86: {  	_ =	shalt  }
0x87: {  	_ =	shalt  }
.Lfunc_end0:
.L_simem_size_0:
called_computation_lowered:
.L_overlay_start_0:
0x88: {  	s2 =	sld [smem:$0x3FD9]  }
0x89: {  	s3 =	sld [smem:$0x3FFE];
	_ =	sdelay $0x1  }
0x8a: {  	s1 =	srdreg.scid  }
0x8b: {  	s0 =	sand.u32 $0x1, s1  }
0x8c: {  	s17 =	sshll.u32 s0, $0xA;
	s2 =	sadd.s32 s3, s2  }
0x8d: {  	s2 =	sadd.s32 s2, s17  }
0x8e: {  	[smem:$0x3FBE] =	sst s2  }
0x8f: {  	_ = 	snop  }
0x90: {  	s2 =	sld [smem:$0x3FD0];
	(tm) =	ssettm $0x1  }
0x91: {  	s18 =	sld [smem:$0x3FFB];
	_ =	sdelay $0x3  }
0x92: {  	_ =	strace s18  }
0x93: {  	s3 =	sld [smem:$0x3FFC];
	_ =	sdelay $0x3  }
0x94: {  	_ =	strace s3  }
0x95: {  	s3 =	sld [smem:$0x3FFD];
	_ =	sdelay $0x3  }
0x96: {  	_ =	strace s3  }
0x97: {  	_ =	strace $0x8FFFFFFF  }
0x98: {  	s19 =	sld [smem:$0x3FDB];
	_ =	sdelay $0x1  }
0x99: {  	s4 =	simm.s32 $_scs_section_size  }
0x9a: {  	s5 =	simm.s32 $_size__tile_overlayer_lowered;
	s6 =	simm.s32 $_tile_overlayer_lowered  }
0x9b: {  	s22 =	simm.s32 $0x1BFF;
	s21 =	sshll.u32 s6, $0x1;
	s3 =	sadd.s32 s4, s19  }
0x9c: {  	s7 =	simm.s32 $0x0;
	s20 =	sshll.u32 s5, $0x1;
	s5 =	sadd.s32 s21, s3  }
0x9d: {  	[timem:s7], [sflag:s22] =	dma.local [hbm:s5], s20  }
0x9e: {  	_ =	swait.ge [sflag:s22], s20  }
0x9f: {  	s4 =	ssub.s32 $0x0, s20;
	[sflag:s22] =	ssyncset.done $0x0  }
0xa0: {  	[sflag:s22] =	ssyncadd.s32 s4;
	_ =	sdelay $0x1  }
0xa1: {  	s23 =	simm.s32 $0x1B8B  }
0xa2: {  	_ =	swait.ge [sflag:s23], $0x1  }
0xa3: {  	[sflag:s23] =	ssyncset.done $0x0  }
0xa4: {  	s25 =	simm.s32 $0x1B8E;
	s24 =	sld [smem:$0x3FFE];
	[sflag:s23] =	ssyncadd.s32 $0xFFFFFFFF  }
0xa5: {  	s26 =	simm.s32 $execute0_lowered;
	[smem:$0x3FD2] =	sst s25  }
0xa6: {  	s5 =	sshll.u32 s26, $0x1;
	_ =	strace $0x80000046;
	[dreg:$0x1] =	wrdreg $0xFFFFFFFF  }
0xa7: {  	s28 =	simm.s32 $_size_execute0_lowered;
	s3 =	sadd.s32 s3, s5;
	[dreg:$0x0] =	wrdreg $0x0  }
0xa8: {  	s5 =	sshll.u32 s28, $0x1;
	[dreg:$0x2] =	wrdreg s3  }
0xa9: {  	[dreg:$0x3] =	wrdreg s5  }
0xaa: {  	[dreg:$0x4] =	wrdreg $0xC0  }
0xab: {  	_ =	task [dreg:s7], $0x5FFFF  }
0xac: {  	[dreg:$0x1] =	wrdreg $0xFFFFFFFF  }
0xad: {  	[dreg:$0x0] =	wrdreg $0x60  }
0xae: {  	[dreg:$0x2] =	wrdreg s2  }
0xaf: {  	[dreg:$0x3] =	wrdreg s24  }
0xb0: {  	[dreg:$0x4] =	wrdreg $0x146000  }
0xb1: {  	[dreg:$0x5] =	wrdreg $0x9  }
0xb2: {  	_ =	task.clear_ibuf [dreg:s7], $0x6FFFF;
	_ =	strace $0x90000046  }
0xb3: {  	s29 =	simm.s32 $0x9;
	_ =	strace $0x80000048  }
0xb4: {  	_ =	swait.ge [sflag:s29], $0x1  }
0xb5: {  	[sflag:s29] =	ssyncadd.s32 $0xFFFFFFFF  }
0xb6: {  	_ =	strace $0x90000048  }
0xb7: {  	_ =	sfence  }
0xb8: {  	s30 =	sld [smem:$0x0];
	_ =	sdelay $0x2  }
0xb9: {  	s31 =	sshll.u32 s1, $0xD;
	s1 =	sshrl.u32 s1, $0x2  }
0xba: {  	s3 =	sand.u32 $0x4000, s31;
	s1 =	sadd.s32 s1, s30  }
0xbb: {  	s0 =	sor.u32 s3, s0;
	s1 =	sshll.u32 s1, $0x11  }
0xbc: {  	s0 =	sor.u32 s1, s0  }
0xbd: {  	s0 =	sadd.s32 $0x8F2B, s0  }
0xbe: {  	[sflag:s0] =	ssyncadd.remote.s32 $0x1  }
0xbf: {  	_ =	sfence.sel $0xFFFF  }
0xc0: {  	[dreg:$0x0] =	wrdreg $0xFFFFFFFF;
	(pc) =	sbr.abs _section_cstart, $3  }
0xc1: {  	[dreg:$0x1] =	wrdreg $0xFFFFFFFF  }
0xc2: {  	_ =	task.clear_ibuf [dreg:s7], $0x2FFFF;
	_ =	strace $0x9FFFFFFF  }
0xc3: {  	(tm) =	ssettm $0x7FFFFFFF  }
tec
execute0_lowered:
.L_overlay_start_1:
0x0: {  	(tag) =	ssettag $0x1  }
0x1: {  	s1 =	rddreg [dreg:$0x0]  }
0x2: {  	s6 =	rddreg [dreg:$0x1];
	s2 =	srdreg.scid  }
0x3: {  	s0 =	stileid.u32;
	s3 =	rddreg [dreg:$0x2]  }
0x4: {  	s4 =	simm.s32 $0x0;
	s14 =	simm.s32 $0x80;
	s15 =	simm.s32 $0x6800  }
0x5: {  	s16 =	simm.s32 $0xA800;
	s18 =	simm.s32 $0x8800;
	s19 =	simm.s32 $0x1  }
0x6: {  	s21 =	simm.s32 $0x2;
	s5 =	sand.u32 $0x1, s2;
	s2 =	rddreg [dreg:$0x3]  }
0x7: {  	s22 =	simm.s32 $0x0;
	s7 =	sshll.u32 s0, $0x1;
	[smem:$0x7FF] =	sst s4  }
0x8: {  	s9 =	sadd.s32 $0x32C00, s6;
	s11 =	smul.u32 $0x9E00, s0;
	s12 =	sadd.s32 $0x1F000, s6  }
0x9: {  	s7 =	sor.u32 s5, s7;
	_ =	strace $0x80000047;
	s8 =	ssub.s32 $0x2, s5  }
0xa: {  	p0 =	seq.s32 s5, $0x0;
	s5 =	simm.s32 $0x68;
	s7 =	smul.u32 $0x680, s7  }
0xb: {  	s10 =	sshrl.u32 s8, $0x1;
	s5 =	simm.s32 @!p0 $0x36;
	s12 =	smov.u32 @p0 s9  }
0xc: {  	s10 =	ssub.s32 s8, s10;
	s8 =	sadd.s32 s11, s3;
	s13 =	sshrl.u32 s5, $0x1  }
0xd: {  	s11 =	sshrl.u32 s11, $0x3;
	s7 =	sadd.s32 s7, s6;
	s9 =	smax.u32 s10, $0x1  }
0xe: {  	s10 =	sadd.s32 s12, s11;
	s11 =	sadd.s32 $0xFFFFFFFF, s13;
	s12 =	simm.s32 $0x3  }
0xf: {  	v0 =	vimm.f32 $0.0e+00;
	s13 =	simm.s32 $0x3400;
	s6 =	sadd.s32 $0x12000, s7;
	s7 =	sadd.s32 $0x5000, s7  }
.LBB2_1:
0x10: {  	[tilespmem:s4], [sflag:$0x3] =	stream.linear.gather [hbm4b:s6+s4], $0x3400, $0x38;
	[tilespmem:$0x1E400] =	vst v63  }
0x11: {  	_ =	swait.ge [sflag:s12], $0x3400  }
0x12: {  	[sflag:s12] =	ssyncset.done $0x0  }
0x13: {  	[sflag:s12] =	ssyncadd.s32 $0xFFFFCC00  }
0x14: {  	[tilespmem:s13], [sflag:$0x3] =	stream.linear.gather [hbm4b:s7+s4], $0x3400, $0x38;
	[tilespmem:$0x1E400] =	vst v63  }
0x15: {  	_ =	swait.ge [sflag:s12], $0x3400  }
0x16: {  	[sflag:s12] =	ssyncset.done $0x0  }
0x17: {  	s24 =	simm.s32 $0x100;
	s23 =	simm.s32 $0x0;
	[sflag:s12] =	ssyncadd.s32 $0xFFFFCC00  }
0x18: {  	[tilespmem:s15], [sflag:$0x1] =	stream.indirect.gather [hbm4b:s1+s14], $0x40, s4, s14, $0xb8;
	[tilespmem:$0x1E400] =	vst v63  }
.LBB2_2:
0x19: {  	p0 =	sne.s32 s24, $0x27700;
	[tilespmem:s23+$0xA830] =	vst v0;
	s25 =	smov.u32 s24;
	s24 =	sadd.s32 $0x100, s24  }
.Ltmp0:
0x1a: {  	[tilespmem:s23+$0xA820] =	vst v0;
	(pc) =	sbr.rel @p0 .LBB2_2-.Ltmp0, $3  }
0x1b: {  	[tilespmem:s23+$0xA800] =	vst v0  }
0x1c: {  	[tilespmem:s23+$0xA810] =	vst v0;
	_ =	sdelay $0x1  }
0x1d: {  	s23 =	sshra.s32 s25, $0x2  }
0x1e: {  	[tilespmem:s23+$0xA830] =	vst v0  }
0x1f: {  	[tilespmem:s23+$0xA820] =	vst v0  }
0x20: {  	[tilespmem:s23+$0xA800] =	vst v0  }
0x21: {  	[tilespmem:s23+$0xA810] =	vst v0;
	s26 =	sadd.s32 $0xFFFFFFFF, s11  }
0x22: {  	[spmem:s8] =	stream.linear.scatter [tilespmem:s16], [sflag:$0x3], $0x9E00, $0x38;
	[tilespmem:$0x1E400] =	vst v63  }
0x23: {  	p1 =	sne.s32 s26, $0x0  }
.Ltmp1:
0x24: {  	_ =	swait.ge [sflag:s12], $0x9E00;
	(pc) =	sbr.rel @!p1 .LBB2_7-.Ltmp1, $4  }
0x25: {  	[sflag:s12] =	ssyncset.done $0x0  }
0x26: {  	[sflag:s12] =	ssyncadd.s32 $0xFFFF6200  }
0x27: {  	s24 =	simm.s32 $0x100;
	[bflag:$0x0] =	sbarrier.arrive $0xFFFF  }
0x28: {  	s25 =	simm.s32 $0x2;
	s23 =	simm.s32 $0x3480;
	p0 =	por $0x0, $0x0  }
0x29: {  	s25 =	simm.s32 $0x80  }
0x2a: {  	[tilespmem:s18], [sflag:$0x2] =	stream.indirect.gather [hbm4b:s1+s14], $0x40, s25, s14, $0xb8;
	[tilespmem:$0x1E400] =	vst v63  }
0x2b: {  	_ =	swait.ge [sflag:s19], $0x2000  }
0x2c: {  	[sflag:s19] =	ssyncset.done $0x0  }
0x2d: {  	s31 =	simm.s32 $0x3400;
	[sflag:s19] =	ssyncadd.s32 $0xFFFFE000  }
0x2e: {  	[spmem:s3] =	stream.indirect.scatter.add.f32 [tilespmem:s15], [sflag:$0x3], $0x40, s31, s14, $0xb8;
	[tilespmem:$0x1E400] =	vst v63  }
0x2f: {  	_ =	swait.ge [sflag:s12], $0x2000  }
0x30: {  	p0 =	sle.u32 s5, $0x2;
	s26 =	sadd.s32 $0xFFFFFFFF, s26;
	[sflag:s12] =	ssyncset.done $0x0  }
0x31: {  	s25 =	simm.s32 @!p0 $0x80;
	s28 =	simm.s32 @!p0 $0x6800;
	[sflag:s12] =	ssyncadd.s32 $0xFFFFE000  }
0x32: {  	[tilespmem:s28], [sflag:$0x1] =	stream.indirect.gather @!p0 [hbm4b:s1+s25], $0x40, s24, s25, $0xb8;
	[tilespmem:$0x1E400] =	vst v63  }
0x33: {  	p1 =	sne.s32 s26, $0x0;
	_ =	swait.ge [sflag:s21], $0x2000  }
.Ltmp2:
0x34: {  	[sflag:s21] =	ssyncset.done $0x0;
	(pc) =	sbr.rel @!p1 .LBB2_7-.Ltmp2, $4  }
0x35: {  	[sflag:s21] =	ssyncadd.s32 $0xFFFFE000  }
0x36: {  	[spmem:s3] =	stream.indirect.scatter.add.f32 [tilespmem:s18], [sflag:$0x3], $0x40, s23, s14, $0xb8;
	[tilespmem:$0x1E400] =	vst v63  }
0x37: {  	s24 =	simm.s32 $0x200;
	s25 =	simm.s32 $0x4;
	_ =	swait.ge [sflag:s12], $0x2000  }
0x38: {  	p0 =	por $0x1, $0x1;
	s23 =	simm.s32 $0x3580;
	[sflag:s12] =	ssyncset.done $0x0  }
.LBB2_5:
0x39: {  	s26 =	sadd.s32 $0xFFFFFFFF, s26;
	s17 =	sadd.s32 $0xFFFFFF80, s24;
	[sflag:s12] =	ssyncadd.s32 $0xFFFFE000  }
0x3a: {  	[tilespmem:s18], [sflag:$0x2] =	stream.indirect.gather [hbm4b:s1+s14], $0x40, s17, s14, $0xb8;
	[tilespmem:$0x1E400] =	vst v63  }
0x3b: {  	p1 =	sne.s32 s26, $0x0;
	_ =	swait.ge [sflag:s19], $0x2000  }
0x3c: {  	[sflag:s19] =	ssyncset.done $0x0  }
0x3d: {  	s17 =	sadd.s32 $0xFFFFFF80, s23;
	[sflag:s19] =	ssyncadd.s32 $0xFFFFE000  }
0x3e: {  	[spmem:s3] =	stream.indirect.scatter.add.f32 [tilespmem:s15], [sflag:$0x3], $0x40, s17, s14, $0xb8;
	[tilespmem:$0x1E400] =	vst v63  }
0x3f: {  	_ =	swait.ge [sflag:s12], $0x2000  }
0x40: {  	p2 =	sge.u32 s25, s5;
	[sflag:s12] =	ssyncset.done $0x0  }
0x41: {  	s20 =	simm.s32 @!p2 $0x6800;
	s17 =	simm.s32 @!p2 $0x80;
	[sflag:s12] =	ssyncadd.s32 $0xFFFFE000  }
0x42: {  	[tilespmem:s20], [sflag:$0x1] =	stream.indirect.gather @!p2 [hbm4b:s1+s17], $0x40, s24, s17, $0xb8;
	[tilespmem:$0x1E400] =	vst v63  }
0x43: {  	_ =	swait.ge [sflag:s21], $0x2000  }
.Ltmp3:
0x44: {  	[sflag:s21] =	ssyncset.done $0x0;
	(pc) =	sbr.rel @p1 .LBB2_5-.Ltmp3, $4  }
0x45: {  	s25 =	sadd.s32 $0x2, s25;
	[sflag:s21] =	ssyncadd.s32 $0xFFFFE000  }
0x46: {  	[spmem:s3] =	stream.indirect.scatter.add.f32 [tilespmem:s18], [sflag:$0x3], $0x40, s23, s14, $0xb8;
	[tilespmem:$0x1E400] =	vst v63  }
0x47: {  	s17 =	sadd.s32 $0x100, s23;
	s20 =	sadd.s32 $0x100, s24;
	_ =	swait.ge [sflag:s12], $0x2000  }
0x48: {  	s24 =	smov.u32 s20;
	s23 =	smov.u32 s17;
	[sflag:s12] =	ssyncset.done $0x0  }
0x49: {  	s24 =	smov.u32 s20;
	s23 =	smov.u32 s17  }
.LBB2_7:
0x4a: {  	s26 =	sadd.s32 $0xFFFFFF80, s24;
	[sflag:s12] =	ssyncadd.s32 @p0 $0xFFFFE000  }
0x4b: {  	[tilespmem:s18], [sflag:$0x2] =	stream.indirect.gather [hbm4b:s1+s14], $0x40, s26, s14, $0xb8;
	[tilespmem:$0x1E400] =	vst v63  }
0x4c: {  	_ =	swait.ge [sflag:s19], $0x2000  }
0x4d: {  	[sflag:s19] =	ssyncset.done $0x0  }
0x4e: {  	s31 =	sadd.s32 $0xFFFFFF80, s23;
	[sflag:s19] =	ssyncadd.s32 $0xFFFFE000  }
0x4f: {  	[spmem:s3] =	stream.indirect.scatter.add.f32 [tilespmem:s15], [sflag:$0x3], $0x40, s31, s14, $0xb8;
	[tilespmem:$0x1E400] =	vst v63  }
0x50: {  	_ =	swait.ge [sflag:s12], $0x2000  }
0x51: {  	p0 =	sge.u32 s25, s5;
	[sflag:s12] =	ssyncset.done $0x0  }
0x52: {  	s26 =	simm.s32 @!p0 $0x80;
	s28 =	simm.s32 @!p0 $0x6800;
	[sflag:s12] =	ssyncadd.s32 $0xFFFFE000  }
0x53: {  	[tilespmem:s28], [sflag:$0x1] =	stream.indirect.gather @!p0 [hbm4b:s1+s26], $0x40, s24, s26, $0xb8;
	[tilespmem:$0x1E400] =	vst v63  }
0x54: {  	_ =	swait.ge [sflag:s21], $0x2000  }
0x55: {  	[sflag:s21] =	ssyncset.done $0x0  }
0x56: {  	[sflag:s21] =	ssyncadd.s32 $0xFFFFE000  }
0x57: {  	[spmem:s3] =	stream.indirect.scatter.add.f32 [tilespmem:s18], [sflag:$0x3], $0x40, s23, s14, $0xb8;
	[tilespmem:$0x1E400] =	vst v63  }
0x58: {  	_ =	swait.ge [sflag:s12], $0x2000  }
0x59: {  	[sflag:s12] =	ssyncset.done $0x0  }
0x5a: {  	s28 =	sadd.s32 $0x80, s20;
	[sflag:s12] =	ssyncadd.s32 $0xFFFFE000  }
0x5b: {  	[tilespmem:s18], [sflag:$0x2] =	stream.indirect.gather [hbm4b:s1+s14], $0x40, s28, s14, $0xb8;
	[tilespmem:$0x1E400] =	vst v63  }
0x5c: {  	_ =	swait.ge [sflag:s19], $0x2000  }
0x5d: {  	[sflag:s19] =	ssyncset.done $0x0  }
0x5e: {  	s29 =	sadd.s32 $0x80, s17;
	[sflag:s19] =	ssyncadd.s32 $0xFFFFE000  }
0x5f: {  	[spmem:s3] =	stream.indirect.scatter.add.f32 [tilespmem:s15], [sflag:$0x3], $0x40, s29, s14, $0xb8;
	[tilespmem:$0x1E400] =	vst v63  }
0x60: {  	s30 =	sadd.s32 $0x2, s25;
	_ =	swait.ge [sflag:s12], $0x2000  }
0x61: {  	s24 =	sadd.s32 $0x100, s24;
	p0 =	sge.u32 s30, s5;
	[sflag:s12] =	ssyncset.done $0x0  }
0x62: {  	s25 =	simm.s32 @!p0 $0x80;
	s26 =	simm.s32 @!p0 $0x6800;
	[sflag:s12] =	ssyncadd.s32 $0xFFFFE000  }
0x63: {  	[tilespmem:s26], [sflag:$0x1] =	stream.indirect.gather @!p0 [hbm4b:s1+s25], $0x40, s24, s25, $0xb8;
	[tilespmem:$0x1E400] =	vst v63  }
0x64: {  	_ =	swait.ge [sflag:s21], $0x2000  }
0x65: {  	[sflag:s21] =	ssyncset.done $0x0  }
0x66: {  	s31 =	sadd.s32 $0x100, s23;
	[sflag:s21] =	ssyncadd.s32 $0xFFFFE000  }
0x67: {  	[spmem:s3] =	stream.indirect.scatter.add.f32 [tilespmem:s18], [sflag:$0x3], $0x40, s31, s14, $0xb8;
	[tilespmem:$0x1E400] =	vst v63  }
0x68: {  	_ =	swait.ge [sflag:s12], $0x2000  }
0x69: {  	[sflag:s12] =	ssyncset.done $0x0  }
0x6a: {  	[sflag:s12] =	ssyncadd.s32 $0xFFFFE000  }
0x6b: {  	[bflag:$0x0] =	sbarrier.arrive $0xFFFF  }
0x6c: {  	[tilespmem:s16], [sflag:$0x3] =	stream.linear.gather [spmem:s8], $0x9E00, $0x38;
	[tilespmem:$0x1E400] =	vst v63  }
0x6d: {  	s22 =	sadd.s32 $0x1, s22;
	_ =	swait.ge [sflag:s12], $0x9E00  }
0x6e: {  	p0 =	sne.s32 s22, s9;
	[sflag:s12] =	ssyncset.done $0x0  }
.Ltmp4:
0x6f: {  	[sflag:s12] =	ssyncadd.s32 $0xFFFF6200;
	(pc) =	sbr.rel @p0 .LBB2_1-.Ltmp4, $4  }
0x70: {  	[hbm4b:s10+s4] =	stream.linear.scatter [tilespmem:s16], [sflag:$0x3], $0x9E00, $0x38;
	[tilespmem:$0x1E400] =	vst v63  }
0x71: {  	_ =	swait.ge [sflag:s12], $0x9E00  }
0x72: {  	[sflag:s12] =	ssyncset.done $0x0  }
0x73: {  	[sflag:s12] =	ssyncadd.s32 $0xFFFF6200  }
0x74: {  	_ =	sfence.sel $0x180000  }
0x75: {  	[bflag:$0x0] =	sbarrier.arrive $0xFFFF  }
0x76: {  	p0 =	sne.s32 s0, $0x0;
	_ =	strace $0x90000047  }
0x77: {  	s0 =	sadd.s32 @!p0 $0x100000, s2;
	[bflag:$0x2] =	sbarrier.arrive $0xFFFF  }
0x78: {  	[sflag:s0] =	ssyncadd.tile.s32 @!p0 $0x1;
	_ =	shalt  }
.Lfunc_end2:
_tile_overlayer_lowered:
.L_overlay_start_2:
0x79: {  	(tag) =	ssettag $0x2  }
0x7a: {  	s0 =	rddreg [dreg:$0x0];
	s2 =	stileid.u32  }
0x7b: {  	s1 =	rddreg [dreg:$0x1];
	p0 =	sne.s32 s2, $0x0  }
0x7c: {  	s3 =	rddreg [dreg:$0x2];
	[bflag:$0x3] =	sbarrier.arrive $0xFFFF;
	s2 =	simm.s32 @!p0 $0x1C03  }
0x7d: {  	[timem:s3], [sflag:s2] =	dma.local @!p0 [hbm:s0], s1  }
0x7e: {  	s0 =	simm.s32 @!p0 $0x3  }
0x7f: {  	_ =	swait.ge @!p0 [sflag:s0], s1  }
0x80: {  	s1 =	ssub.s32 @!p0 $0x0, s1;
	[sflag:s0] =	ssyncset.done @!p0 $0x0  }
0x81: {  	[sflag:s0] =	ssyncadd.s32 @!p0 s1  }
0x82: {  	[bflag:$0x3] =	sbarrier.arrive $0xFFFF  }
0x83: {  	_ =	shalt  }

// kernel: kernel.14.cloned.1.call-start
scs
__scs_entry_jumppad:
0x0: {  	(pc) =	sbr.rel $0x88, $3  }
0x1: {  	(tag) =	ssettag $0x0;
	lr =	simm.s32 $0x1  }
0x2: {  	[smem:$0x3F97] =	sst lr;
	_ =	strace $0xD0000000  }
0x3: {  	_ = 	snop  }
0x4: {  	_ = 	snop  }
0x5: {  	_ = 	snop  }
0x6: {  	_ = 	snop  }
0x7: {  	_ = 	snop  }
__scs_overlays_trampoline_lowered:
0x8: {  	[smem:$0x3FA6] =	sst s0  }
0x9: {  	[smem:$0x3FA7] =	sst s1  }
0xa: {  	[smem:$0x3FA8] =	sst s2  }
0xb: {  	[smem:$0x3FA9] =	sst s3  }
0xc: {  	[smem:$0x3FAA] =	sst s4  }
0xd: {  	[smem:$0x3FAB] =	sst s5  }
0xe: {  	[smem:$0x3FAC] =	sst s6  }
0xf: {  	[smem:$0x3FAD] =	sst s7  }
0x10: {  	[smem:$0x3FAE] =	sst s8  }
0x11: {  	[smem:$0x3FAF] =	sst s9;
	s0 =	simm.s32 @!p0 $0x0  }
0x12: {  	s1 =	sld [smem:$0x3F95];
	s0 =	simm.s32 @p0 $0x1  }
0x13: {  	[smem:$0x3FB0] =	sst s0;
	s0 =	simm.s32 @!p1 $0x0  }
0x14: {  	s2 =	sld [smem:$0x3F94];
	s0 =	simm.s32 @p1 $0x1  }
0x15: {  	[smem:$0x3FB1] =	sst s0;
	s0 =	simm.s32 @!p2 $0x0  }
0x16: {  	s3 =	sld [smem:$0x3FDB];
	s0 =	simm.s32 @p2 $0x1  }
0x17: {  	s4 =	simm.s32 $0x1BF5;
	[smem:$0x3FB3] =	sst s0  }
0x18: {  	s0 =	sld [smem:$0x3F96];
	_ =	swait.ge [sflag:s4], $0x0  }
0x19: {  	s7 =	sld [smem:$0x3F97]  }
0x1a: {  	s8 =	sadd.s32 $0xFFFFE003, lr  }
0x1b: {  	s9 =	sadd.s32 $0xFFFFFEF7, lr;
	s5 =	simm.s32 $0xFFFFFFFF;
	p2 =	slt.u32 s8, $0xFFFFF086  }
0x1c: {  	p1 =	slt.u32 s9, $0xF7A;
	s5 =	simm.s32 @!p2 $0x0  }
0x1d: {  	s5 =	simm.s32 @p1 $0x1;
	p0 =	seq.s32 s7, s2  }
0x1e: {  	s7 =	smul.u32 @!p0 $0xF7A, s2;
	p2 =	seq.s32 @!p0 s5, $0x0  }
0x1f: {  	s9 =	smul.u32 $0xF7A, s1;
	s8 =	simm.s32 @!p0 $0x1BF5;
	p2 =	por !p2, p0  }
0x20: {  	[sflag:s8] =	ssyncset.s32 @!p0 $0xFFFFF086;
	s6 =	sadd.s32 @!p0 s3, s7;
	s7 =	simm.s32 @!p0 $0x108  }
0x21: {  	s3 =	sadd.s32 s3, s9;
	s6 =	sadd.s32 @!p0 $0x88, s6;
	s7 =	simm.s32 @p2 $0x1082  }
0x22: {  	[simem:s7], [sflag:s8] =	dma.local @!p0 [hbm:s6], $0xF7A  }
0x23: {  	s9 =	sor.u32 $0xD0000000, s2;
	s6 =	simm.s32 $0x108;
	_ =	swait.ge @!p0 [sflag:s8], $0x0  }
0x24: {  	s3 =	sadd.s32 $0x88, s3;
	s6 =	simm.s32 @!p1 $0x1082;
	[sflag:s4] =	ssyncset.s32 $0xFFFFF086  }
0x25: {  	[simem:s6], [sflag:s4] =	dma.local [hbm:s3], $0xF7A  }
0x26: {  	[smem:$0x3F97] =	sst s1;
	(tag) =	ssettag s2;
	_ =	strace s9  }
0x27: {  	s1 =	sld [smem:$0x3FA7]  }
0x28: {  	s2 =	sld [smem:$0x3FA8]  }
0x29: {  	s4 =	sld [smem:$0x3FAA]  }
0x2a: {  	p0 =	seq.s32 s5, $0x0;
	s5 =	sld [smem:$0x3FAB]  }
0x2b: {  	s6 =	sld [smem:$0x3FAC]  }
0x2c: {  	s7 =	sld [smem:$0x3FAD]  }
0x2d: {  	s3 =	simm.s32 $0x108;
	s8 =	sld [smem:$0x3FAE]  }
0x2e: {  	s3 =	simm.s32 @!p0 $0x1082;
	s9 =	sld [smem:$0x3FAF]  }
0x2f: {  	lr =	sadd.s32 s0, s3;
	s0 =	sld [smem:$0x3FA6]  }
0x30: {  	s3 =	sld [smem:$0x3FA9]  }
0x31: {  	[smem:$0x3FB2] =	sst s10  }
0x32: {  	s10 =	sld [smem:$0x3FB0];
	_ =	sdelay $0x3  }
0x33: {  	p0 =	seq.s32 s10, $0x1;
	s10 =	sld [smem:$0x3FB2];
	_ =	sdelay $0x3  }
0x34: {  	[smem:$0x3FB2] =	sst s10  }
0x35: {  	s10 =	sld [smem:$0x3FB1];
	_ =	sdelay $0x3  }
0x36: {  	p1 =	seq.s32 s10, $0x1;
	s10 =	sld [smem:$0x3FB2];
	_ =	sdelay $0x3  }
0x37: {  	[smem:$0x3FB2] =	sst s10  }
0x38: {  	s10 =	sld [smem:$0x3FB3]  }
0x39: {  	_ = 	snop;
	(pc) =	sbr.ind lr, $3  }
0x3a: {  	_ = 	snop  }
0x3b: {  	_ = 	snop  }
0x3c: {  	p2 =	seq.s32 s10, $0x1;
	s10 =	sld [smem:$0x3FB2]  }
0x3d: {  	_ =	shalt  }
0x3e: {  	_ =	shalt  }
0x3f: {  	_ =	shalt  }
0x40: {  	_ =	shalt  }
0x41: {  	_ =	shalt  }
0x42: {  	_ =	shalt  }
0x43: {  	_ =	shalt  }
0x44: {  	_ =	shalt  }
0x45: {  	_ =	shalt  }
0x46: {  	_ =	shalt  }
0x47: {  	_ =	shalt  }
0x48: {  	_ =	shalt  }
0x49: {  	_ =	shalt  }
0x4a: {  	_ =	shalt  }
0x4b: {  	_ =	shalt  }
0x4c: {  	_ =	shalt  }
0x4d: {  	_ =	shalt  }
0x4e: {  	_ =	shalt  }
0x4f: {  	_ =	shalt  }
0x50: {  	_ =	shalt  }
0x51: {  	_ =	shalt  }
0x52: {  	_ =	shalt  }
0x53: {  	_ =	shalt  }
0x54: {  	_ =	shalt  }
0x55: {  	_ =	shalt  }
0x56: {  	_ =	shalt  }
0x57: {  	_ =	shalt  }
0x58: {  	_ =	shalt  }
0x59: {  	_ =	shalt  }
0x5a: {  	_ =	shalt  }
0x5b: {  	_ =	shalt  }
0x5c: {  	_ =	shalt  }
0x5d: {  	_ =	shalt  }
0x5e: {  	_ =	shalt  }
0x5f: {  	_ =	shalt  }
0x60: {  	_ =	shalt  }
0x61: {  	_ =	shalt  }
0x62: {  	_ =	shalt  }
0x63: {  	_ =	shalt  }
0x64: {  	_ =	shalt  }
0x65: {  	_ =	shalt  }
0x66: {  	_ =	shalt  }
0x67: {  	_ =	shalt  }
0x68: {  	_ =	shalt  }
0x69: {  	_ =	shalt  }
0x6a: {  	_ =	shalt  }
0x6b: {  	_ =	shalt  }
0x6c: {  	_ =	shalt  }
0x6d: {  	_ =	shalt  }
0x6e: {  	_ =	shalt  }
0x6f: {  	_ =	shalt  }
0x70: {  	_ =	shalt  }
0x71: {  	_ =	shalt  }
0x72: {  	_ =	shalt  }
0x73: {  	_ =	shalt  }
0x74: {  	_ =	shalt  }
0x75: {  	_ =	shalt  }
0x76: {  	_ =	shalt  }
0x77: {  	_ =	shalt  }
0x78: {  	_ =	shalt  }
0x79: {  	_ =	shalt  }
0x7a: {  	_ =	shalt  }
0x7b: {  	_ =	shalt  }
0x7c: {  	_ =	shalt  }
0x7d: {  	_ =	shalt  }
0x7e: {  	_ =	shalt  }
0x7f: {  	_ =	shalt  }
0x80: {  	_ =	shalt  }
0x81: {  	_ =	shalt  }
0x82: {  	_ =	shalt  }
0x83: {  	_ =	shalt  }
0x84: {  	_ =	shalt  }
0x85: {  	_ =	shalt  }
0x86: {  	_ =	shalt  }
0x87: {  	_ =	shalt  }
.Lfunc_end0:
.L_simem_size_0:
called_computation.1_lowered:
.L_overlay_start_0:
0x88: {  	s2 =	sld [smem:$0x3FD9]  }
0x89: {  	s3 =	sld [smem:$0x3FFE];
	_ =	sdelay $0x1  }
0x8a: {  	s1 =	srdreg.scid  }
0x8b: {  	s0 =	sand.u32 $0x1, s1  }
0x8c: {  	s17 =	sshll.u32 s0, $0xA;
	s2 =	sadd.s32 s3, s2  }
0x8d: {  	s2 =	sadd.s32 s2, s17  }
0x8e: {  	[smem:$0x3FBE] =	sst s2  }
0x8f: {  	_ = 	snop  }
0x90: {  	s2 =	sld [smem:$0x3FD0];
	(tm) =	ssettm $0x1  }
0x91: {  	s18 =	sld [smem:$0x3FFB];
	_ =	sdelay $0x3  }
0x92: {  	_ =	strace s18  }
0x93: {  	s3 =	sld [smem:$0x3FFC];
	_ =	sdelay $0x3  }
0x94: {  	_ =	strace s3  }
0x95: {  	s3 =	sld [smem:$0x3FFD];
	_ =	sdelay $0x3  }
0x96: {  	_ =	strace s3  }
0x97: {  	_ =	strace $0x8FFFFFFF  }
0x98: {  	s19 =	sld [smem:$0x3FDB];
	_ =	sdelay $0x1  }
0x99: {  	s4 =	simm.s32 $_scs_section_size  }
0x9a: {  	s5 =	simm.s32 $_size__tile_overlayer_lowered;
	s6 =	simm.s32 $_tile_overlayer_lowered  }
0x9b: {  	s22 =	simm.s32 $0x1BFF;
	s21 =	sshll.u32 s6, $0x1;
	s3 =	sadd.s32 s4, s19  }
0x9c: {  	s7 =	simm.s32 $0x0;
	s20 =	sshll.u32 s5, $0x1;
	s5 =	sadd.s32 s21, s3  }
0x9d: {  	[timem:s7], [sflag:s22] =	dma.local [hbm:s5], s20  }
0x9e: {  	_ =	swait.ge [sflag:s22], s20  }
0x9f: {  	s4 =	ssub.s32 $0x0, s20;
	[sflag:s22] =	ssyncset.done $0x0  }
0xa0: {  	[sflag:s22] =	ssyncadd.s32 s4;
	_ =	sdelay $0x1  }
0xa1: {  	s23 =	simm.s32 $0x1B8B  }
0xa2: {  	_ =	swait.ge [sflag:s23], $0x1  }
0xa3: {  	[sflag:s23] =	ssyncset.done $0x0  }
0xa4: {  	s25 =	simm.s32 $0x1B8E;
	s24 =	sld [smem:$0x3FFE];
	[sflag:s23] =	ssyncadd.s32 $0xFFFFFFFF  }
0xa5: {  	s26 =	simm.s32 $execute0_lowered;
	[smem:$0x3FD2] =	sst s25  }
0xa6: {  	s5 =	sshll.u32 s26, $0x1;
	_ =	strace $0x80000049;
	[dreg:$0x1] =	wrdreg $0xFFFFFFFF  }
0xa7: {  	s28 =	simm.s32 $_size_execute0_lowered;
	s3 =	sadd.s32 s3, s5;
	[dreg:$0x0] =	wrdreg $0x0  }
0xa8: {  	s5 =	sshll.u32 s28, $0x1;
	[dreg:$0x2] =	wrdreg s3  }
0xa9: {  	[dreg:$0x3] =	wrdreg s5  }
0xaa: {  	[dreg:$0x4] =	wrdreg $0xC0  }
0xab: {  	_ =	task [dreg:s7], $0x5FFFF  }
0xac: {  	[dreg:$0x1] =	wrdreg $0xFFFFFFFF  }
0xad: {  	[dreg:$0x0] =	wrdreg $0x60  }
0xae: {  	[dreg:$0x2] =	wrdreg s2  }
0xaf: {  	[dreg:$0x3] =	wrdreg s24  }
0xb0: {  	[dreg:$0x4] =	wrdreg $0x146000  }
0xb1: {  	[dreg:$0x5] =	wrdreg $0x9  }
0xb2: {  	_ =	task.clear_ibuf [dreg:s7], $0x6FFFF;
	_ =	strace $0x90000049  }
0xb3: {  	s29 =	simm.s32 $0x9;
	_ =	strace $0x8000004B  }
0xb4: {  	_ =	swait.ge [sflag:s29], $0x1  }
0xb5: {  	[sflag:s29] =	ssyncadd.s32 $0xFFFFFFFF  }
0xb6: {  	_ =	strace $0x9000004B  }
0xb7: {  	_ =	sfence  }
0xb8: {  	s30 =	sld [smem:$0x0];
	_ =	sdelay $0x2  }
0xb9: {  	s31 =	sshll.u32 s1, $0xD;
	s1 =	sshrl.u32 s1, $0x2  }
0xba: {  	s3 =	sand.u32 $0x4000, s31;
	s1 =	sadd.s32 s1, s30  }
0xbb: {  	s0 =	sor.u32 s3, s0;
	s1 =	sshll.u32 s1, $0x11  }
0xbc: {  	s0 =	sor.u32 s1, s0  }
0xbd: {  	s0 =	sadd.s32 $0x8F2B, s0  }
0xbe: {  	[sflag:s0] =	ssyncadd.remote.s32 $0x1  }
0xbf: {  	_ =	sfence.sel $0xFFFF  }
0xc0: {  	[dreg:$0x0] =	wrdreg $0xFFFFFFFF;
	(pc) =	sbr.abs _section_cstart, $3  }
0xc1: {  	[dreg:$0x1] =	wrdreg $0xFFFFFFFF  }
0xc2: {  	_ =	task.clear_ibuf [dreg:s7], $0x2FFFF;
	_ =	strace $0x9FFFFFFF  }
0xc3: {  	(tm) =	ssettm $0x7FFFFFFF  }
tec
execute0_lowered:
.L_overlay_start_1:
0x0: {  	(tag) =	ssettag $0x1  }
0x1: {  	s1 =	rddreg [dreg:$0x0]  }
0x2: {  	s6 =	rddreg [dreg:$0x1];
	s2 =	srdreg.scid  }
0x3: {  	s0 =	stileid.u32;
	s3 =	rddreg [dreg:$0x2]  }
0x4: {  	s4 =	simm.s32 $0x0;
	s14 =	simm.s32 $0x80;
	s15 =	simm.s32 $0x6800  }
0x5: {  	s16 =	simm.s32 $0xA800;
	s18 =	simm.s32 $0x8800;
	s19 =	simm.s32 $0x1  }
0x6: {  	s21 =	simm.s32 $0x2;
	s5 =	sand.u32 $0x1, s2;
	s2 =	rddreg [dreg:$0x3]  }
0x7: {  	s22 =	simm.s32 $0x0;
	s7 =	sshll.u32 s0, $0x1;
	[smem:$0x7FF] =	sst s4  }
0x8: {  	s9 =	sadd.s32 $0x32C00, s6;
	s11 =	smul.u32 $0x9E00, s0;
	s12 =	sadd.s32 $0x1F000, s6  }
0x9: {  	s7 =	sor.u32 s5, s7;
	_ =	strace $0x8000004A;
	s8 =	ssub.s32 $0x2, s5  }
0xa: {  	p0 =	seq.s32 s5, $0x0;
	s5 =	simm.s32 $0x68;
	s7 =	smul.u32 $0x680, s7  }
0xb: {  	s10 =	sshrl.u32 s8, $0x1;
	s5 =	simm.s32 @!p0 $0x36;
	s12 =	smov.u32 @p0 s9  }
0xc: {  	s10 =	ssub.s32 s8, s10;
	s8 =	sadd.s32 s11, s3;
	s13 =	sshrl.u32 s5, $0x1  }
0xd: {  	s11 =	sshrl.u32 s11, $0x3;
	s7 =	sadd.s32 s7, s6;
	s9 =	smax.u32 s10, $0x1  }
0xe: {  	s10 =	sadd.s32 s12, s11;
	s11 =	sadd.s32 $0xFFFFFFFF, s13;
	s12 =	simm.s32 $0x3  }
0xf: {  	v0 =	vimm.f32 $0.0e+00;
	s13 =	simm.s32 $0x3400;
	s6 =	sadd.s32 $0x12000, s7;
	s7 =	sadd.s32 $0x5000, s7  }
.LBB2_1:
0x10: {  	[tilespmem:s4], [sflag:$0x3] =	stream.linear.gather [hbm4b:s6+s4], $0x3400, $0x38;
	[tilespmem:$0x1E400] =	vst v63  }
0x11: {  	_ =	swait.ge [sflag:s12], $0x3400  }
0x12: {  	[sflag:s12] =	ssyncset.done $0x0  }
0x13: {  	[sflag:s12] =	ssyncadd.s32 $0xFFFFCC00  }
0x14: {  	[tilespmem:s13], [sflag:$0x3] =	stream.linear.gather [hbm4b:s7+s4], $0x3400, $0x38;
	[tilespmem:$0x1E400] =	vst v63  }
0x15: {  	_ =	swait.ge [sflag:s12], $0x3400  }
0x16: {  	[sflag:s12] =	ssyncset.done $0x0  }
0x17: {  	s24 =	simm.s32 $0x100;
	s23 =	simm.s32 $0x0;
	[sflag:s12] =	ssyncadd.s32 $0xFFFFCC00  }
0x18: {  	[tilespmem:s15], [sflag:$0x1] =	stream.indirect.gather [hbm4b:s1+s14], $0x40, s4, s14, $0xb8;
	[tilespmem:$0x1E400] =	vst v63  }
.LBB2_2:
0x19: {  	p0 =	sne.s32 s24, $0x27700;
	[tilespmem:s23+$0xA830] =	vst v0;
	s25 =	smov.u32 s24;
	s24 =	sadd.s32 $0x100, s24  }
.Ltmp0:
0x1a: {  	[tilespmem:s23+$0xA820] =	vst v0;
	(pc) =	sbr.rel @p0 .LBB2_2-.Ltmp0, $3  }
0x1b: {  	[tilespmem:s23+$0xA800] =	vst v0  }
0x1c: {  	[tilespmem:s23+$0xA810] =	vst v0;
	_ =	sdelay $0x1  }
0x1d: {  	s23 =	sshra.s32 s25, $0x2  }
0x1e: {  	[tilespmem:s23+$0xA830] =	vst v0  }
0x1f: {  	[tilespmem:s23+$0xA820] =	vst v0  }
0x20: {  	[tilespmem:s23+$0xA800] =	vst v0  }
0x21: {  	[tilespmem:s23+$0xA810] =	vst v0;
	s26 =	sadd.s32 $0xFFFFFFFF, s11  }
0x22: {  	[spmem:s8] =	stream.linear.scatter [tilespmem:s16], [sflag:$0x3], $0x9E00, $0x38;
	[tilespmem:$0x1E400] =	vst v63  }
0x23: {  	p1 =	sne.s32 s26, $0x0  }
.Ltmp1:
0x24: {  	_ =	swait.ge [sflag:s12], $0x9E00;
	(pc) =	sbr.rel @!p1 .LBB2_7-.Ltmp1, $4  }
0x25: {  	[sflag:s12] =	ssyncset.done $0x0  }
0x26: {  	[sflag:s12] =	ssyncadd.s32 $0xFFFF6200  }
0x27: {  	s24 =	simm.s32 $0x100;
	[bflag:$0x0] =	sbarrier.arrive $0xFFFF  }
0x28: {  	s25 =	simm.s32 $0x2;
	s23 =	simm.s32 $0x3480;
	p0 =	por $0x0, $0x0  }
0x29: {  	s25 =	simm.s32 $0x80  }
0x2a: {  	[tilespmem:s18], [sflag:$0x2] =	stream.indirect.gather [hbm4b:s1+s14], $0x40, s25, s14, $0xb8;
	[tilespmem:$0x1E400] =	vst v63  }
0x2b: {  	_ =	swait.ge [sflag:s19], $0x2000  }
0x2c: {  	[sflag:s19] =	ssyncset.done $0x0  }
0x2d: {  	s31 =	simm.s32 $0x3400;
	[sflag:s19] =	ssyncadd.s32 $0xFFFFE000  }
0x2e: {  	[spmem:s3] =	stream.indirect.scatter.add.f32 [tilespmem:s15], [sflag:$0x3], $0x40, s31, s14, $0xb8;
	[tilespmem:$0x1E400] =	vst v63  }
0x2f: {  	_ =	swait.ge [sflag:s12], $0x2000  }
0x30: {  	p0 =	sle.u32 s5, $0x2;
	s26 =	sadd.s32 $0xFFFFFFFF, s26;
	[sflag:s12] =	ssyncset.done $0x0  }
0x31: {  	s25 =	simm.s32 @!p0 $0x80;
	s28 =	simm.s32 @!p0 $0x6800;
	[sflag:s12] =	ssyncadd.s32 $0xFFFFE000  }
0x32: {  	[tilespmem:s28], [sflag:$0x1] =	stream.indirect.gather @!p0 [hbm4b:s1+s25], $0x40, s24, s25, $0xb8;
	[tilespmem:$0x1E400] =	vst v63  }
0x33: {  	p1 =	sne.s32 s26, $0x0;
	_ =	swait.ge [sflag:s21], $0x2000  }
.Ltmp2:
0x34: {  	[sflag:s21] =	ssyncset.done $0x0;
	(pc) =	sbr.rel @!p1 .LBB2_7-.Ltmp2, $4  }
0x35: {  	[sflag:s21] =	ssyncadd.s32 $0xFFFFE000  }
0x36: {  	[spmem:s3] =	stream.indirect.scatter.add.f32 [tilespmem:s18], [sflag:$0x3], $0x40, s23, s14, $0xb8;
	[tilespmem:$0x1E400] =	vst v63  }
0x37: {  	s24 =	simm.s32 $0x200;
	s25 =	simm.s32 $0x4;
	_ =	swait.ge [sflag:s12], $0x2000  }
0x38: {  	p0 =	por $0x1, $0x1;
	s23 =	simm.s32 $0x3580;
	[sflag:s12] =	ssyncset.done $0x0  }
.LBB2_5:
0x39: {  	s26 =	sadd.s32 $0xFFFFFFFF, s26;
	s17 =	sadd.s32 $0xFFFFFF80, s24;
	[sflag:s12] =	ssyncadd.s32 $0xFFFFE000  }
0x3a: {  	[tilespmem:s18], [sflag:$0x2] =	stream.indirect.gather [hbm4b:s1+s14], $0x40, s17, s14, $0xb8;
	[tilespmem:$0x1E400] =	vst v63  }
0x3b: {  	p1 =	sne.s32 s26, $0x0;
	_ =	swait.ge [sflag:s19], $0x2000  }
0x3c: {  	[sflag:s19] =	ssyncset.done $0x0  }
0x3d: {  	s17 =	sadd.s32 $0xFFFFFF80, s23;
	[sflag:s19] =	ssyncadd.s32 $0xFFFFE000  }
0x3e: {  	[spmem:s3] =	stream.indirect.scatter.add.f32 [tilespmem:s15], [sflag:$0x3], $0x40, s17, s14, $0xb8;
	[tilespmem:$0x1E400] =	vst v63  }
0x3f: {  	_ =	swait.ge [sflag:s12], $0x2000  }
0x40: {  	p2 =	sge.u32 s25, s5;
	[sflag:s12] =	ssyncset.done $0x0  }
0x41: {  	s20 =	simm.s32 @!p2 $0x6800;
	s17 =	simm.s32 @!p2 $0x80;
	[sflag:s12] =	ssyncadd.s32 $0xFFFFE000  }
0x42: {  	[tilespmem:s20], [sflag:$0x1] =	stream.indirect.gather @!p2 [hbm4b:s1+s17], $0x40, s24, s17, $0xb8;
	[tilespmem:$0x1E400] =	vst v63  }
0x43: {  	_ =	swait.ge [sflag:s21], $0x2000  }
.Ltmp3:
0x44: {  	[sflag:s21] =	ssyncset.done $0x0;
	(pc) =	sbr.rel @p1 .LBB2_5-.Ltmp3, $4  }
0x45: {  	s25 =	sadd.s32 $0x2, s25;
	[sflag:s21] =	ssyncadd.s32 $0xFFFFE000  }
0x46: {  	[spmem:s3] =	stream.indirect.scatter.add.f32 [tilespmem:s18], [sflag:$0x3], $0x40, s23, s14, $0xb8;
	[tilespmem:$0x1E400] =	vst v63  }
0x47: {  	s17 =	sadd.s32 $0x100, s23;
	s20 =	sadd.s32 $0x100, s24;
	_ =	swait.ge [sflag:s12], $0x2000  }
0x48: {  	s24 =	smov.u32 s20;
	s23 =	smov.u32 s17;
	[sflag:s12] =	ssyncset.done $0x0  }
0x49: {  	s24 =	smov.u32 s20;
	s23 =	smov.u32 s17  }
.LBB2_7:
0x4a: {  	s26 =	sadd.s32 $0xFFFFFF80, s24;
	[sflag:s12] =	ssyncadd.s32 @p0 $0xFFFFE000  }
0x4b: {  	[tilespmem:s18], [sflag:$0x2] =	stream.indirect.gather [hbm4b:s1+s14], $0x40, s26, s14, $0xb8;
	[tilespmem:$0x1E400] =	vst v63  }
0x4c: {  	_ =	swait.ge [sflag:s19], $0x2000  }
0x4d: {  	[sflag:s19] =	ssyncset.done $0x0  }
0x4e: {  	s31 =	sadd.s32 $0xFFFFFF80, s23;
	[sflag:s19] =	ssyncadd.s32 $0xFFFFE000  }
0x4f: {  	[spmem:s3] =	stream.indirect.scatter.add.f32 [tilespmem:s15], [sflag:$0x3], $0x40, s31, s14, $0xb8;
	[tilespmem:$0x1E400] =	vst v63  }
0x50: {  	_ =	swait.ge [sflag:s12], $0x2000  }
0x51: {  	p0 =	sge.u32 s25, s5;
	[sflag:s12] =	ssyncset.done $0x0  }
0x52: {  	s26 =	simm.s32 @!p0 $0x80;
	s28 =	simm.s32 @!p0 $0x6800;
	[sflag:s12] =	ssyncadd.s32 $0xFFFFE000  }
0x53: {  	[tilespmem:s28], [sflag:$0x1] =	stream.indirect.gather @!p0 [hbm4b:s1+s26], $0x40, s24, s26, $0xb8;
	[tilespmem:$0x1E400] =	vst v63  }
0x54: {  	_ =	swait.ge [sflag:s21], $0x2000  }
0x55: {  	[sflag:s21] =	ssyncset.done $0x0  }
0x56: {  	[sflag:s21] =	ssyncadd.s32 $0xFFFFE000  }
0x57: {  	[spmem:s3] =	stream.indirect.scatter.add.f32 [tilespmem:s18], [sflag:$0x3], $0x40, s23, s14, $0xb8;
	[tilespmem:$0x1E400] =	vst v63  }
0x58: {  	_ =	swait.ge [sflag:s12], $0x2000  }
0x59: {  	[sflag:s12] =	ssyncset.done $0x0  }
0x5a: {  	s28 =	sadd.s32 $0x80, s20;
	[sflag:s12] =	ssyncadd.s32 $0xFFFFE000  }
0x5b: {  	[tilespmem:s18], [sflag:$0x2] =	stream.indirect.gather [hbm4b:s1+s14], $0x40, s28, s14, $0xb8;
	[tilespmem:$0x1E400] =	vst v63  }
0x5c: {  	_ =	swait.ge [sflag:s19], $0x2000  }
0x5d: {  	[sflag:s19] =	ssyncset.done $0x0  }
0x5e: {  	s29 =	sadd.s32 $0x80, s17;
	[sflag:s19] =	ssyncadd.s32 $0xFFFFE000  }
0x5f: {  	[spmem:s3] =	stream.indirect.scatter.add.f32 [tilespmem:s15], [sflag:$0x3], $0x40, s29, s14, $0xb8;
	[tilespmem:$0x1E400] =	vst v63  }
0x60: {  	s30 =	sadd.s32 $0x2, s25;
	_ =	swait.ge [sflag:s12], $0x2000  }
0x61: {  	s24 =	sadd.s32 $0x100, s24;
	p0 =	sge.u32 s30, s5;
	[sflag:s12] =	ssyncset.done $0x0  }
0x62: {  	s25 =	simm.s32 @!p0 $0x80;
	s26 =	simm.s32 @!p0 $0x6800;
	[sflag:s12] =	ssyncadd.s32 $0xFFFFE000  }
0x63: {  	[tilespmem:s26], [sflag:$0x1] =	stream.indirect.gather @!p0 [hbm4b:s1+s25], $0x40, s24, s25, $0xb8;
	[tilespmem:$0x1E400] =	vst v63  }
0x64: {  	_ =	swait.ge [sflag:s21], $0x2000  }
0x65: {  	[sflag:s21] =	ssyncset.done $0x0  }
0x66: {  	s31 =	sadd.s32 $0x100, s23;
	[sflag:s21] =	ssyncadd.s32 $0xFFFFE000  }
0x67: {  	[spmem:s3] =	stream.indirect.scatter.add.f32 [tilespmem:s18], [sflag:$0x3], $0x40, s31, s14, $0xb8;
	[tilespmem:$0x1E400] =	vst v63  }
0x68: {  	_ =	swait.ge [sflag:s12], $0x2000  }
0x69: {  	[sflag:s12] =	ssyncset.done $0x0  }
0x6a: {  	[sflag:s12] =	ssyncadd.s32 $0xFFFFE000  }
0x6b: {  	[bflag:$0x0] =	sbarrier.arrive $0xFFFF  }
0x6c: {  	[tilespmem:s16], [sflag:$0x3] =	stream.linear.gather [spmem:s8], $0x9E00, $0x38;
	[tilespmem:$0x1E400] =	vst v63  }
0x6d: {  	s22 =	sadd.s32 $0x1, s22;
	_ =	swait.ge [sflag:s12], $0x9E00  }
0x6e: {  	p0 =	sne.s32 s22, s9;
	[sflag:s12] =	ssyncset.done $0x0  }
.Ltmp4:
0x6f: {  	[sflag:s12] =	ssyncadd.s32 $0xFFFF6200;
	(pc) =	sbr.rel @p0 .LBB2_1-.Ltmp4, $4  }
0x70: {  	[hbm4b:s10+s4] =	stream.linear.scatter [tilespmem:s16], [sflag:$0x3], $0x9E00, $0x38;
	[tilespmem:$0x1E400] =	vst v63  }
0x71: {  	_ =	swait.ge [sflag:s12], $0x9E00  }
0x72: {  	[sflag:s12] =	ssyncset.done $0x0  }
0x73: {  	[sflag:s12] =	ssyncadd.s32 $0xFFFF6200  }
0x74: {  	_ =	sfence.sel $0x180000  }
0x75: {  	[bflag:$0x0] =	sbarrier.arrive $0xFFFF  }
0x76: {  	p0 =	sne.s32 s0, $0x0;
	_ =	strace $0x9000004A  }
0x77: {  	s0 =	sadd.s32 @!p0 $0x100000, s2;
	[bflag:$0x2] =	sbarrier.arrive $0xFFFF  }
0x78: {  	[sflag:s0] =	ssyncadd.tile.s32 @!p0 $0x1;
	_ =	shalt  }
.Lfunc_end2:
_tile_overlayer_lowered:
.L_overlay_start_2:
0x79: {  	(tag) =	ssettag $0x2  }
0x7a: {  	s0 =	rddreg [dreg:$0x0];
	s2 =	stileid.u32  }
0x7b: {  	s1 =	rddreg [dreg:$0x1];
	p0 =	sne.s32 s2, $0x0  }
0x7c: {  	s3 =	rddreg [dreg:$0x2];
	[bflag:$0x3] =	sbarrier.arrive $0xFFFF;
	s2 =	simm.s32 @!p0 $0x1C03  }
0x7d: {  	[timem:s3], [sflag:s2] =	dma.local @!p0 [hbm:s0], s1  }
0x7e: {  	s0 =	simm.s32 @!p0 $0x3  }
0x7f: {  	_ =	swait.ge @!p0 [sflag:s0], s1  }
0x80: {  	s1 =	ssub.s32 @!p0 $0x0, s1;
	[sflag:s0] =	ssyncset.done @!p0 $0x0  }
0x81: {  	[sflag:s0] =	ssyncadd.s32 @!p0 s1  }
0x82: {  	[bflag:$0x3] =	sbarrier.arrive $0xFFFF  }
0x83: {  	_ =	shalt  }

// kernel: kernel.17.cloned.1.call-start
scs
__scs_entry_jumppad:
0x0: {  	(pc) =	sbr.rel $0x88, $3  }
0x1: {  	(tag) =	ssettag $0x0;
	lr =	simm.s32 $0x1  }
0x2: {  	[smem:$0x3F97] =	sst lr;
	_ =	strace $0xD0000000  }
0x3: {  	_ = 	snop  }
0x4: {  	_ = 	snop  }
0x5: {  	_ = 	snop  }
0x6: {  	_ = 	snop  }
0x7: {  	_ = 	snop  }
__scs_overlays_trampoline_lowered:
0x8: {  	[smem:$0x3FA6] =	sst s0  }
0x9: {  	[smem:$0x3FA7] =	sst s1  }
0xa: {  	[smem:$0x3FA8] =	sst s2  }
0xb: {  	[smem:$0x3FA9] =	sst s3  }
0xc: {  	[smem:$0x3FAA] =	sst s4  }
0xd: {  	[smem:$0x3FAB] =	sst s5  }
0xe: {  	[smem:$0x3FAC] =	sst s6  }
0xf: {  	[smem:$0x3FAD] =	sst s7  }
0x10: {  	[smem:$0x3FAE] =	sst s8  }
0x11: {  	[smem:$0x3FAF] =	sst s9;
	s0 =	simm.s32 @!p0 $0x0  }
0x12: {  	s1 =	sld [smem:$0x3F95];
	s0 =	simm.s32 @p0 $0x1  }
0x13: {  	[smem:$0x3FB0] =	sst s0;
	s0 =	simm.s32 @!p1 $0x0  }
0x14: {  	s2 =	sld [smem:$0x3F94];
	s0 =	simm.s32 @p1 $0x1  }
0x15: {  	[smem:$0x3FB1] =	sst s0;
	s0 =	simm.s32 @!p2 $0x0  }
0x16: {  	s3 =	sld [smem:$0x3FDB];
	s0 =	simm.s32 @p2 $0x1  }
0x17: {  	s4 =	simm.s32 $0x1BF5;
	[smem:$0x3FB3] =	sst s0  }
0x18: {  	s0 =	sld [smem:$0x3F96];
	_ =	swait.ge [sflag:s4], $0x0  }
0x19: {  	s7 =	sld [smem:$0x3F97]  }
0x1a: {  	s8 =	sadd.s32 $0xFFFFE003, lr  }
0x1b: {  	s9 =	sadd.s32 $0xFFFFFEF7, lr;
	s5 =	simm.s32 $0xFFFFFFFF;
	p2 =	slt.u32 s8, $0xFFFFF086  }
0x1c: {  	p1 =	slt.u32 s9, $0xF7A;
	s5 =	simm.s32 @!p2 $0x0  }
0x1d: {  	s5 =	simm.s32 @p1 $0x1;
	p0 =	seq.s32 s7, s2  }
0x1e: {  	s7 =	smul.u32 @!p0 $0xF7A, s2;
	p2 =	seq.s32 @!p0 s5, $0x0  }
0x1f: {  	s9 =	smul.u32 $0xF7A, s1;
	s8 =	simm.s32 @!p0 $0x1BF5;
	p2 =	por !p2, p0  }
0x20: {  	[sflag:s8] =	ssyncset.s32 @!p0 $0xFFFFF086;
	s6 =	sadd.s32 @!p0 s3, s7;
	s7 =	simm.s32 @!p0 $0x108  }
0x21: {  	s3 =	sadd.s32 s3, s9;
	s6 =	sadd.s32 @!p0 $0x88, s6;
	s7 =	simm.s32 @p2 $0x1082  }
0x22: {  	[simem:s7], [sflag:s8] =	dma.local @!p0 [hbm:s6], $0xF7A  }
0x23: {  	s9 =	sor.u32 $0xD0000000, s2;
	s6 =	simm.s32 $0x108;
	_ =	swait.ge @!p0 [sflag:s8], $0x0  }
0x24: {  	s3 =	sadd.s32 $0x88, s3;
	s6 =	simm.s32 @!p1 $0x1082;
	[sflag:s4] =	ssyncset.s32 $0xFFFFF086  }
0x25: {  	[simem:s6], [sflag:s4] =	dma.local [hbm:s3], $0xF7A  }
0x26: {  	[smem:$0x3F97] =	sst s1;
	(tag) =	ssettag s2;
	_ =	strace s9  }
0x27: {  	s1 =	sld [smem:$0x3FA7]  }
0x28: {  	s2 =	sld [smem:$0x3FA8]  }
0x29: {  	s4 =	sld [smem:$0x3FAA]  }
0x2a: {  	p0 =	seq.s32 s5, $0x0;
	s5 =	sld [smem:$0x3FAB]  }
0x2b: {  	s6 =	sld [smem:$0x3FAC]  }
0x2c: {  	s7 =	sld [smem:$0x3FAD]  }
0x2d: {  	s3 =	simm.s32 $0x108;
	s8 =	sld [smem:$0x3FAE]  }
0x2e: {  	s3 =	simm.s32 @!p0 $0x1082;
	s9 =	sld [smem:$0x3FAF]  }
0x2f: {  	lr =	sadd.s32 s0, s3;
	s0 =	sld [smem:$0x3FA6]  }
0x30: {  	s3 =	sld [smem:$0x3FA9]  }
0x31: {  	[smem:$0x3FB2] =	sst s10  }
0x32: {  	s10 =	sld [smem:$0x3FB0];
	_ =	sdelay $0x3  }
0x33: {  	p0 =	seq.s32 s10, $0x1;
	s10 =	sld [smem:$0x3FB2];
	_ =	sdelay $0x3  }
0x34: {  	[smem:$0x3FB2] =	sst s10  }
0x35: {  	s10 =	sld [smem:$0x3FB1];
	_ =	sdelay $0x3  }
0x36: {  	p1 =	seq.s32 s10, $0x1;
	s10 =	sld [smem:$0x3FB2];
	_ =	sdelay $0x3  }
0x37: {  	[smem:$0x3FB2] =	sst s10  }
0x38: {  	s10 =	sld [smem:$0x3FB3]  }
0x39: {  	_ = 	snop;
	(pc) =	sbr.ind lr, $3  }
0x3a: {  	_ = 	snop  }
0x3b: {  	_ = 	snop  }
0x3c: {  	p2 =	seq.s32 s10, $0x1;
	s10 =	sld [smem:$0x3FB2]  }
0x3d: {  	_ =	shalt  }
0x3e: {  	_ =	shalt  }
0x3f: {  	_ =	shalt  }
0x40: {  	_ =	shalt  }
0x41: {  	_ =	shalt  }
0x42: {  	_ =	shalt  }
0x43: {  	_ =	shalt  }
0x44: {  	_ =	shalt  }
0x45: {  	_ =	shalt  }
0x46: {  	_ =	shalt  }
0x47: {  	_ =	shalt  }
0x48: {  	_ =	shalt  }
0x49: {  	_ =	shalt  }
0x4a: {  	_ =	shalt  }
0x4b: {  	_ =	shalt  }
0x4c: {  	_ =	shalt  }
0x4d: {  	_ =	shalt  }
0x4e: {  	_ =	shalt  }
0x4f: {  	_ =	shalt  }
0x50: {  	_ =	shalt  }
0x51: {  	_ =	shalt  }
0x52: {  	_ =	shalt  }
0x53: {  	_ =	shalt  }
0x54: {  	_ =	shalt  }
0x55: {  	_ =	shalt  }
0x56: {  	_ =	shalt  }
0x57: {  	_ =	shalt  }
0x58: {  	_ =	shalt  }
0x59: {  	_ =	shalt  }
0x5a: {  	_ =	shalt  }
0x5b: {  	_ =	shalt  }
0x5c: {  	_ =	shalt  }
0x5d: {  	_ =	shalt  }
0x5e: {  	_ =	shalt  }
0x5f: {  	_ =	shalt  }
0x60: {  	_ =	shalt  }
0x61: {  	_ =	shalt  }
0x62: {  	_ =	shalt  }
0x63: {  	_ =	shalt  }
0x64: {  	_ =	shalt  }
0x65: {  	_ =	shalt  }
0x66: {  	_ =	shalt  }
0x67: {  	_ =	shalt  }
0x68: {  	_ =	shalt  }
0x69: {  	_ =	shalt  }
0x6a: {  	_ =	shalt  }
0x6b: {  	_ =	shalt  }
0x6c: {  	_ =	shalt  }
0x6d: {  	_ =	shalt  }
0x6e: {  	_ =	shalt  }
0x6f: {  	_ =	shalt  }
0x70: {  	_ =	shalt  }
0x71: {  	_ =	shalt  }
0x72: {  	_ =	shalt  }
0x73: {  	_ =	shalt  }
0x74: {  	_ =	shalt  }
0x75: {  	_ =	shalt  }
0x76: {  	_ =	shalt  }
0x77: {  	_ =	shalt  }
0x78: {  	_ =	shalt  }
0x79: {  	_ =	shalt  }
0x7a: {  	_ =	shalt  }
0x7b: {  	_ =	shalt  }
0x7c: {  	_ =	shalt  }
0x7d: {  	_ =	shalt  }
0x7e: {  	_ =	shalt  }
0x7f: {  	_ =	shalt  }
0x80: {  	_ =	shalt  }
0x81: {  	_ =	shalt  }
0x82: {  	_ =	shalt  }
0x83: {  	_ =	shalt  }
0x84: {  	_ =	shalt  }
0x85: {  	_ =	shalt  }
0x86: {  	_ =	shalt  }
0x87: {  	_ =	shalt  }
.Lfunc_end0:
.L_simem_size_0:
called_computation.2_lowered:
.L_overlay_start_0:
0x88: {  	s2 =	sld [smem:$0x3FD9]  }
0x89: {  	s3 =	sld [smem:$0x3FFE];
	_ =	sdelay $0x1  }
0x8a: {  	s1 =	srdreg.scid  }
0x8b: {  	s0 =	sand.u32 $0x1, s1  }
0x8c: {  	s17 =	sshll.u32 s0, $0xA;
	s2 =	sadd.s32 s3, s2  }
0x8d: {  	s2 =	sadd.s32 s2, s17  }
0x8e: {  	[smem:$0x3FBE] =	sst s2  }
0x8f: {  	_ = 	snop  }
0x90: {  	s2 =	sld [smem:$0x3FD0];
	(tm) =	ssettm $0x1  }
0x91: {  	s18 =	sld [smem:$0x3FFB];
	_ =	sdelay $0x3  }
0x92: {  	_ =	strace s18  }
0x93: {  	s3 =	sld [smem:$0x3FFC];
	_ =	sdelay $0x3  }
0x94: {  	_ =	strace s3  }
0x95: {  	s3 =	sld [smem:$0x3FFD];
	_ =	sdelay $0x3  }
0x96: {  	_ =	strace s3  }
0x97: {  	_ =	strace $0x8FFFFFFF  }
0x98: {  	s19 =	sld [smem:$0x3FDB];
	_ =	sdelay $0x1  }
0x99: {  	s4 =	simm.s32 $_scs_section_size  }
0x9a: {  	s5 =	simm.s32 $_size__tile_overlayer_lowered;
	s6 =	simm.s32 $_tile_overlayer_lowered  }
0x9b: {  	s22 =	simm.s32 $0x1BFF;
	s21 =	sshll.u32 s6, $0x1;
	s3 =	sadd.s32 s4, s19  }
0x9c: {  	s7 =	simm.s32 $0x0;
	s20 =	sshll.u32 s5, $0x1;
	s5 =	sadd.s32 s21, s3  }
0x9d: {  	[timem:s7], [sflag:s22] =	dma.local [hbm:s5], s20  }
0x9e: {  	_ =	swait.ge [sflag:s22], s20  }
0x9f: {  	s4 =	ssub.s32 $0x0, s20;
	[sflag:s22] =	ssyncset.done $0x0  }
0xa0: {  	[sflag:s22] =	ssyncadd.s32 s4;
	_ =	sdelay $0x1  }
0xa1: {  	s23 =	simm.s32 $0x1B8B  }
0xa2: {  	_ =	swait.ge [sflag:s23], $0x1  }
0xa3: {  	[sflag:s23] =	ssyncset.done $0x0  }
0xa4: {  	s25 =	simm.s32 $0x1B8E;
	s24 =	sld [smem:$0x3FFE];
	[sflag:s23] =	ssyncadd.s32 $0xFFFFFFFF  }
0xa5: {  	s26 =	simm.s32 $execute0_lowered;
	[smem:$0x3FD2] =	sst s25  }
0xa6: {  	s5 =	sshll.u32 s26, $0x1;
	_ =	strace $0x8000004C;
	[dreg:$0x1] =	wrdreg $0xFFFFFFFF  }
0xa7: {  	s28 =	simm.s32 $_size_execute0_lowered;
	s3 =	sadd.s32 s3, s5;
	[dreg:$0x0] =	wrdreg $0x0  }
0xa8: {  	s5 =	sshll.u32 s28, $0x1;
	[dreg:$0x2] =	wrdreg s3  }
0xa9: {  	[dreg:$0x3] =	wrdreg s5  }
0xaa: {  	[dreg:$0x4] =	wrdreg $0xC0  }
0xab: {  	_ =	task [dreg:s7], $0x5FFFF  }
0xac: {  	[dreg:$0x1] =	wrdreg $0xFFFFFFFF  }
0xad: {  	[dreg:$0x0] =	wrdreg $0x60  }
0xae: {  	[dreg:$0x2] =	wrdreg s2  }
0xaf: {  	[dreg:$0x3] =	wrdreg s24  }
0xb0: {  	[dreg:$0x4] =	wrdreg $0x146000  }
0xb1: {  	[dreg:$0x5] =	wrdreg $0x9  }
0xb2: {  	_ =	task.clear_ibuf [dreg:s7], $0x6FFFF;
	_ =	strace $0x9000004C  }
0xb3: {  	s29 =	simm.s32 $0x9;
	_ =	strace $0x8000004E  }
0xb4: {  	_ =	swait.ge [sflag:s29], $0x1  }
0xb5: {  	[sflag:s29] =	ssyncadd.s32 $0xFFFFFFFF  }
0xb6: {  	_ =	strace $0x9000004E  }
0xb7: {  	_ =	sfence  }
0xb8: {  	s30 =	sld [smem:$0x0];
	_ =	sdelay $0x2  }
0xb9: {  	s31 =	sshll.u32 s1, $0xD;
	s1 =	sshrl.u32 s1, $0x2  }
0xba: {  	s3 =	sand.u32 $0x4000, s31;
	s1 =	sadd.s32 s1, s30  }
0xbb: {  	s0 =	sor.u32 s3, s0;
	s1 =	sshll.u32 s1, $0x11  }
0xbc: {  	s0 =	sor.u32 s1, s0  }
0xbd: {  	s0 =	sadd.s32 $0x8F2B, s0  }
0xbe: {  	[sflag:s0] =	ssyncadd.remote.s32 $0x1  }
0xbf: {  	_ =	sfence.sel $0xFFFF  }
0xc0: {  	[dreg:$0x0] =	wrdreg $0xFFFFFFFF;
	(pc) =	sbr.abs _section_cstart, $3  }
0xc1: {  	[dreg:$0x1] =	wrdreg $0xFFFFFFFF  }
0xc2: {  	_ =	task.clear_ibuf [dreg:s7], $0x2FFFF;
	_ =	strace $0x9FFFFFFF  }
0xc3: {  	(tm) =	ssettm $0x7FFFFFFF  }
tec
execute0_lowered:
.L_overlay_start_1:
0x0: {  	(tag) =	ssettag $0x1  }
0x1: {  	s1 =	rddreg [dreg:$0x0]  }
0x2: {  	s6 =	rddreg [dreg:$0x1];
	s2 =	srdreg.scid  }
0x3: {  	s0 =	stileid.u32;
	s3 =	rddreg [dreg:$0x2]  }
0x4: {  	s4 =	simm.s32 $0x0;
	s14 =	simm.s32 $0x80;
	s15 =	simm.s32 $0x6800  }
0x5: {  	s16 =	simm.s32 $0xA800;
	s18 =	simm.s32 $0x8800;
	s19 =	simm.s32 $0x1  }
0x6: {  	s21 =	simm.s32 $0x2;
	s5 =	sand.u32 $0x1, s2;
	s2 =	rddreg [dreg:$0x3]  }
0x7: {  	s22 =	simm.s32 $0x0;
	s7 =	sshll.u32 s0, $0x1;
	[smem:$0x7FF] =	sst s4  }
0x8: {  	s9 =	sadd.s32 $0x32C00, s6;
	s11 =	smul.u32 $0x9E00, s0;
	s12 =	sadd.s32 $0x1F000, s6  }
0x9: {  	s7 =	sor.u32 s5, s7;
	_ =	strace $0x8000004D;
	s8 =	ssub.s32 $0x2, s5  }
0xa: {  	p0 =	seq.s32 s5, $0x0;
	s5 =	simm.s32 $0x68;
	s7 =	smul.u32 $0x680, s7  }
0xb: {  	s10 =	sshrl.u32 s8, $0x1;
	s5 =	simm.s32 @!p0 $0x36;
	s12 =	smov.u32 @p0 s9  }
0xc: {  	s10 =	ssub.s32 s8, s10;
	s8 =	sadd.s32 s11, s3;
	s13 =	sshrl.u32 s5, $0x1  }
0xd: {  	s11 =	sshrl.u32 s11, $0x3;
	s7 =	sadd.s32 s7, s6;
	s9 =	smax.u32 s10, $0x1  }
0xe: {  	s10 =	sadd.s32 s12, s11;
	s11 =	sadd.s32 $0xFFFFFFFF, s13;
	s12 =	simm.s32 $0x3  }
0xf: {  	v0 =	vimm.f32 $0.0e+00;
	s13 =	simm.s32 $0x3400;
	s6 =	sadd.s32 $0x12000, s7;
	s7 =	sadd.s32 $0x5000, s7  }
.LBB2_1:
0x10: {  	[tilespmem:s4], [sflag:$0x3] =	stream.linear.gather [hbm4b:s6+s4], $0x3400, $0x38;
	[tilespmem:$0x1E400] =	vst v63  }
0x11: {  	_ =	swait.ge [sflag:s12], $0x3400  }
0x12: {  	[sflag:s12] =	ssyncset.done $0x0  }
0x13: {  	[sflag:s12] =	ssyncadd.s32 $0xFFFFCC00  }
0x14: {  	[tilespmem:s13], [sflag:$0x3] =	stream.linear.gather [hbm4b:s7+s4], $0x3400, $0x38;
	[tilespmem:$0x1E400] =	vst v63  }
0x15: {  	_ =	swait.ge [sflag:s12], $0x3400  }
0x16: {  	[sflag:s12] =	ssyncset.done $0x0  }
0x17: {  	s24 =	simm.s32 $0x100;
	s23 =	simm.s32 $0x0;
	[sflag:s12] =	ssyncadd.s32 $0xFFFFCC00  }
0x18: {  	[tilespmem:s15], [sflag:$0x1] =	stream.indirect.gather [hbm4b:s1+s14], $0x40, s4, s14, $0xb8;
	[tilespmem:$0x1E400] =	vst v63  }
.LBB2_2:
0x19: {  	p0 =	sne.s32 s24, $0x27700;
	[tilespmem:s23+$0xA830] =	vst v0;
	s25 =	smov.u32 s24;
	s24 =	sadd.s32 $0x100, s24  }
.Ltmp0:
0x1a: {  	[tilespmem:s23+$0xA820] =	vst v0;
	(pc) =	sbr.rel @p0 .LBB2_2-.Ltmp0, $3  }
0x1b: {  	[tilespmem:s23+$0xA800] =	vst v0  }
0x1c: {  	[tilespmem:s23+$0xA810] =	vst v0;
	_ =	sdelay $0x1  }
0x1d: {  	s23 =	sshra.s32 s25, $0x2  }
0x1e: {  	[tilespmem:s23+$0xA830] =	vst v0  }
0x1f: {  	[tilespmem:s23+$0xA820] =	vst v0  }
0x20: {  	[tilespmem:s23+$0xA800] =	vst v0  }
0x21: {  	[tilespmem:s23+$0xA810] =	vst v0;
	s26 =	sadd.s32 $0xFFFFFFFF, s11  }
0x22: {  	[spmem:s8] =	stream.linear.scatter [tilespmem:s16], [sflag:$0x3], $0x9E00, $0x38;
	[tilespmem:$0x1E400] =	vst v63  }
0x23: {  	p1 =	sne.s32 s26, $0x0  }
.Ltmp1:
0x24: {  	_ =	swait.ge [sflag:s12], $0x9E00;
	(pc) =	sbr.rel @!p1 .LBB2_7-.Ltmp1, $4  }
0x25: {  	[sflag:s12] =	ssyncset.done $0x0  }
0x26: {  	[sflag:s12] =	ssyncadd.s32 $0xFFFF6200  }
0x27: {  	s24 =	simm.s32 $0x100;
	[bflag:$0x0] =	sbarrier.arrive $0xFFFF  }
0x28: {  	s25 =	simm.s32 $0x2;
	s23 =	simm.s32 $0x3480;
	p0 =	por $0x0, $0x0  }
0x29: {  	s25 =	simm.s32 $0x80  }
0x2a: {  	[tilespmem:s18], [sflag:$0x2] =	stream.indirect.gather [hbm4b:s1+s14], $0x40, s25, s14, $0xb8;
	[tilespmem:$0x1E400] =	vst v63  }
0x2b: {  	_ =	swait.ge [sflag:s19], $0x2000  }
0x2c: {  	[sflag:s19] =	ssyncset.done $0x0  }
0x2d: {  	s31 =	simm.s32 $0x3400;
	[sflag:s19] =	ssyncadd.s32 $0xFFFFE000  }
0x2e: {  	[spmem:s3] =	stream.indirect.scatter.add.f32 [tilespmem:s15], [sflag:$0x3], $0x40, s31, s14, $0xb8;
	[tilespmem:$0x1E400] =	vst v63  }
0x2f: {  	_ =	swait.ge [sflag:s12], $0x2000  }
0x30: {  	p0 =	sle.u32 s5, $0x2;
	s26 =	sadd.s32 $0xFFFFFFFF, s26;
	[sflag:s12] =	ssyncset.done $0x0  }
0x31: {  	s25 =	simm.s32 @!p0 $0x80;
	s28 =	simm.s32 @!p0 $0x6800;
	[sflag:s12] =	ssyncadd.s32 $0xFFFFE000  }
0x32: {  	[tilespmem:s28], [sflag:$0x1] =	stream.indirect.gather @!p0 [hbm4b:s1+s25], $0x40, s24, s25, $0xb8;
	[tilespmem:$0x1E400] =	vst v63  }
0x33: {  	p1 =	sne.s32 s26, $0x0;
	_ =	swait.ge [sflag:s21], $0x2000  }
.Ltmp2:
0x34: {  	[sflag:s21] =	ssyncset.done $0x0;
	(pc) =	sbr.rel @!p1 .LBB2_7-.Ltmp2, $4  }
0x35: {  	[sflag:s21] =	ssyncadd.s32 $0xFFFFE000  }
0x36: {  	[spmem:s3] =	stream.indirect.scatter.add.f32 [tilespmem:s18], [sflag:$0x3], $0x40, s23, s14, $0xb8;
	[tilespmem:$0x1E400] =	vst v63  }
0x37: {  	s24 =	simm.s32 $0x200;
	s25 =	simm.s32 $0x4;
	_ =	swait.ge [sflag:s12], $0x2000  }
0x38: {  	p0 =	por $0x1, $0x1;
	s23 =	simm.s32 $0x3580;
	[sflag:s12] =	ssyncset.done $0x0  }
.LBB2_5:
0x39: {  	s26 =	sadd.s32 $0xFFFFFFFF, s26;
	s17 =	sadd.s32 $0xFFFFFF80, s24;
	[sflag:s12] =	ssyncadd.s32 $0xFFFFE000  }
0x3a: {  	[tilespmem:s18], [sflag:$0x2] =	stream.indirect.gather [hbm4b:s1+s14], $0x40, s17, s14, $0xb8;
	[tilespmem:$0x1E400] =	vst v63  }
0x3b: {  	p1 =	sne.s32 s26, $0x0;
	_ =	swait.ge [sflag:s19], $0x2000  }
0x3c: {  	[sflag:s19] =	ssyncset.done $0x0  }
0x3d: {  	s17 =	sadd.s32 $0xFFFFFF80, s23;
	[sflag:s19] =	ssyncadd.s32 $0xFFFFE000  }
0x3e: {  	[spmem:s3] =	stream.indirect.scatter.add.f32 [tilespmem:s15], [sflag:$0x3], $0x40, s17, s14, $0xb8;
	[tilespmem:$0x1E400] =	vst v63  }
0x3f: {  	_ =	swait.ge [sflag:s12], $0x2000  }
0x40: {  	p2 =	sge.u32 s25, s5;
	[sflag:s12] =	ssyncset.done $0x0  }
0x41: {  	s20 =	simm.s32 @!p2 $0x6800;
	s17 =	simm.s32 @!p2 $0x80;
	[sflag:s12] =	ssyncadd.s32 $0xFFFFE000  }
0x42: {  	[tilespmem:s20], [sflag:$0x1] =	stream.indirect.gather @!p2 [hbm4b:s1+s17], $0x40, s24, s17, $0xb8;
	[tilespmem:$0x1E400] =	vst v63  }
0x43: {  	_ =	swait.ge [sflag:s21], $0x2000  }
.Ltmp3:
0x44: {  	[sflag:s21] =	ssyncset.done $0x0;
	(pc) =	sbr.rel @p1 .LBB2_5-.Ltmp3, $4  }
0x45: {  	s25 =	sadd.s32 $0x2, s25;
	[sflag:s21] =	ssyncadd.s32 $0xFFFFE000  }
0x46: {  	[spmem:s3] =	stream.indirect.scatter.add.f32 [tilespmem:s18], [sflag:$0x3], $0x40, s23, s14, $0xb8;
	[tilespmem:$0x1E400] =	vst v63  }
0x47: {  	s17 =	sadd.s32 $0x100, s23;
	s20 =	sadd.s32 $0x100, s24;
	_ =	swait.ge [sflag:s12], $0x2000  }
0x48: {  	s24 =	smov.u32 s20;
	s23 =	smov.u32 s17;
	[sflag:s12] =	ssyncset.done $0x0  }
0x49: {  	s24 =	smov.u32 s20;
	s23 =	smov.u32 s17  }
.LBB2_7:
0x4a: {  	s26 =	sadd.s32 $0xFFFFFF80, s24;
	[sflag:s12] =	ssyncadd.s32 @p0 $0xFFFFE000  }
0x4b: {  	[tilespmem:s18], [sflag:$0x2] =	stream.indirect.gather [hbm4b:s1+s14], $0x40, s26, s14, $0xb8;
	[tilespmem:$0x1E400] =	vst v63  }
0x4c: {  	_ =	swait.ge [sflag:s19], $0x2000  }
0x4d: {  	[sflag:s19] =	ssyncset.done $0x0  }
0x4e: {  	s31 =	sadd.s32 $0xFFFFFF80, s23;
	[sflag:s19] =	ssyncadd.s32 $0xFFFFE000  }
0x4f: {  	[spmem:s3] =	stream.indirect.scatter.add.f32 [tilespmem:s15], [sflag:$0x3], $0x40, s31, s14, $0xb8;
	[tilespmem:$0x1E400] =	vst v63  }
0x50: {  	_ =	swait.ge [sflag:s12], $0x2000  }
0x51: {  	p0 =	sge.u32 s25, s5;
	[sflag:s12] =	ssyncset.done $0x0  }
0x52: {  	s26 =	simm.s32 @!p0 $0x80;
	s28 =	simm.s32 @!p0 $0x6800;
	[sflag:s12] =	ssyncadd.s32 $0xFFFFE000  }
0x53: {  	[tilespmem:s28], [sflag:$0x1] =	stream.indirect.gather @!p0 [hbm4b:s1+s26], $0x40, s24, s26, $0xb8;
	[tilespmem:$0x1E400] =	vst v63  }
0x54: {  	_ =	swait.ge [sflag:s21], $0x2000  }
0x55: {  	[sflag:s21] =	ssyncset.done $0x0  }
0x56: {  	[sflag:s21] =	ssyncadd.s32 $0xFFFFE000  }
0x57: {  	[spmem:s3] =	stream.indirect.scatter.add.f32 [tilespmem:s18], [sflag:$0x3], $0x40, s23, s14, $0xb8;
	[tilespmem:$0x1E400] =	vst v63  }
0x58: {  	_ =	swait.ge [sflag:s12], $0x2000  }
0x59: {  	[sflag:s12] =	ssyncset.done $0x0  }
0x5a: {  	s28 =	sadd.s32 $0x80, s20;
	[sflag:s12] =	ssyncadd.s32 $0xFFFFE000  }
0x5b: {  	[tilespmem:s18], [sflag:$0x2] =	stream.indirect.gather [hbm4b:s1+s14], $0x40, s28, s14, $0xb8;
	[tilespmem:$0x1E400] =	vst v63  }
0x5c: {  	_ =	swait.ge [sflag:s19], $0x2000  }
0x5d: {  	[sflag:s19] =	ssyncset.done $0x0  }
0x5e: {  	s29 =	sadd.s32 $0x80, s17;
	[sflag:s19] =	ssyncadd.s32 $0xFFFFE000  }
0x5f: {  	[spmem:s3] =	stream.indirect.scatter.add.f32 [tilespmem:s15], [sflag:$0x3], $0x40, s29, s14, $0xb8;
	[tilespmem:$0x1E400] =	vst v63  }
0x60: {  	s30 =	sadd.s32 $0x2, s25;
	_ =	swait.ge [sflag:s12], $0x2000  }
0x61: {  	s24 =	sadd.s32 $0x100, s24;
	p0 =	sge.u32 s30, s5;
	[sflag:s12] =	ssyncset.done $0x0  }
0x62: {  	s25 =	simm.s32 @!p0 $0x80;
	s26 =	simm.s32 @!p0 $0x6800;
	[sflag:s12] =	ssyncadd.s32 $0xFFFFE000  }
0x63: {  	[tilespmem:s26], [sflag:$0x1] =	stream.indirect.gather @!p0 [hbm4b:s1+s25], $0x40, s24, s25, $0xb8;
	[tilespmem:$0x1E400] =	vst v63  }
0x64: {  	_ =	swait.ge [sflag:s21], $0x2000  }
0x65: {  	[sflag:s21] =	ssyncset.done $0x0  }
0x66: {  	s31 =	sadd.s32 $0x100, s23;
	[sflag:s21] =	ssyncadd.s32 $0xFFFFE000  }
0x67: {  	[spmem:s3] =	stream.indirect.scatter.add.f32 [tilespmem:s18], [sflag:$0x3], $0x40, s31, s14, $0xb8;
	[tilespmem:$0x1E400] =	vst v63  }
0x68: {  	_ =	swait.ge [sflag:s12], $0x2000  }
0x69: {  	[sflag:s12] =	ssyncset.done $0x0  }
0x6a: {  	[sflag:s12] =	ssyncadd.s32 $0xFFFFE000  }
0x6b: {  	[bflag:$0x0] =	sbarrier.arrive $0xFFFF  }
0x6c: {  	[tilespmem:s16], [sflag:$0x3] =	stream.linear.gather [spmem:s8], $0x9E00, $0x38;
	[tilespmem:$0x1E400] =	vst v63  }
0x6d: {  	s22 =	sadd.s32 $0x1, s22;
	_ =	swait.ge [sflag:s12], $0x9E00  }
0x6e: {  	p0 =	sne.s32 s22, s9;
	[sflag:s12] =	ssyncset.done $0x0  }
.Ltmp4:
0x6f: {  	[sflag:s12] =	ssyncadd.s32 $0xFFFF6200;
	(pc) =	sbr.rel @p0 .LBB2_1-.Ltmp4, $4  }
0x70: {  	[hbm4b:s10+s4] =	stream.linear.scatter [tilespmem:s16], [sflag:$0x3], $0x9E00, $0x38;
	[tilespmem:$0x1E400] =	vst v63  }
0x71: {  	_ =	swait.ge [sflag:s12], $0x9E00  }
0x72: {  	[sflag:s12] =	ssyncset.done $0x0  }
0x73: {  	[sflag:s12] =	ssyncadd.s32 $0xFFFF6200  }
0x74: {  	_ =	sfence.sel $0x180000  }
0x75: {  	[bflag:$0x0] =	sbarrier.arrive $0xFFFF  }
0x76: {  	p0 =	sne.s32 s0, $0x0;
	_ =	strace $0x9000004D  }
0x77: {  	s0 =	sadd.s32 @!p0 $0x100000, s2;
	[bflag:$0x2] =	sbarrier.arrive $0xFFFF  }
0x78: {  	[sflag:s0] =	ssyncadd.tile.s32 @!p0 $0x1;
	_ =	shalt  }
.Lfunc_end2:
_tile_overlayer_lowered:
.L_overlay_start_2:
0x79: {  	(tag) =	ssettag $0x2  }
0x7a: {  	s0 =	rddreg [dreg:$0x0];
	s2 =	stileid.u32  }
0x7b: {  	s1 =	rddreg [dreg:$0x1];
	p0 =	sne.s32 s2, $0x0  }
0x7c: {  	s3 =	rddreg [dreg:$0x2];
	[bflag:$0x3] =	sbarrier.arrive $0xFFFF;
	s2 =	simm.s32 @!p0 $0x1C03  }
0x7d: {  	[timem:s3], [sflag:s2] =	dma.local @!p0 [hbm:s0], s1  }
0x7e: {  	s0 =	simm.s32 @!p0 $0x3  }
0x7f: {  	_ =	swait.ge @!p0 [sflag:s0], s1  }
0x80: {  	s1 =	ssub.s32 @!p0 $0x0, s1;
	[sflag:s0] =	ssyncset.done @!p0 $0x0  }
0x81: {  	[sflag:s0] =	ssyncadd.s32 @!p0 s1  }
0x82: {  	[bflag:$0x3] =	sbarrier.arrive $0xFFFF  }
0x83: {  	_ =	shalt  }

// kernel: kernel.20.cloned.1.call-start
scs
__scs_entry_jumppad:
0x0: {  	(pc) =	sbr.rel $0x88, $3  }
0x1: {  	(tag) =	ssettag $0x0;
	lr =	simm.s32 $0x1  }
0x2: {  	[smem:$0x3F97] =	sst lr;
	_ =	strace $0xD0000000  }
0x3: {  	_ = 	snop  }
0x4: {  	_ = 	snop  }
0x5: {  	_ = 	snop  }
0x6: {  	_ = 	snop  }
0x7: {  	_ = 	snop  }
__scs_overlays_trampoline_lowered:
0x8: {  	[smem:$0x3FA6] =	sst s0  }
0x9: {  	[smem:$0x3FA7] =	sst s1  }
0xa: {  	[smem:$0x3FA8] =	sst s2  }
0xb: {  	[smem:$0x3FA9] =	sst s3  }
0xc: {  	[smem:$0x3FAA] =	sst s4  }
0xd: {  	[smem:$0x3FAB] =	sst s5  }
0xe: {  	[smem:$0x3FAC] =	sst s6  }
0xf: {  	[smem:$0x3FAD] =	sst s7  }
0x10: {  	[smem:$0x3FAE] =	sst s8  }
0x11: {  	[smem:$0x3FAF] =	sst s9;
	s0 =	simm.s32 @!p0 $0x0  }
0x12: {  	s1 =	sld [smem:$0x3F95];
	s0 =	simm.s32 @p0 $0x1  }
0x13: {  	[smem:$0x3FB0] =	sst s0;
	s0 =	simm.s32 @!p1 $0x0  }
0x14: {  	s2 =	sld [smem:$0x3F94];
	s0 =	simm.s32 @p1 $0x1  }
0x15: {  	[smem:$0x3FB1] =	sst s0;
	s0 =	simm.s32 @!p2 $0x0  }
0x16: {  	s3 =	sld [smem:$0x3FDB];
	s0 =	simm.s32 @p2 $0x1  }
0x17: {  	s4 =	simm.s32 $0x1BF5;
	[smem:$0x3FB3] =	sst s0  }
0x18: {  	s0 =	sld [smem:$0x3F96];
	_ =	swait.ge [sflag:s4], $0x0  }
0x19: {  	s7 =	sld [smem:$0x3F97]  }
0x1a: {  	s8 =	sadd.s32 $0xFFFFE003, lr  }
0x1b: {  	s9 =	sadd.s32 $0xFFFFFEF7, lr;
	s5 =	simm.s32 $0xFFFFFFFF;
	p2 =	slt.u32 s8, $0xFFFFF086  }
0x1c: {  	p1 =	slt.u32 s9, $0xF7A;
	s5 =	simm.s32 @!p2 $0x0  }
0x1d: {  	s5 =	simm.s32 @p1 $0x1;
	p0 =	seq.s32 s7, s2  }
0x1e: {  	s7 =	smul.u32 @!p0 $0xF7A, s2;
	p2 =	seq.s32 @!p0 s5, $0x0  }
0x1f: {  	s9 =	smul.u32 $0xF7A, s1;
	s8 =	simm.s32 @!p0 $0x1BF5;
	p2 =	por !p2, p0  }
0x20: {  	[sflag:s8] =	ssyncset.s32 @!p0 $0xFFFFF086;
	s6 =	sadd.s32 @!p0 s3, s7;
	s7 =	simm.s32 @!p0 $0x108  }
0x21: {  	s3 =	sadd.s32 s3, s9;
	s6 =	sadd.s32 @!p0 $0x88, s6;
	s7 =	simm.s32 @p2 $0x1082  }
0x22: {  	[simem:s7], [sflag:s8] =	dma.local @!p0 [hbm:s6], $0xF7A  }
0x23: {  	s9 =	sor.u32 $0xD0000000, s2;
	s6 =	simm.s32 $0x108;
	_ =	swait.ge @!p0 [sflag:s8], $0x0  }
0x24: {  	s3 =	sadd.s32 $0x88, s3;
	s6 =	simm.s32 @!p1 $0x1082;
	[sflag:s4] =	ssyncset.s32 $0xFFFFF086  }
0x25: {  	[simem:s6], [sflag:s4] =	dma.local [hbm:s3], $0xF7A  }
0x26: {  	[smem:$0x3F97] =	sst s1;
	(tag) =	ssettag s2;
	_ =	strace s9  }
0x27: {  	s1 =	sld [smem:$0x3FA7]  }
0x28: {  	s2 =	sld [smem:$0x3FA8]  }
0x29: {  	s4 =	sld [smem:$0x3FAA]  }
0x2a: {  	p0 =	seq.s32 s5, $0x0;
	s5 =	sld [smem:$0x3FAB]  }
0x2b: {  	s6 =	sld [smem:$0x3FAC]  }
0x2c: {  	s7 =	sld [smem:$0x3FAD]  }
0x2d: {  	s3 =	simm.s32 $0x108;
	s8 =	sld [smem:$0x3FAE]  }
0x2e: {  	s3 =	simm.s32 @!p0 $0x1082;
	s9 =	sld [smem:$0x3FAF]  }
0x2f: {  	lr =	sadd.s32 s0, s3;
	s0 =	sld [smem:$0x3FA6]  }
0x30: {  	s3 =	sld [smem:$0x3FA9]  }
0x31: {  	[smem:$0x3FB2] =	sst s10  }
0x32: {  	s10 =	sld [smem:$0x3FB0];
	_ =	sdelay $0x3  }
0x33: {  	p0 =	seq.s32 s10, $0x1;
	s10 =	sld [smem:$0x3FB2];
	_ =	sdelay $0x3  }
0x34: {  	[smem:$0x3FB2] =	sst s10  }
0x35: {  	s10 =	sld [smem:$0x3FB1];
	_ =	sdelay $0x3  }
0x36: {  	p1 =	seq.s32 s10, $0x1;
	s10 =	sld [smem:$0x3FB2];
	_ =	sdelay $0x3  }
0x37: {  	[smem:$0x3FB2] =	sst s10  }
0x38: {  	s10 =	sld [smem:$0x3FB3]  }
0x39: {  	_ = 	snop;
	(pc) =	sbr.ind lr, $3  }
0x3a: {  	_ = 	snop  }
0x3b: {  	_ = 	snop  }
0x3c: {  	p2 =	seq.s32 s10, $0x1;
	s10 =	sld [smem:$0x3FB2]  }
0x3d: {  	_ =	shalt  }
0x3e: {  	_ =	shalt  }
0x3f: {  	_ =	shalt  }
0x40: {  	_ =	shalt  }
0x41: {  	_ =	shalt  }
0x42: {  	_ =	shalt  }
0x43: {  	_ =	shalt  }
0x44: {  	_ =	shalt  }
0x45: {  	_ =	shalt  }
0x46: {  	_ =	shalt  }
0x47: {  	_ =	shalt  }
0x48: {  	_ =	shalt  }
0x49: {  	_ =	shalt  }
0x4a: {  	_ =	shalt  }
0x4b: {  	_ =	shalt  }
0x4c: {  	_ =	shalt  }
0x4d: {  	_ =	shalt  }
0x4e: {  	_ =	shalt  }
0x4f: {  	_ =	shalt  }
0x50: {  	_ =	shalt  }
0x51: {  	_ =	shalt  }
0x52: {  	_ =	shalt  }
0x53: {  	_ =	shalt  }
0x54: {  	_ =	shalt  }
0x55: {  	_ =	shalt  }
0x56: {  	_ =	shalt  }
0x57: {  	_ =	shalt  }
0x58: {  	_ =	shalt  }
0x59: {  	_ =	shalt  }
0x5a: {  	_ =	shalt  }
0x5b: {  	_ =	shalt  }
0x5c: {  	_ =	shalt  }
0x5d: {  	_ =	shalt  }
0x5e: {  	_ =	shalt  }
0x5f: {  	_ =	shalt  }
0x60: {  	_ =	shalt  }
0x61: {  	_ =	shalt  }
0x62: {  	_ =	shalt  }
0x63: {  	_ =	shalt  }
0x64: {  	_ =	shalt  }
0x65: {  	_ =	shalt  }
0x66: {  	_ =	shalt  }
0x67: {  	_ =	shalt  }
0x68: {  	_ =	shalt  }
0x69: {  	_ =	shalt  }
0x6a: {  	_ =	shalt  }
0x6b: {  	_ =	shalt  }
0x6c: {  	_ =	shalt  }
0x6d: {  	_ =	shalt  }
0x6e: {  	_ =	shalt  }
0x6f: {  	_ =	shalt  }
0x70: {  	_ =	shalt  }
0x71: {  	_ =	shalt  }
0x72: {  	_ =	shalt  }
0x73: {  	_ =	shalt  }
0x74: {  	_ =	shalt  }
0x75: {  	_ =	shalt  }
0x76: {  	_ =	shalt  }
0x77: {  	_ =	shalt  }
0x78: {  	_ =	shalt  }
0x79: {  	_ =	shalt  }
0x7a: {  	_ =	shalt  }
0x7b: {  	_ =	shalt  }
0x7c: {  	_ =	shalt  }
0x7d: {  	_ =	shalt  }
0x7e: {  	_ =	shalt  }
0x7f: {  	_ =	shalt  }
0x80: {  	_ =	shalt  }
0x81: {  	_ =	shalt  }
0x82: {  	_ =	shalt  }
0x83: {  	_ =	shalt  }
0x84: {  	_ =	shalt  }
0x85: {  	_ =	shalt  }
0x86: {  	_ =	shalt  }
0x87: {  	_ =	shalt  }
.Lfunc_end0:
.L_simem_size_0:
called_computation.3_lowered:
.L_overlay_start_0:
0x88: {  	s2 =	sld [smem:$0x3FD9]  }
0x89: {  	s3 =	sld [smem:$0x3FFE];
	_ =	sdelay $0x1  }
0x8a: {  	s1 =	srdreg.scid  }
0x8b: {  	s0 =	sand.u32 $0x1, s1  }
0x8c: {  	s17 =	sshll.u32 s0, $0xA;
	s2 =	sadd.s32 s3, s2  }
0x8d: {  	s2 =	sadd.s32 s2, s17  }
0x8e: {  	[smem:$0x3FBE] =	sst s2  }
0x8f: {  	_ = 	snop  }
0x90: {  	s2 =	sld [smem:$0x3FD0];
	(tm) =	ssettm $0x1  }
0x91: {  	s18 =	sld [smem:$0x3FFB];
	_ =	sdelay $0x3  }
0x92: {  	_ =	strace s18  }
0x93: {  	s3 =	sld [smem:$0x3FFC];
	_ =	sdelay $0x3  }
0x94: {  	_ =	strace s3  }
0x95: {  	s3 =	sld [smem:$0x3FFD];
	_ =	sdelay $0x3  }
0x96: {  	_ =	strace s3  }
0x97: {  	_ =	strace $0x8FFFFFFF  }
0x98: {  	s19 =	sld [smem:$0x3FDB];
	_ =	sdelay $0x1  }
0x99: {  	s4 =	simm.s32 $_scs_section_size  }
0x9a: {  	s5 =	simm.s32 $_size__tile_overlayer_lowered;
	s6 =	simm.s32 $_tile_overlayer_lowered  }
0x9b: {  	s22 =	simm.s32 $0x1BFF;
	s21 =	sshll.u32 s6, $0x1;
	s3 =	sadd.s32 s4, s19  }
0x9c: {  	s7 =	simm.s32 $0x0;
	s20 =	sshll.u32 s5, $0x1;
	s5 =	sadd.s32 s21, s3  }
0x9d: {  	[timem:s7], [sflag:s22] =	dma.local [hbm:s5], s20  }
0x9e: {  	_ =	swait.ge [sflag:s22], s20  }
0x9f: {  	s4 =	ssub.s32 $0x0, s20;
	[sflag:s22] =	ssyncset.done $0x0  }
0xa0: {  	[sflag:s22] =	ssyncadd.s32 s4;
	_ =	sdelay $0x1  }
0xa1: {  	s23 =	simm.s32 $0x1B8B  }
0xa2: {  	_ =	swait.ge [sflag:s23], $0x1  }
0xa3: {  	[sflag:s23] =	ssyncset.done $0x0  }
0xa4: {  	s25 =	simm.s32 $0x1B8E;
	s24 =	sld [smem:$0x3FFE];
	[sflag:s23] =	ssyncadd.s32 $0xFFFFFFFF  }
0xa5: {  	s26 =	simm.s32 $execute0_lowered;
	[smem:$0x3FD2] =	sst s25  }
0xa6: {  	s5 =	sshll.u32 s26, $0x1;
	_ =	strace $0x8000004F;
	[dreg:$0x1] =	wrdreg $0xFFFFFFFF  }
0xa7: {  	s28 =	simm.s32 $_size_execute0_lowered;
	s3 =	sadd.s32 s3, s5;
	[dreg:$0x0] =	wrdreg $0x0  }
0xa8: {  	s5 =	sshll.u32 s28, $0x1;
	[dreg:$0x2] =	wrdreg s3  }
0xa9: {  	[dreg:$0x3] =	wrdreg s5  }
0xaa: {  	[dreg:$0x4] =	wrdreg $0xC0  }
0xab: {  	_ =	task [dreg:s7], $0x5FFFF  }
0xac: {  	[dreg:$0x1] =	wrdreg $0xFFFFFFFF  }
0xad: {  	[dreg:$0x0] =	wrdreg $0x60  }
0xae: {  	[dreg:$0x2] =	wrdreg s2  }
0xaf: {  	[dreg:$0x3] =	wrdreg s24  }
0xb0: {  	[dreg:$0x4] =	wrdreg $0x146000  }
0xb1: {  	[dreg:$0x5] =	wrdreg $0x9  }
0xb2: {  	_ =	task.clear_ibuf [dreg:s7], $0x6FFFF;
	_ =	strace $0x9000004F  }
0xb3: {  	s29 =	simm.s32 $0x9;
	_ =	strace $0x80000051  }
0xb4: {  	_ =	swait.ge [sflag:s29], $0x1  }
0xb5: {  	[sflag:s29] =	ssyncadd.s32 $0xFFFFFFFF  }
0xb6: {  	_ =	strace $0x90000051  }
0xb7: {  	_ =	sfence  }
0xb8: {  	s30 =	sld [smem:$0x0];
	_ =	sdelay $0x2  }
0xb9: {  	s31 =	sshll.u32 s1, $0xD;
	s1 =	sshrl.u32 s1, $0x2  }
0xba: {  	s3 =	sand.u32 $0x4000, s31;
	s1 =	sadd.s32 s1, s30  }
0xbb: {  	s0 =	sor.u32 s3, s0;
	s1 =	sshll.u32 s1, $0x11  }
0xbc: {  	s0 =	sor.u32 s1, s0  }
0xbd: {  	s0 =	sadd.s32 $0x8F2B, s0  }
0xbe: {  	[sflag:s0] =	ssyncadd.remote.s32 $0x1  }
0xbf: {  	_ =	sfence.sel $0xFFFF  }
0xc0: {  	[dreg:$0x0] =	wrdreg $0xFFFFFFFF;
	(pc) =	sbr.abs _section_cstart, $3  }
0xc1: {  	[dreg:$0x1] =	wrdreg $0xFFFFFFFF  }
0xc2: {  	_ =	task.clear_ibuf [dreg:s7], $0x2FFFF;
	_ =	strace $0x9FFFFFFF  }
0xc3: {  	(tm) =	ssettm $0x7FFFFFFF  }
tec
execute0_lowered:
.L_overlay_start_1:
0x0: {  	(tag) =	ssettag $0x1  }
0x1: {  	s1 =	rddreg [dreg:$0x0]  }
0x2: {  	s6 =	rddreg [dreg:$0x1];
	s2 =	srdreg.scid  }
0x3: {  	s0 =	stileid.u32;
	s3 =	rddreg [dreg:$0x2]  }
0x4: {  	s4 =	simm.s32 $0x0;
	s14 =	simm.s32 $0x80;
	s15 =	simm.s32 $0x6800  }
0x5: {  	s16 =	simm.s32 $0xA800;
	s18 =	simm.s32 $0x8800;
	s19 =	simm.s32 $0x1  }
0x6: {  	s21 =	simm.s32 $0x2;
	s5 =	sand.u32 $0x1, s2;
	s2 =	rddreg [dreg:$0x3]  }
0x7: {  	s22 =	simm.s32 $0x0;
	s7 =	sshll.u32 s0, $0x1;
	[smem:$0x7FF] =	sst s4  }
0x8: {  	s9 =	sadd.s32 $0x32C00, s6;
	s11 =	smul.u32 $0x9E00, s0;
	s12 =	sadd.s32 $0x1F000, s6  }
0x9: {  	s7 =	sor.u32 s5, s7;
	_ =	strace $0x80000050;
	s8 =	ssub.s32 $0x2, s5  }
0xa: {  	p0 =	seq.s32 s5, $0x0;
	s5 =	simm.s32 $0x68;
	s7 =	smul.u32 $0x680, s7  }
0xb: {  	s10 =	sshrl.u32 s8, $0x1;
	s5 =	simm.s32 @!p0 $0x36;
	s12 =	smov.u32 @p0 s9  }
0xc: {  	s10 =	ssub.s32 s8, s10;
	s8 =	sadd.s32 s11, s3;
	s13 =	sshrl.u32 s5, $0x1  }
0xd: {  	s11 =	sshrl.u32 s11, $0x3;
	s7 =	sadd.s32 s7, s6;
	s9 =	smax.u32 s10, $0x1  }
0xe: {  	s10 =	sadd.s32 s12, s11;
	s11 =	sadd.s32 $0xFFFFFFFF, s13;
	s12 =	simm.s32 $0x3  }
0xf: {  	v0 =	vimm.f32 $0.0e+00;
	s13 =	simm.s32 $0x3400;
	s6 =	sadd.s32 $0x12000, s7;
	s7 =	sadd.s32 $0x5000, s7  }
.LBB2_1:
0x10: {  	[tilespmem:s4], [sflag:$0x3] =	stream.linear.gather [hbm4b:s6+s4], $0x3400, $0x38;
	[tilespmem:$0x1E400] =	vst v63  }
0x11: {  	_ =	swait.ge [sflag:s12], $0x3400  }
0x12: {  	[sflag:s12] =	ssyncset.done $0x0  }
0x13: {  	[sflag:s12] =	ssyncadd.s32 $0xFFFFCC00  }
0x14: {  	[tilespmem:s13], [sflag:$0x3] =	stream.linear.gather [hbm4b:s7+s4], $0x3400, $0x38;
	[tilespmem:$0x1E400] =	vst v63  }
0x15: {  	_ =	swait.ge [sflag:s12], $0x3400  }
0x16: {  	[sflag:s12] =	ssyncset.done $0x0  }
0x17: {  	s24 =	simm.s32 $0x100;
	s23 =	simm.s32 $0x0;
	[sflag:s12] =	ssyncadd.s32 $0xFFFFCC00  }
0x18: {  	[tilespmem:s15], [sflag:$0x1] =	stream.indirect.gather [hbm4b:s1+s14], $0x40, s4, s14, $0xb8;
	[tilespmem:$0x1E400] =	vst v63  }
.LBB2_2:
0x19: {  	p0 =	sne.s32 s24, $0x27700;
	[tilespmem:s23+$0xA830] =	vst v0;
	s25 =	smov.u32 s24;
	s24 =	sadd.s32 $0x100, s24  }
.Ltmp0:
0x1a: {  	[tilespmem:s23+$0xA820] =	vst v0;
	(pc) =	sbr.rel @p0 .LBB2_2-.Ltmp0, $3  }
0x1b: {  	[tilespmem:s23+$0xA800] =	vst v0  }
0x1c: {  	[tilespmem:s23+$0xA810] =	vst v0;
	_ =	sdelay $0x1  }
0x1d: {  	s23 =	sshra.s32 s25, $0x2  }
0x1e: {  	[tilespmem:s23+$0xA830] =	vst v0  }
0x1f: {  	[tilespmem:s23+$0xA820] =	vst v0  }
0x20: {  	[tilespmem:s23+$0xA800] =	vst v0  }
0x21: {  	[tilespmem:s23+$0xA810] =	vst v0;
	s26 =	sadd.s32 $0xFFFFFFFF, s11  }
0x22: {  	[spmem:s8] =	stream.linear.scatter [tilespmem:s16], [sflag:$0x3], $0x9E00, $0x38;
	[tilespmem:$0x1E400] =	vst v63  }
0x23: {  	p1 =	sne.s32 s26, $0x0  }
.Ltmp1:
0x24: {  	_ =	swait.ge [sflag:s12], $0x9E00;
	(pc) =	sbr.rel @!p1 .LBB2_7-.Ltmp1, $4  }
0x25: {  	[sflag:s12] =	ssyncset.done $0x0  }
0x26: {  	[sflag:s12] =	ssyncadd.s32 $0xFFFF6200  }
0x27: {  	s24 =	simm.s32 $0x100;
	[bflag:$0x0] =	sbarrier.arrive $0xFFFF  }
0x28: {  	s25 =	simm.s32 $0x2;
	s23 =	simm.s32 $0x3480;
	p0 =	por $0x0, $0x0  }
0x29: {  	s25 =	simm.s32 $0x80  }
0x2a: {  	[tilespmem:s18], [sflag:$0x2] =	stream.indirect.gather [hbm4b:s1+s14], $0x40, s25, s14, $0xb8;
	[tilespmem:$0x1E400] =	vst v63  }
0x2b: {  	_ =	swait.ge [sflag:s19], $0x2000  }
0x2c: {  	[sflag:s19] =	ssyncset.done $0x0  }
0x2d: {  	s31 =	simm.s32 $0x3400;
	[sflag:s19] =	ssyncadd.s32 $0xFFFFE000  }
0x2e: {  	[spmem:s3] =	stream.indirect.scatter.add.f32 [tilespmem:s15], [sflag:$0x3], $0x40, s31, s14, $0xb8;
	[tilespmem:$0x1E400] =	vst v63  }
0x2f: {  	_ =	swait.ge [sflag:s12], $0x2000  }
0x30: {  	p0 =	sle.u32 s5, $0x2;
	s26 =	sadd.s32 $0xFFFFFFFF, s26;
	[sflag:s12] =	ssyncset.done $0x0  }
0x31: {  	s25 =	simm.s32 @!p0 $0x80;
	s28 =	simm.s32 @!p0 $0x6800;
	[sflag:s12] =	ssyncadd.s32 $0xFFFFE000  }
0x32: {  	[tilespmem:s28], [sflag:$0x1] =	stream.indirect.gather @!p0 [hbm4b:s1+s25], $0x40, s24, s25, $0xb8;
	[tilespmem:$0x1E400] =	vst v63  }
0x33: {  	p1 =	sne.s32 s26, $0x0;
	_ =	swait.ge [sflag:s21], $0x2000  }
.Ltmp2:
0x34: {  	[sflag:s21] =	ssyncset.done $0x0;
	(pc) =	sbr.rel @!p1 .LBB2_7-.Ltmp2, $4  }
0x35: {  	[sflag:s21] =	ssyncadd.s32 $0xFFFFE000  }
0x36: {  	[spmem:s3] =	stream.indirect.scatter.add.f32 [tilespmem:s18], [sflag:$0x3], $0x40, s23, s14, $0xb8;
	[tilespmem:$0x1E400] =	vst v63  }
0x37: {  	s24 =	simm.s32 $0x200;
	s25 =	simm.s32 $0x4;
	_ =	swait.ge [sflag:s12], $0x2000  }
0x38: {  	p0 =	por $0x1, $0x1;
	s23 =	simm.s32 $0x3580;
	[sflag:s12] =	ssyncset.done $0x0  }
.LBB2_5:
0x39: {  	s26 =	sadd.s32 $0xFFFFFFFF, s26;
	s17 =	sadd.s32 $0xFFFFFF80, s24;
	[sflag:s12] =	ssyncadd.s32 $0xFFFFE000  }
0x3a: {  	[tilespmem:s18], [sflag:$0x2] =	stream.indirect.gather [hbm4b:s1+s14], $0x40, s17, s14, $0xb8;
	[tilespmem:$0x1E400] =	vst v63  }
0x3b: {  	p1 =	sne.s32 s26, $0x0;
	_ =	swait.ge [sflag:s19], $0x2000  }
0x3c: {  	[sflag:s19] =	ssyncset.done $0x0  }
0x3d: {  	s17 =	sadd.s32 $0xFFFFFF80, s23;
	[sflag:s19] =	ssyncadd.s32 $0xFFFFE000  }
0x3e: {  	[spmem:s3] =	stream.indirect.scatter.add.f32 [tilespmem:s15], [sflag:$0x3], $0x40, s17, s14, $0xb8;
	[tilespmem:$0x1E400] =	vst v63  }
0x3f: {  	_ =	swait.ge [sflag:s12], $0x2000  }
0x40: {  	p2 =	sge.u32 s25, s5;
	[sflag:s12] =	ssyncset.done $0x0  }
0x41: {  	s20 =	simm.s32 @!p2 $0x6800;
	s17 =	simm.s32 @!p2 $0x80;
	[sflag:s12] =	ssyncadd.s32 $0xFFFFE000  }
0x42: {  	[tilespmem:s20], [sflag:$0x1] =	stream.indirect.gather @!p2 [hbm4b:s1+s17], $0x40, s24, s17, $0xb8;
	[tilespmem:$0x1E400] =	vst v63  }
0x43: {  	_ =	swait.ge [sflag:s21], $0x2000  }
.Ltmp3:
0x44: {  	[sflag:s21] =	ssyncset.done $0x0;
	(pc) =	sbr.rel @p1 .LBB2_5-.Ltmp3, $4  }
0x45: {  	s25 =	sadd.s32 $0x2, s25;
	[sflag:s21] =	ssyncadd.s32 $0xFFFFE000  }
0x46: {  	[spmem:s3] =	stream.indirect.scatter.add.f32 [tilespmem:s18], [sflag:$0x3], $0x40, s23, s14, $0xb8;
	[tilespmem:$0x1E400] =	vst v63  }
0x47: {  	s17 =	sadd.s32 $0x100, s23;
	s20 =	sadd.s32 $0x100, s24;
	_ =	swait.ge [sflag:s12], $0x2000  }
0x48: {  	s24 =	smov.u32 s20;
	s23 =	smov.u32 s17;
	[sflag:s12] =	ssyncset.done $0x0  }
0x49: {  	s24 =	smov.u32 s20;
	s23 =	smov.u32 s17  }
.LBB2_7:
0x4a: {  	s26 =	sadd.s32 $0xFFFFFF80, s24;
	[sflag:s12] =	ssyncadd.s32 @p0 $0xFFFFE000  }
0x4b: {  	[tilespmem:s18], [sflag:$0x2] =	stream.indirect.gather [hbm4b:s1+s14], $0x40, s26, s14, $0xb8;
	[tilespmem:$0x1E400] =	vst v63  }
0x4c: {  	_ =	swait.ge [sflag:s19], $0x2000  }
0x4d: {  	[sflag:s19] =	ssyncset.done $0x0  }
0x4e: {  	s31 =	sadd.s32 $0xFFFFFF80, s23;
	[sflag:s19] =	ssyncadd.s32 $0xFFFFE000  }
0x4f: {  	[spmem:s3] =	stream.indirect.scatter.add.f32 [tilespmem:s15], [sflag:$0x3], $0x40, s31, s14, $0xb8;
	[tilespmem:$0x1E400] =	vst v63  }
0x50: {  	_ =	swait.ge [sflag:s12], $0x2000  }
0x51: {  	p0 =	sge.u32 s25, s5;
	[sflag:s12] =	ssyncset.done $0x0  }
0x52: {  	s26 =	simm.s32 @!p0 $0x80;
	s28 =	simm.s32 @!p0 $0x6800;
	[sflag:s12] =	ssyncadd.s32 $0xFFFFE000  }
0x53: {  	[tilespmem:s28], [sflag:$0x1] =	stream.indirect.gather @!p0 [hbm4b:s1+s26], $0x40, s24, s26, $0xb8;
	[tilespmem:$0x1E400] =	vst v63  }
0x54: {  	_ =	swait.ge [sflag:s21], $0x2000  }
0x55: {  	[sflag:s21] =	ssyncset.done $0x0  }
0x56: {  	[sflag:s21] =	ssyncadd.s32 $0xFFFFE000  }
0x57: {  	[spmem:s3] =	stream.indirect.scatter.add.f32 [tilespmem:s18], [sflag:$0x3], $0x40, s23, s14, $0xb8;
	[tilespmem:$0x1E400] =	vst v63  }
0x58: {  	_ =	swait.ge [sflag:s12], $0x2000  }
0x59: {  	[sflag:s12] =	ssyncset.done $0x0  }
0x5a: {  	s28 =	sadd.s32 $0x80, s20;
	[sflag:s12] =	ssyncadd.s32 $0xFFFFE000  }
0x5b: {  	[tilespmem:s18], [sflag:$0x2] =	stream.indirect.gather [hbm4b:s1+s14], $0x40, s28, s14, $0xb8;
	[tilespmem:$0x1E400] =	vst v63  }
0x5c: {  	_ =	swait.ge [sflag:s19], $0x2000  }
0x5d: {  	[sflag:s19] =	ssyncset.done $0x0  }
0x5e: {  	s29 =	sadd.s32 $0x80, s17;
	[sflag:s19] =	ssyncadd.s32 $0xFFFFE000  }
0x5f: {  	[spmem:s3] =	stream.indirect.scatter.add.f32 [tilespmem:s15], [sflag:$0x3], $0x40, s29, s14, $0xb8;
	[tilespmem:$0x1E400] =	vst v63  }
0x60: {  	s30 =	sadd.s32 $0x2, s25;
	_ =	swait.ge [sflag:s12], $0x2000  }
0x61: {  	s24 =	sadd.s32 $0x100, s24;
	p0 =	sge.u32 s30, s5;
	[sflag:s12] =	ssyncset.done $0x0  }
0x62: {  	s25 =	simm.s32 @!p0 $0x80;
	s26 =	simm.s32 @!p0 $0x6800;
	[sflag:s12] =	ssyncadd.s32 $0xFFFFE000  }
0x63: {  	[tilespmem:s26], [sflag:$0x1] =	stream.indirect.gather @!p0 [hbm4b:s1+s25], $0x40, s24, s25, $0xb8;
	[tilespmem:$0x1E400] =	vst v63  }
0x64: {  	_ =	swait.ge [sflag:s21], $0x2000  }
0x65: {  	[sflag:s21] =	ssyncset.done $0x0  }
0x66: {  	s31 =	sadd.s32 $0x100, s23;
	[sflag:s21] =	ssyncadd.s32 $0xFFFFE000  }
0x67: {  	[spmem:s3] =	stream.indirect.scatter.add.f32 [tilespmem:s18], [sflag:$0x3], $0x40, s31, s14, $0xb8;
	[tilespmem:$0x1E400] =	vst v63  }
0x68: {  	_ =	swait.ge [sflag:s12], $0x2000  }
0x69: {  	[sflag:s12] =	ssyncset.done $0x0  }
0x6a: {  	[sflag:s12] =	ssyncadd.s32 $0xFFFFE000  }
0x6b: {  	[bflag:$0x0] =	sbarrier.arrive $0xFFFF  }
0x6c: {  	[tilespmem:s16], [sflag:$0x3] =	stream.linear.gather [spmem:s8], $0x9E00, $0x38;
	[tilespmem:$0x1E400] =	vst v63  }
0x6d: {  	s22 =	sadd.s32 $0x1, s22;
	_ =	swait.ge [sflag:s12], $0x9E00  }
0x6e: {  	p0 =	sne.s32 s22, s9;
	[sflag:s12] =	ssyncset.done $0x0  }
.Ltmp4:
0x6f: {  	[sflag:s12] =	ssyncadd.s32 $0xFFFF6200;
	(pc) =	sbr.rel @p0 .LBB2_1-.Ltmp4, $4  }
0x70: {  	[hbm4b:s10+s4] =	stream.linear.scatter [tilespmem:s16], [sflag:$0x3], $0x9E00, $0x38;
	[tilespmem:$0x1E400] =	vst v63  }
0x71: {  	_ =	swait.ge [sflag:s12], $0x9E00  }
0x72: {  	[sflag:s12] =	ssyncset.done $0x0  }
0x73: {  	[sflag:s12] =	ssyncadd.s32 $0xFFFF6200  }
0x74: {  	_ =	sfence.sel $0x180000  }
0x75: {  	[bflag:$0x0] =	sbarrier.arrive $0xFFFF  }
0x76: {  	p0 =	sne.s32 s0, $0x0;
	_ =	strace $0x90000050  }
0x77: {  	s0 =	sadd.s32 @!p0 $0x100000, s2;
	[bflag:$0x2] =	sbarrier.arrive $0xFFFF  }
0x78: {  	[sflag:s0] =	ssyncadd.tile.s32 @!p0 $0x1;
	_ =	shalt  }
.Lfunc_end2:
_tile_overlayer_lowered:
.L_overlay_start_2:
0x79: {  	(tag) =	ssettag $0x2  }
0x7a: {  	s0 =	rddreg [dreg:$0x0];
	s2 =	stileid.u32  }
0x7b: {  	s1 =	rddreg [dreg:$0x1];
	p0 =	sne.s32 s2, $0x0  }
0x7c: {  	s3 =	rddreg [dreg:$0x2];
	[bflag:$0x3] =	sbarrier.arrive $0xFFFF;
	s2 =	simm.s32 @!p0 $0x1C03  }
0x7d: {  	[timem:s3], [sflag:s2] =	dma.local @!p0 [hbm:s0], s1  }
0x7e: {  	s0 =	simm.s32 @!p0 $0x3  }
0x7f: {  	_ =	swait.ge @!p0 [sflag:s0], s1  }
0x80: {  	s1 =	ssub.s32 @!p0 $0x0, s1;
	[sflag:s0] =	ssyncset.done @!p0 $0x0  }
0x81: {  	[sflag:s0] =	ssyncadd.s32 @!p0 s1  }
0x82: {  	[bflag:$0x3] =	sbarrier.arrive $0xFFFF  }
0x83: {  	_ =	shalt  }

</sc_bundles>
